<compile_context>
chip_gen: v7x
topology: tpu7x:2x2x1
jax: 0.10.2.dev20260603
libtpu: 0.0.44.dev20260713+nightly
codegen_flags: <defaults>
</compile_context>

<pallas_src>
import jax
import jax.numpy as jnp
from jax import lax
from jax.experimental import pallas as pl
from jax.experimental.pallas import tpu as pltpu
from jax.experimental.pallas import tpu_sc as plsc

N = 50000
E = 1_600_000
NPAD = 50176
NROWS2D = 392
THETA0 = 1.0
BETA = 1.8
ALPHA = 0.9
RHO = 0.99
SLOPE = 10.0

NC = 2
NS = 16
L = 16

CHUNK = 5120
NSTEP = CHUNK // L
U = 8
NCHUNKS = (E + CHUNK - 1) // CHUNK
TAIL_K = NCHUNKS - 1
TAIL_EDGES = E - TAIL_K * CHUNK
TAIL_J0 = (CHUNK - TAIL_EDGES) // (L * U)
TPC = (NCHUNKS + NS - 1) // NS
TPC2 = (TPC + 1) // 2


def _edge_pass(src_hbm, dst_hbm, w_hbm, table, table_src, acc, bufs, sems,
               sid):
    (src0, dst0, w0), (src1, dst1, w1) = bufs
    semA, semB = sems

    def issue(k, sb, db, wb, sem):
        @pl.when(k < NCHUNKS)
        def _():
            off = jnp.where(k == TAIL_K, E - CHUNK, k * CHUNK)
            pltpu.async_copy(src_hbm.at[pl.ds(off, CHUNK)], sb, sem)
            pltpu.async_copy(dst_hbm.at[pl.ds(off, CHUNK)], db, sem)
            pltpu.async_copy(w_hbm.at[pl.ds(off, CHUNK)], wb, sem)

    def wait3(k, sb, db, wb, sem):
        @pl.when(k < NCHUNKS)
        def _():
            pltpu.make_async_copy(src_hbm.at[pl.ds(0, CHUNK)], sb, sem).wait()
            pltpu.make_async_copy(dst_hbm.at[pl.ds(0, CHUNK)], db, sem).wait()
            pltpu.make_async_copy(w_hbm.at[pl.ds(0, CHUNK)], wb, sem).wait()

    def compute(k, sb, db, wb):
        @pl.when(k < NCHUNKS)
        def _():
            j0 = jnp.where(k == TAIL_K, TAIL_J0, 0)

            def step(jj, c):
                sls = [pl.ds(jj * (U * L) + u * L, L) for u in range(U)]
                svs = [sb[sl] for sl in sls]
                dvs = [db[sl] for sl in sls]
                wvs = [wb[sl] for sl in sls]
                xvs = [plsc.load_gather(table, [sv]) for sv in svs]
                cvs = [w * x for w, x in zip(wvs, xvs)]
                for dv, cv in zip(dvs, cvs):
                    row = lax.shift_right_logical(dv, 7)
                    col = lax.bitwise_and(dv, 127)
                    plsc.addupdate_scatter(acc, [row, col], cv)
                return c

            lax.fori_loop(j0, NSTEP // U, step, 0)

    issue(sid, src0, dst0, w0, semA)
    pltpu.make_async_copy(table_src, table, semB).wait()

    def body(t, c):
        kA = sid + (2 * t) * NS
        kB = sid + (2 * t + 1) * NS
        wait3(kA, src0, dst0, w0, semA)
        issue(kB, src1, dst1, w1, semB)
        compute(kA, src0, dst0, w0)
        wait3(kB, src1, dst1, w1, semB)

        @pl.when(t + 1 < TPC2)
        def _():
            issue(sid + (2 * t + 2) * NS, src0, dst0, w0, semA)

        compute(kB, src1, dst1, w1)
        return c

    lax.fori_loop(0, TPC2, body, 0)


def _sc_body(edges_i, w_i, edges_f, w_f, xprev, ffin, *refs):
    outs = refs[:NC * NS]
    (table, acc, src0, dst0, w0, src1, dst1, w1, semA, semB) = refs[NC * NS:]
    cid = lax.axis_index("c")
    sid = lax.axis_index("s")

    @pl.when(cid == 0)
    def _():
        pltpu.async_copy(xprev, table, semB)

    @pl.when(cid == 1)
    def _():
        pltpu.async_copy(ffin, table, semB)

    with jax.named_scope("acc_zero"):
        z = jnp.zeros((L,), jnp.float32)

        def zbody(i, c):
            for u in range(128 // L):
                acc[i, pl.ds(u * L, L)] = z
            return c

        lax.fori_loop(0, NROWS2D, zbody, 0)

    bufs = ((src0, dst0, w0), (src1, dst1, w1))
    sems = (semA, semB)

    with jax.named_scope("edge_pass"):
        @pl.when(cid == 0)
        def _():
            _edge_pass(edges_i.at[0], edges_i.at[1], w_i, table, xprev,
                       acc, bufs, sems, sid)

        @pl.when(cid == 1)
        def _():
            _edge_pass(edges_f.at[0], edges_f.at[1], w_f, table, ffin,
                       acc, bufs, sems, sid)

    for c in range(NC):
        for s in range(NS):
            @pl.when((cid == c) & (sid == s))
            def _(c=c, s=s):
                pltpu.sync_copy(acc, outs[c * NS + s])


_sc_currents = pl.kernel(
    _sc_body,
    out_type=tuple(jax.ShapeDtypeStruct((NROWS2D, 128), jnp.float32)
                   for _ in range(NC * NS)),
    mesh=plsc.VectorSubcoreMesh(core_axis_name="c", subcore_axis_name="s",
                                num_cores=NC, num_subcores=NS),
    scratch_types=[
        pltpu.VMEM((N,), jnp.float32),
        pltpu.VMEM((NROWS2D, 128), jnp.float32),
        pltpu.VMEM((CHUNK,), jnp.int32),
        pltpu.VMEM((CHUNK,), jnp.int32),
        pltpu.VMEM((CHUNK,), jnp.float32),
        pltpu.VMEM((CHUNK,), jnp.int32),
        pltpu.VMEM((CHUNK,), jnp.int32),
        pltpu.VMEM((CHUNK,), jnp.float32),
        pltpu.SemaphoreType.DMA,
        pltpu.SemaphoreType.DMA,
    ],
    compiler_params=pltpu.CompilerParams(needs_layout_passes=False),
)


def _tc_body(*refs):
    v_ref, b_ref = refs[0], refs[1]
    p_refs = refs[2:2 + NC * NS]
    x_ref, vn_ref, bn_ref = refs[2 + NC * NS:]
    v = v_ref[...]
    b = b_ref[...]
    thr = THETA0 + BETA * b
    x = jax.nn.sigmoid(SLOPE * (v - thr))
    cur = p_refs[0][...]
    for p in p_refs[1:]:
        cur = cur + p[...]
    x_ref[...] = x
    vn_ref[...] = ALPHA * v * (1.0 - x) + cur
    bn_ref[...] = RHO * b + (1.0 - RHO) * x


_tc_update = pl.pallas_call(
    _tc_body,
    out_shape=[
        jax.ShapeDtypeStruct((NROWS2D, 128), jnp.float32),
        jax.ShapeDtypeStruct((NROWS2D, 128), jnp.float32),
        jax.ShapeDtypeStruct((NROWS2D, 128), jnp.float32),
    ],
)


def kernel(FF, V, b_adapt, X_prev, w_int, w_ff, edge_index_int,
           edge_index_ff):
    parts_list = _sc_currents(edge_index_int, w_int, edge_index_ff,
                              w_ff, X_prev, FF)
    pad = NPAD - N
    v2 = jnp.pad(V, (0, pad)).reshape(NROWS2D, 128)
    b2 = jnp.pad(b_adapt, (0, pad)).reshape(NROWS2D, 128)
    x2, vn2, bn2 = _tc_update(v2, b2, *parts_list)
    X = x2.reshape(-1)[:N]
    V_new = vn2.reshape(-1)[:N]
    b_new = bn2.reshape(-1)[:N]
    return (X, V_new, b_new)

# --- scband reference (transcript-rebuilt; emitter-appended) ---
"""Pipeline reference for scband-snn-31009663877469 (READ-ONLY COPY).

The authoritative reference and input builder live on the scoring server;
editing this copy changes nothing except your own understanding.
"""

import jax, jax.numpy as jnp
import numpy as np

N = 50000
E = 1600000
THETA0 = 1.0
BETA = 1.8
ALPHA = 0.9
RHO = 0.99
SLOPE = 10.0


def setup_inputs(seed: int = 0) -> dict:
    key = jax.random.key(seed)
    ks = jax.random.split(key, 8)
    FF = jax.random.uniform(ks[0], (N,), dtype=jnp.float32)
    V = jax.random.normal(ks[1], (N,), dtype=jnp.float32)
    b_adapt = jax.random.uniform(ks[2], (N,), dtype=jnp.float32)
    X_prev = jax.random.uniform(ks[3], (N,), dtype=jnp.float32)
    w_int = jax.random.normal(ks[4], (E,), dtype=jnp.float32) * 0.1
    w_ff = jax.random.normal(ks[5], (E,), dtype=jnp.float32) * 0.1
    edge_index_int = jax.random.randint(ks[6], (2, E), 0, N, dtype=jnp.int32)
    edge_index_ff = jax.random.randint(ks[7], (2, E), 0, N, dtype=jnp.int32)
    return {
        "FF": FF,
        "V": V,
        "b_adapt": b_adapt,
        "X_prev": X_prev,
        "w_int": w_int,
        "w_ff": w_ff,
        "edge_index_int": edge_index_int,
        "edge_index_ff": edge_index_ff,
    }


def reference(FF, V, b_adapt, X_prev, w_int, w_ff, edge_index_int, edge_index_ff):
    # One SNN step: ALIF spike generation -> delta synapses (recurrent + FF) -> membrane update.
    n = V.shape[0]
    # ALIFSpikes: adaptive threshold, surrogate (sigmoid) spike function
    thr = THETA0 + BETA * b_adapt
    X = jax.nn.sigmoid(SLOPE * (V - thr))
    # Delayed spikes used by the recurrent (internal) synapses
    Xd = X_prev
    # DeltaSynapse (internal): gather presynaptic spikes over edges, weight, scatter-add to dst
    src_i = edge_index_int[0]
    dst_i = edge_index_int[1]
    I_int = jax.ops.segment_sum(w_int * jnp.take(Xd, src_i), dst_i, num_segments=n)
    # DeltaSynapse (feedforward): same pattern driven by FF input spikes
    src_f = edge_index_ff[0]
    dst_f = edge_index_ff[1]
    I_ff = jax.ops.segment_sum(w_ff * jnp.take(FF, src_f), dst_f, num_segments=n)
    current = I_int + I_ff
    # Membrane: leaky integration with spike-driven reset
    V_new = ALPHA * V * (1.0 - X) + current
    # ALIF adaptation variable update
    b_new = RHO * b_adapt + (1.0 - RHO) * X
    return (X, V_new, b_new)

if __name__ == "__main__":
    import jax
    _d = setup_inputs()
    print(jax.jit(kernel)(*tuple(_d.values())))

</pallas_src>

<mosaic_0001>
#map = affine_map<(d0, d1) -> (0, 0)>
#map1 = affine_map<(d0, d1) -> (0)>
module attributes {stable_mosaic.version = 14 : i64} {
  func.func @_sc_body(%arg0: i32, %arg1: i32, %arg2: memref<2x1600000xi32, #tpu.memory_space<hbm>>, %arg3: memref<1600000xf32, #tpu.memory_space<hbm>>, %arg4: memref<2x1600000xi32, #tpu.memory_space<hbm>>, %arg5: memref<1600000xf32, #tpu.memory_space<hbm>>, %arg6: memref<50000xf32, #tpu.memory_space<hbm>>, %arg7: memref<50000xf32, #tpu.memory_space<hbm>>, %arg8: memref<392x128xf32, #tpu.memory_space<hbm>>, %arg9: memref<392x128xf32, #tpu.memory_space<hbm>>, %arg10: memref<392x128xf32, #tpu.memory_space<hbm>>, %arg11: memref<392x128xf32, #tpu.memory_space<hbm>>, %arg12: memref<392x128xf32, #tpu.memory_space<hbm>>, %arg13: memref<392x128xf32, #tpu.memory_space<hbm>>, %arg14: memref<392x128xf32, #tpu.memory_space<hbm>>, %arg15: memref<392x128xf32, #tpu.memory_space<hbm>>, %arg16: memref<392x128xf32, #tpu.memory_space<hbm>>, %arg17: memref<392x128xf32, #tpu.memory_space<hbm>>, %arg18: memref<392x128xf32, #tpu.memory_space<hbm>>, %arg19: memref<392x128xf32, #tpu.memory_space<hbm>>, %arg20: memref<392x128xf32, #tpu.memory_space<hbm>>, %arg21: memref<392x128xf32, #tpu.memory_space<hbm>>, %arg22: memref<392x128xf32, #tpu.memory_space<hbm>>, %arg23: memref<392x128xf32, #tpu.memory_space<hbm>>, %arg24: memref<392x128xf32, #tpu.memory_space<hbm>>, %arg25: memref<392x128xf32, #tpu.memory_space<hbm>>, %arg26: memref<392x128xf32, #tpu.memory_space<hbm>>, %arg27: memref<392x128xf32, #tpu.memory_space<hbm>>, %arg28: memref<392x128xf32, #tpu.memory_space<hbm>>, %arg29: memref<392x128xf32, #tpu.memory_space<hbm>>, %arg30: memref<392x128xf32, #tpu.memory_space<hbm>>, %arg31: memref<392x128xf32, #tpu.memory_space<hbm>>, %arg32: memref<392x128xf32, #tpu.memory_space<hbm>>, %arg33: memref<392x128xf32, #tpu.memory_space<hbm>>, %arg34: memref<392x128xf32, #tpu.memory_space<hbm>>, %arg35: memref<392x128xf32, #tpu.memory_space<hbm>>, %arg36: memref<392x128xf32, #tpu.memory_space<hbm>>, %arg37: memref<392x128xf32, #tpu.memory_space<hbm>>, %arg38: memref<392x128xf32, #tpu.memory_space<hbm>>, %arg39: memref<392x128xf32, #tpu.memory_space<hbm>>, %arg40: memref<50000xf32, #tpu.memory_space<vmem>>, %arg41: memref<392x128xf32, #tpu.memory_space<vmem>>, %arg42: memref<5120xi32, #tpu.memory_space<vmem>>, %arg43: memref<5120xi32, #tpu.memory_space<vmem>>, %arg44: memref<5120xf32, #tpu.memory_space<vmem>>, %arg45: memref<5120xi32, #tpu.memory_space<vmem>>, %arg46: memref<5120xi32, #tpu.memory_space<vmem>>, %arg47: memref<5120xf32, #tpu.memory_space<vmem>>, %arg48: memref<!tpu.dma_semaphore, #tpu.memory_space<semaphore_mem>>, %arg49: memref<!tpu.dma_semaphore, #tpu.memory_space<semaphore_mem>>) attributes {dimension_semantics = [#tpu.dimension_semantics<core_parallel>, #tpu.dimension_semantics<subcore_parallel>], iteration_bounds = array<i64: 2, 16>, scalar_prefetch = 0 : i64, scratch_operands = 10 : i64, tpu.core_type = #tpu.core_type<sc_vector_subcore>, window_params = [{transform_indices = #map}, {transform_indices = #map1}, {transform_indices = #map}, {transform_indices = #map1}, {transform_indices = #map1}, {transform_indices = #map1}, {transform_indices = #map}, {transform_indices = #map}, {transform_indices = #map}, {transform_indices = #map}, {transform_indices = #map}, {transform_indices = #map}, {transform_indices = #map}, {transform_indices = #map}, {transform_indices = #map}, {transform_indices = #map}, {transform_indices = #map}, {transform_indices = #map}, {transform_indices = #map}, {transform_indices = #map}, {transform_indices = #map}, {transform_indices = #map}, {transform_indices = #map}, {transform_indices = #map}, {transform_indices = #map}, {transform_indices = #map}, {transform_indices = #map}, {transform_indices = #map}, {transform_indices = #map}, {transform_indices = #map}, {transform_indices = #map}, {transform_indices = #map}, {transform_indices = #map}, {transform_indices = #map}, {transform_indices = #map}, {transform_indices = #map}, {transform_indices = #map}, {transform_indices = #map}]} {
    %eq3A = arith.constant 0 : i32
    %eq3A_0 = arith.cmpi eq, %arg0, %eq3A : i32
    %convert_element_type3A = arith.extui %eq3A_0 : i1 to i32
    %cond3A = arith.constant 0 : i32
    %cond3A_1 = arith.cmpi ne, %convert_element_type3A, %cond3A : i32
    scf.if %cond3A_1 {
      tpu.enqueue_dma source(%arg6 : memref<50000xf32, #tpu.memory_space<hbm>>) target(%arg40 : memref<50000xf32, #tpu.memory_space<vmem>>) target_semaphore(%arg49 : memref<!tpu.dma_semaphore, #tpu.memory_space<semaphore_mem>>)
    } else {
    }
    %eq3A_2 = arith.constant 1 : i32
    %eq3A_3 = arith.cmpi eq, %arg0, %eq3A_2 : i32
    %convert_element_type3A_4 = arith.extui %eq3A_3 : i1 to i32
    %cond3A_5 = arith.constant 0 : i32
    %cond3A_6 = arith.cmpi ne, %convert_element_type3A_4, %cond3A_5 : i32
    scf.if %cond3A_6 {
      tpu.enqueue_dma source(%arg7 : memref<50000xf32, #tpu.memory_space<hbm>>) target(%arg40 : memref<50000xf32, #tpu.memory_space<vmem>>) target_semaphore(%arg49 : memref<!tpu.dma_semaphore, #tpu.memory_space<semaphore_mem>>)
    } else {
    }
    %broadcast_in_dim3A = arith.constant 0.000000e+00 : f32
    "tpu.trace_start"() <{level = 10 : i32, message = "acc_zero"}> : () -> ()
    %broadcast_in_dim3A_7 = vector.broadcast %broadcast_in_dim3A : f32 to vector<16xf32>
    %scan3A = arith.constant 0 : i32
    %scan3A_8 = arith.constant 0 : i32
    %scan3A_9 = arith.constant 392 : i32
    %scan3A_10 = arith.addi %scan3A_8, %scan3A_9 : i32
    %scan3A_11 = arith.constant 1 : i32
    scf.for %scan3A_278 = %scan3A_8 to %scan3A_10 step %scan3A_11  : i32 {
      %swap3A = arith.index_cast %scan3A_278 : i32 to index
      %swap3A_279 = arith.constant 0 : index
      %swap3A_280 = tpu.vector_load %arg41[%swap3A, %swap3A_279] {strides = array<i32>} : memref<392x128xf32, #tpu.memory_space<vmem>>, vector<16xf32>,
      tpu.vector_store %arg41[%swap3A, %swap3A_279], %broadcast_in_dim3A_7 {strides = array<i32>} : memref<392x128xf32, #tpu.memory_space<vmem>>, vector<16xf32>,
      %swap3A_281 = arith.index_cast %scan3A_278 : i32 to index
      %swap3A_282 = arith.constant 16 : index
      %swap3A_283 = tpu.vector_load %arg41[%swap3A_281, %swap3A_282] {strides = array<i32>} : memref<392x128xf32, #tpu.memory_space<vmem>>, vector<16xf32>,
      tpu.vector_store %arg41[%swap3A_281, %swap3A_282], %broadcast_in_dim3A_7 {strides = array<i32>} : memref<392x128xf32, #tpu.memory_space<vmem>>, vector<16xf32>,
      %swap3A_284 = arith.index_cast %scan3A_278 : i32 to index
      %swap3A_285 = arith.constant 32 : index
      %swap3A_286 = tpu.vector_load %arg41[%swap3A_284, %swap3A_285] {strides = array<i32>} : memref<392x128xf32, #tpu.memory_space<vmem>>, vector<16xf32>,
      tpu.vector_store %arg41[%swap3A_284, %swap3A_285], %broadcast_in_dim3A_7 {strides = array<i32>} : memref<392x128xf32, #tpu.memory_space<vmem>>, vector<16xf32>,
      %swap3A_287 = arith.index_cast %scan3A_278 : i32 to index
      %swap3A_288 = arith.constant 48 : index
      %swap3A_289 = tpu.vector_load %arg41[%swap3A_287, %swap3A_288] {strides = array<i32>} : memref<392x128xf32, #tpu.memory_space<vmem>>, vector<16xf32>,
      tpu.vector_store %arg41[%swap3A_287, %swap3A_288], %broadcast_in_dim3A_7 {strides = array<i32>} : memref<392x128xf32, #tpu.memory_space<vmem>>, vector<16xf32>,
      %swap3A_290 = arith.index_cast %scan3A_278 : i32 to index
      %swap3A_291 = arith.constant 64 : index
      %swap3A_292 = tpu.vector_load %arg41[%swap3A_290, %swap3A_291] {strides = array<i32>} : memref<392x128xf32, #tpu.memory_space<vmem>>, vector<16xf32>,
      tpu.vector_store %arg41[%swap3A_290, %swap3A_291], %broadcast_in_dim3A_7 {strides = array<i32>} : memref<392x128xf32, #tpu.memory_space<vmem>>, vector<16xf32>,
      %swap3A_293 = arith.index_cast %scan3A_278 : i32 to index
      %swap3A_294 = arith.constant 80 : index
      %swap3A_295 = tpu.vector_load %arg41[%swap3A_293, %swap3A_294] {strides = array<i32>} : memref<392x128xf32, #tpu.memory_space<vmem>>, vector<16xf32>,
      tpu.vector_store %arg41[%swap3A_293, %swap3A_294], %broadcast_in_dim3A_7 {strides = array<i32>} : memref<392x128xf32, #tpu.memory_space<vmem>>, vector<16xf32>,
      %swap3A_296 = arith.index_cast %scan3A_278 : i32 to index
      %swap3A_297 = arith.constant 96 : index
      %swap3A_298 = tpu.vector_load %arg41[%swap3A_296, %swap3A_297] {strides = array<i32>} : memref<392x128xf32, #tpu.memory_space<vmem>>, vector<16xf32>,
      tpu.vector_store %arg41[%swap3A_296, %swap3A_297], %broadcast_in_dim3A_7 {strides = array<i32>} : memref<392x128xf32, #tpu.memory_space<vmem>>, vector<16xf32>,
      %swap3A_299 = arith.index_cast %scan3A_278 : i32 to index
      %swap3A_300 = arith.constant 112 : index
      %swap3A_301 = tpu.vector_load %arg41[%swap3A_299, %swap3A_300] {strides = array<i32>} : memref<392x128xf32, #tpu.memory_space<vmem>>, vector<16xf32>,
      tpu.vector_store %arg41[%swap3A_299, %swap3A_300], %broadcast_in_dim3A_7 {strides = array<i32>} : memref<392x128xf32, #tpu.memory_space<vmem>>, vector<16xf32>,
    }
    %scan3A_12 = arith.constant 392 : i32
    %eq3A_13 = arith.constant 0 : i32
    "tpu.trace_stop"() : () -> ()
    "tpu.trace_start"() <{level = 10 : i32, message = "edge_pass"}> : () -> ()
    %eq3A_14 = arith.cmpi eq, %arg0, %eq3A_13 : i32
    %convert_element_type3A_15 = arith.extui %eq3A_14 : i1 to i32
    %cond3A_16 = arith.constant 0 : i32
    %cond3A_17 = arith.cmpi ne, %convert_element_type3A_15, %cond3A_16 : i32
    scf.if %cond3A_17 {
      %lt3A = arith.constant 313 : i32
      %lt3A_278 = arith.cmpi slt, %arg1, %lt3A : i32
      %convert_element_type3A_279 = arith.extui %lt3A_278 : i1 to i32
      %cond3A_280 = arith.constant 0 : i32
      %cond3A_281 = arith.constant 1 : i32
      %cond3A_282 = arith.constant 0 : i32
      %cond3A_283 = arith.cmpi ne, %convert_element_type3A_279, %cond3A_282 : i32
      scf.if %cond3A_283 {
        %eq3A_292 = arith.constant 312 : i32
        %eq3A_293 = arith.cmpi eq, %arg1, %eq3A_292 : i32
        %mul3A = arith.constant 5120 : i32
        %mul3A_294 = arith.muli %arg1, %mul3A : i32
        %jit3A = arith.constant 1594880 : i32
        %select_n3A = arith.select %eq3A_293, %jit3A, %mul3A_294 : i32
        %dma_start3A = arith.constant 0 : i32
        %dma_start3A_295 = tpu.memref_slice %arg2[%cond3A_280, %dma_start3A] : memref<2x1600000xi32, #tpu.memory_space<hbm>> -> memref<1x1600000xi32, #tpu.memory_space<hbm>>
        %dma_start3A_296 = tpu.memref_squeeze %dma_start3A_295 : memref<1x1600000xi32, #tpu.memory_space<hbm>> -> memref<1600000xi32, #tpu.memory_space<hbm>>
        %dma_start3A_297 = tpu.memref_slice %dma_start3A_296[%select_n3A] : memref<1600000xi32, #tpu.memory_space<hbm>> -> memref<5120xi32, #tpu.memory_space<hbm>>
        %dma_start3A_298 = arith.constant 0 : i32
        %dma_start3A_299 = tpu.memref_slice %arg2[%cond3A_280, %dma_start3A_298] : memref<2x1600000xi32, #tpu.memory_space<hbm>> -> memref<1x1600000xi32, #tpu.memory_space<hbm>>
        %dma_start3A_300 = tpu.memref_squeeze %dma_start3A_299 : memref<1x1600000xi32, #tpu.memory_space<hbm>> -> memref<1600000xi32, #tpu.memory_space<hbm>>
        %dma_start3A_301 = tpu.memref_slice %dma_start3A_300[%select_n3A] : memref<1600000xi32, #tpu.memory_space<hbm>> -> memref<5120xi32, #tpu.memory_space<hbm>>
        tpu.enqueue_dma source(%dma_start3A_301 : memref<5120xi32, #tpu.memory_space<hbm>>) target(%arg42 : memref<5120xi32, #tpu.memory_space<vmem>>) target_semaphore(%arg48 : memref<!tpu.dma_semaphore, #tpu.memory_space<semaphore_mem>>)
        %dma_start3A_302 = arith.constant 0 : i32
        %dma_start3A_303 = tpu.memref_slice %arg2[%cond3A_281, %dma_start3A_302] : memref<2x1600000xi32, #tpu.memory_space<hbm>> -> memref<1x1600000xi32, #tpu.memory_space<hbm>>
        %dma_start3A_304 = tpu.memref_squeeze %dma_start3A_303 : memref<1x1600000xi32, #tpu.memory_space<hbm>> -> memref<1600000xi32, #tpu.memory_space<hbm>>
        %dma_start3A_305 = tpu.memref_slice %dma_start3A_304[%select_n3A] : memref<1600000xi32, #tpu.memory_space<hbm>> -> memref<5120xi32, #tpu.memory_space<hbm>>
        %dma_start3A_306 = arith.constant 0 : i32
        %dma_start3A_307 = tpu.memref_slice %arg2[%cond3A_281, %dma_start3A_306] : memref<2x1600000xi32, #tpu.memory_space<hbm>> -> memref<1x1600000xi32, #tpu.memory_space<hbm>>
        %dma_start3A_308 = tpu.memref_squeeze %dma_start3A_307 : memref<1x1600000xi32, #tpu.memory_space<hbm>> -> memref<1600000xi32, #tpu.memory_space<hbm>>
        %dma_start3A_309 = tpu.memref_slice %dma_start3A_308[%select_n3A] : memref<1600000xi32, #tpu.memory_space<hbm>> -> memref<5120xi32, #tpu.memory_space<hbm>>
        tpu.enqueue_dma source(%dma_start3A_309 : memref<5120xi32, #tpu.memory_space<hbm>>) target(%arg43 : memref<5120xi32, #tpu.memory_space<vmem>>) target_semaphore(%arg48 : memref<!tpu.dma_semaphore, #tpu.memory_space<semaphore_mem>>)
        %dma_start3A_310 = tpu.memref_slice %arg3[%select_n3A] : memref<1600000xf32, #tpu.memory_space<hbm>> -> memref<5120xf32, #tpu.memory_space<hbm>>
        %dma_start3A_311 = tpu.memref_slice %arg3[%select_n3A] : memref<1600000xf32, #tpu.memory_space<hbm>> -> memref<5120xf32, #tpu.memory_space<hbm>>
        tpu.enqueue_dma source(%dma_start3A_311 : memref<5120xf32, #tpu.memory_space<hbm>>) target(%arg44 : memref<5120xf32, #tpu.memory_space<vmem>>) target_semaphore(%arg48 : memref<!tpu.dma_semaphore, #tpu.memory_space<semaphore_mem>>)
      } else {
      }
      tpu.wait_dma2 semaphore(%arg49 : memref<!tpu.dma_semaphore, #tpu.memory_space<semaphore_mem>>) src(%arg6 : memref<50000xf32, #tpu.memory_space<hbm>>) dst(%arg40 : memref<50000xf32, #tpu.memory_space<vmem>>)
      %scan3A_284 = arith.constant 0 : i32
      %scan3A_285 = arith.constant 0 : i32
      %scan3A_286 = arith.constant 1 : i32
      %scan3A_287 = arith.constant 0 : i32
      %scan3A_288 = arith.constant 10 : i32
      %scan3A_289 = arith.addi %scan3A_287, %scan3A_288 : i32
      %scan3A_290 = arith.constant 1 : i32
      scf.for %scan3A_292 = %scan3A_287 to %scan3A_289 step %scan3A_290  : i32 {
        %mul3A = arith.constant 2 : i32
        %mul3A_293 = arith.muli %mul3A, %scan3A_292 : i32
        %mul3A_294 = arith.constant 16 : i32
        %mul3A_295 = arith.muli %mul3A_293, %mul3A_294 : i32
        %add3A = arith.addi %arg1, %mul3A_295 : i32
        %mul3A_296 = arith.constant 2 : i32
        %mul3A_297 = arith.muli %mul3A_296, %scan3A_292 : i32
        %add3A_298 = arith.constant 1 : i32
        %add3A_299 = arith.addi %mul3A_297, %add3A_298 : i32
        %mul3A_300 = arith.constant 16 : i32
        %mul3A_301 = arith.muli %add3A_299, %mul3A_300 : i32
        %add3A_302 = arith.addi %arg1, %mul3A_301 : i32
        %lt3A_303 = arith.constant 313 : i32
        %lt3A_304 = arith.cmpi slt, %add3A, %lt3A_303 : i32
        %convert_element_type3A_305 = arith.extui %lt3A_304 : i1 to i32
        %cond3A_306 = arith.constant 0 : i32
        %cond3A_307 = arith.cmpi ne, %convert_element_type3A_305, %cond3A_306 : i32
        scf.if %cond3A_307 {
          %dma_wait3A = arith.constant 0 : i32
          %dma_wait3A_335 = tpu.memref_slice %arg2[%scan3A_285, %dma_wait3A] : memref<2x1600000xi32, #tpu.memory_space<hbm>> -> memref<1x1600000xi32, #tpu.memory_space<hbm>>
          %dma_wait3A_336 = tpu.memref_squeeze %dma_wait3A_335 : memref<1x1600000xi32, #tpu.memory_space<hbm>> -> memref<1600000xi32, #tpu.memory_space<hbm>>
          %dma_wait3A_337 = arith.constant 0 : i32
          %dma_wait3A_338 = tpu.memref_slice %dma_wait3A_336[%dma_wait3A_337] : memref<1600000xi32, #tpu.memory_space<hbm>> -> memref<5120xi32, #tpu.memory_space<hbm>>
          %dma_wait3A_339 = arith.constant 0 : i32
          %dma_wait3A_340 = tpu.memref_slice %arg2[%scan3A_285, %dma_wait3A_339] : memref<2x1600000xi32, #tpu.memory_space<hbm>> -> memref<1x1600000xi32, #tpu.memory_space<hbm>>
          %dma_wait3A_341 = tpu.memref_squeeze %dma_wait3A_340 : memref<1x1600000xi32, #tpu.memory_space<hbm>> -> memref<1600000xi32, #tpu.memory_space<hbm>>
          %dma_wait3A_342 = arith.constant 0 : i32
          %dma_wait3A_343 = tpu.memref_slice %dma_wait3A_341[%dma_wait3A_342] : memref<1600000xi32, #tpu.memory_space<hbm>> -> memref<5120xi32, #tpu.memory_space<hbm>>
          tpu.wait_dma2 semaphore(%arg48 : memref<!tpu.dma_semaphore, #tpu.memory_space<semaphore_mem>>) src(%dma_wait3A_343 : memref<5120xi32, #tpu.memory_space<hbm>>) dst(%arg42 : memref<5120xi32, #tpu.memory_space<vmem>>)
          %dma_wait3A_344 = arith.constant 0 : i32
          %dma_wait3A_345 = tpu.memref_slice %arg2[%scan3A_286, %dma_wait3A_344] : memref<2x1600000xi32, #tpu.memory_space<hbm>> -> memref<1x1600000xi32, #tpu.memory_space<hbm>>
          %dma_wait3A_346 = tpu.memref_squeeze %dma_wait3A_345 : memref<1x1600000xi32, #tpu.memory_space<hbm>> -> memref<1600000xi32, #tpu.memory_space<hbm>>
          %dma_wait3A_347 = arith.constant 0 : i32
          %dma_wait3A_348 = tpu.memref_slice %dma_wait3A_346[%dma_wait3A_347] : memref<1600000xi32, #tpu.memory_space<hbm>> -> memref<5120xi32, #tpu.memory_space<hbm>>
          %dma_wait3A_349 = arith.constant 0 : i32
          %dma_wait3A_350 = tpu.memref_slice %arg2[%scan3A_286, %dma_wait3A_349] : memref<2x1600000xi32, #tpu.memory_space<hbm>> -> memref<1x1600000xi32, #tpu.memory_space<hbm>>
          %dma_wait3A_351 = tpu.memref_squeeze %dma_wait3A_350 : memref<1x1600000xi32, #tpu.memory_space<hbm>> -> memref<1600000xi32, #tpu.memory_space<hbm>>
          %dma_wait3A_352 = arith.constant 0 : i32
          %dma_wait3A_353 = tpu.memref_slice %dma_wait3A_351[%dma_wait3A_352] : memref<1600000xi32, #tpu.memory_space<hbm>> -> memref<5120xi32, #tpu.memory_space<hbm>>
          tpu.wait_dma2 semaphore(%arg48 : memref<!tpu.dma_semaphore, #tpu.memory_space<semaphore_mem>>) src(%dma_wait3A_353 : memref<5120xi32, #tpu.memory_space<hbm>>) dst(%arg43 : memref<5120xi32, #tpu.memory_space<vmem>>)
          %dma_wait3A_354 = arith.constant 0 : i32
          %dma_wait3A_355 = tpu.memref_slice %arg3[%dma_wait3A_354] : memref<1600000xf32, #tpu.memory_space<hbm>> -> memref<5120xf32, #tpu.memory_space<hbm>>
          %dma_wait3A_356 = arith.constant 0 : i32
          %dma_wait3A_357 = tpu.memref_slice %arg3[%dma_wait3A_356] : memref<1600000xf32, #tpu.memory_space<hbm>> -> memref<5120xf32, #tpu.memory_space<hbm>>
          tpu.wait_dma2 semaphore(%arg48 : memref<!tpu.dma_semaphore, #tpu.memory_space<semaphore_mem>>) src(%dma_wait3A_357 : memref<5120xf32, #tpu.memory_space<hbm>>) dst(%arg44 : memref<5120xf32, #tpu.memory_space<vmem>>)
        } else {
        }
        %lt3A_308 = arith.constant 313 : i32
        %lt3A_309 = arith.cmpi slt, %add3A_302, %lt3A_308 : i32
        %convert_element_type3A_310 = arith.extui %lt3A_309 : i1 to i32
        %cond3A_311 = arith.constant 0 : i32
        %cond3A_312 = arith.cmpi ne, %convert_element_type3A_310, %cond3A_311 : i32
        scf.if %cond3A_312 {
          %eq3A_335 = arith.constant 312 : i32
          %eq3A_336 = arith.cmpi eq, %add3A_302, %eq3A_335 : i32
          %mul3A_337 = arith.constant 5120 : i32
          %mul3A_338 = arith.muli %add3A_302, %mul3A_337 : i32
          %jit3A = arith.constant 1594880 : i32
          %select_n3A = arith.select %eq3A_336, %jit3A, %mul3A_338 : i32
          %dma_start3A = arith.constant 0 : i32
          %dma_start3A_339 = tpu.memref_slice %arg2[%scan3A_285, %dma_start3A] : memref<2x1600000xi32, #tpu.memory_space<hbm>> -> memref<1x1600000xi32, #tpu.memory_space<hbm>>
          %dma_start3A_340 = tpu.memref_squeeze %dma_start3A_339 : memref<1x1600000xi32, #tpu.memory_space<hbm>> -> memref<1600000xi32, #tpu.memory_space<hbm>>
          %dma_start3A_341 = tpu.memref_slice %dma_start3A_340[%select_n3A] : memref<1600000xi32, #tpu.memory_space<hbm>> -> memref<5120xi32, #tpu.memory_space<hbm>>
          %dma_start3A_342 = arith.constant 0 : i32
          %dma_start3A_343 = tpu.memref_slice %arg2[%scan3A_285, %dma_start3A_342] : memref<2x1600000xi32, #tpu.memory_space<hbm>> -> memref<1x1600000xi32, #tpu.memory_space<hbm>>
          %dma_start3A_344 = tpu.memref_squeeze %dma_start3A_343 : memref<1x1600000xi32, #tpu.memory_space<hbm>> -> memref<1600000xi32, #tpu.memory_space<hbm>>
          %dma_start3A_345 = tpu.memref_slice %dma_start3A_344[%select_n3A] : memref<1600000xi32, #tpu.memory_space<hbm>> -> memref<5120xi32, #tpu.memory_space<hbm>>
          tpu.enqueue_dma source(%dma_start3A_345 : memref<5120xi32, #tpu.memory_space<hbm>>) target(%arg45 : memref<5120xi32, #tpu.memory_space<vmem>>) target_semaphore(%arg49 : memref<!tpu.dma_semaphore, #tpu.memory_space<semaphore_mem>>)
          %dma_start3A_346 = arith.constant 0 : i32
          %dma_start3A_347 = tpu.memref_slice %arg2[%scan3A_286, %dma_start3A_346] : memref<2x1600000xi32, #tpu.memory_space<hbm>> -> memref<1x1600000xi32, #tpu.memory_space<hbm>>
          %dma_start3A_348 = tpu.memref_squeeze %dma_start3A_347 : memref<1x1600000xi32, #tpu.memory_space<hbm>> -> memref<1600000xi32, #tpu.memory_space<hbm>>
          %dma_start3A_349 = tpu.memref_slice %dma_start3A_348[%select_n3A] : memref<1600000xi32, #tpu.memory_space<hbm>> -> memref<5120xi32, #tpu.memory_space<hbm>>
          %dma_start3A_350 = arith.constant 0 : i32
          %dma_start3A_351 = tpu.memref_slice %arg2[%scan3A_286, %dma_start3A_350] : memref<2x1600000xi32, #tpu.memory_space<hbm>> -> memref<1x1600000xi32, #tpu.memory_space<hbm>>
          %dma_start3A_352 = tpu.memref_squeeze %dma_start3A_351 : memref<1x1600000xi32, #tpu.memory_space<hbm>> -> memref<1600000xi32, #tpu.memory_space<hbm>>
          %dma_start3A_353 = tpu.memref_slice %dma_start3A_352[%select_n3A] : memref<1600000xi32, #tpu.memory_space<hbm>> -> memref<5120xi32, #tpu.memory_space<hbm>>
          tpu.enqueue_dma source(%dma_start3A_353 : memref<5120xi32, #tpu.memory_space<hbm>>) target(%arg46 : memref<5120xi32, #tpu.memory_space<vmem>>) target_semaphore(%arg49 : memref<!tpu.dma_semaphore, #tpu.memory_space<semaphore_mem>>)
          %dma_start3A_354 = tpu.memref_slice %arg3[%select_n3A] : memref<1600000xf32, #tpu.memory_space<hbm>> -> memref<5120xf32, #tpu.memory_space<hbm>>
          %dma_start3A_355 = tpu.memref_slice %arg3[%select_n3A] : memref<1600000xf32, #tpu.memory_space<hbm>> -> memref<5120xf32, #tpu.memory_space<hbm>>
          tpu.enqueue_dma source(%dma_start3A_355 : memref<5120xf32, #tpu.memory_space<hbm>>) target(%arg47 : memref<5120xf32, #tpu.memory_space<vmem>>) target_semaphore(%arg49 : memref<!tpu.dma_semaphore, #tpu.memory_space<semaphore_mem>>)
        } else {
        }
        %lt3A_313 = arith.constant 313 : i32
        %lt3A_314 = arith.cmpi slt, %add3A, %lt3A_313 : i32
        %convert_element_type3A_315 = arith.extui %lt3A_314 : i1 to i32
        %cond3A_316 = arith.constant 0 : i32
        %cond3A_317 = arith.cmpi ne, %convert_element_type3A_315, %cond3A_316 : i32
        scf.if %cond3A_317 {
          %eq3A_335 = arith.constant 312 : i32
          %eq3A_336 = arith.cmpi eq, %add3A, %eq3A_335 : i32
          %jit3A = arith.constant 20 : i32
          %jit3A_337 = arith.constant 0 : i32
          %select_n3A = arith.select %eq3A_336, %jit3A, %jit3A_337 : i32
          %while3A = arith.constant 0 : i32
          %while3A_338 = arith.constant 40 : i32
          %while3A_339 = arith.subi %while3A_338, %select_n3A : i32
          %while3A_340 = arith.addi %select_n3A, %while3A_339 : i32
          %while3A_341 = arith.constant 1 : i32
          %while3A_342 = arith.divsi %while3A_339, %while3A_341 : i32
          %while3A_343 = arith.muli %while3A_342, %while3A_341 : i32
          %while3A_344 = arith.addi %select_n3A, %while3A_343 : i32
          %while3A_345 = arith.constant 1 : i32
          scf.for %while3A_347 = %select_n3A to %while3A_344 step %while3A_345  : i32 {
            %mul3A_348 = arith.constant 128 : i32
            %mul3A_349 = arith.muli %while3A_347, %mul3A_348 : i32
            %add3A_350 = arith.constant 0 : i32
            %add3A_351 = arith.addi %mul3A_349, %add3A_350 : i32
            %mul3A_352 = arith.constant 128 : i32
            %mul3A_353 = arith.muli %while3A_347, %mul3A_352 : i32
            %add3A_354 = arith.constant 16 : i32
            %add3A_355 = arith.addi %mul3A_353, %add3A_354 : i32
            %mul3A_356 = arith.constant 128 : i32
            %mul3A_357 = arith.muli %while3A_347, %mul3A_356 : i32
            %add3A_358 = arith.constant 32 : i32
            %add3A_359 = arith.addi %mul3A_357, %add3A_358 : i32
            %mul3A_360 = arith.constant 128 : i32
            %mul3A_361 = arith.muli %while3A_347, %mul3A_360 : i32
            %add3A_362 = arith.constant 48 : i32
            %add3A_363 = arith.addi %mul3A_361, %add3A_362 : i32
            %mul3A_364 = arith.constant 128 : i32
            %mul3A_365 = arith.muli %while3A_347, %mul3A_364 : i32
            %add3A_366 = arith.constant 64 : i32
            %add3A_367 = arith.addi %mul3A_365, %add3A_366 : i32
            %mul3A_368 = arith.constant 128 : i32
            %mul3A_369 = arith.muli %while3A_347, %mul3A_368 : i32
            %add3A_370 = arith.constant 80 : i32
            %add3A_371 = arith.addi %mul3A_369, %add3A_370 : i32
            %mul3A_372 = arith.constant 128 : i32
            %mul3A_373 = arith.muli %while3A_347, %mul3A_372 : i32
            %add3A_374 = arith.constant 96 : i32
            %add3A_375 = arith.addi %mul3A_373, %add3A_374 : i32
            %mul3A_376 = arith.constant 128 : i32
            %mul3A_377 = arith.muli %while3A_347, %mul3A_376 : i32
            %add3A_378 = arith.constant 112 : i32
            %add3A_379 = arith.addi %mul3A_377, %add3A_378 : i32
            %get3A = arith.index_cast %add3A_351 : i32 to index
            %get3A_380 = tpu.vector_load %arg42[%get3A] {strides = array<i32>} : memref<5120xi32, #tpu.memory_space<vmem>>, vector<16xi32>,
            %get3A_381 = arith.index_cast %add3A_355 : i32 to index
            %get3A_382 = tpu.vector_load %arg42[%get3A_381] {strides = array<i32>} : memref<5120xi32, #tpu.memory_space<vmem>>, vector<16xi32>,
            %get3A_383 = arith.index_cast %add3A_359 : i32 to index
            %get3A_384 = tpu.vector_load %arg42[%get3A_383] {strides = array<i32>} : memref<5120xi32, #tpu.memory_space<vmem>>, vector<16xi32>,
            %get3A_385 = arith.index_cast %add3A_363 : i32 to index
            %get3A_386 = tpu.vector_load %arg42[%get3A_385] {strides = array<i32>} : memref<5120xi32, #tpu.memory_space<vmem>>, vector<16xi32>,
            %get3A_387 = arith.index_cast %add3A_367 : i32 to index
            %get3A_388 = tpu.vector_load %arg42[%get3A_387] {strides = array<i32>} : memref<5120xi32, #tpu.memory_space<vmem>>, vector<16xi32>,
            %get3A_389 = arith.index_cast %add3A_371 : i32 to index
            %get3A_390 = tpu.vector_load %arg42[%get3A_389] {strides = array<i32>} : memref<5120xi32, #tpu.memory_space<vmem>>, vector<16xi32>,
            %get3A_391 = arith.index_cast %add3A_375 : i32 to index
            %get3A_392 = tpu.vector_load %arg42[%get3A_391] {strides = array<i32>} : memref<5120xi32, #tpu.memory_space<vmem>>, vector<16xi32>,
            %get3A_393 = arith.index_cast %add3A_379 : i32 to index
            %get3A_394 = tpu.vector_load %arg42[%get3A_393] {strides = array<i32>} : memref<5120xi32, #tpu.memory_space<vmem>>, vector<16xi32>,
            %get3A_395 = arith.index_cast %add3A_351 : i32 to index
            %get3A_396 = tpu.vector_load %arg43[%get3A_395] {strides = array<i32>} : memref<5120xi32, #tpu.memory_space<vmem>>, vector<16xi32>,
            %get3A_397 = arith.index_cast %add3A_355 : i32 to index
            %get3A_398 = tpu.vector_load %arg43[%get3A_397] {strides = array<i32>} : memref<5120xi32, #tpu.memory_space<vmem>>, vector<16xi32>,
            %get3A_399 = arith.index_cast %add3A_359 : i32 to index
            %get3A_400 = tpu.vector_load %arg43[%get3A_399] {strides = array<i32>} : memref<5120xi32, #tpu.memory_space<vmem>>, vector<16xi32>,
            %get3A_401 = arith.index_cast %add3A_363 : i32 to index
            %get3A_402 = tpu.vector_load %arg43[%get3A_401] {strides = array<i32>} : memref<5120xi32, #tpu.memory_space<vmem>>, vector<16xi32>,
            %get3A_403 = arith.index_cast %add3A_367 : i32 to index
            %get3A_404 = tpu.vector_load %arg43[%get3A_403] {strides = array<i32>} : memref<5120xi32, #tpu.memory_space<vmem>>, vector<16xi32>,
            %get3A_405 = arith.index_cast %add3A_371 : i32 to index
            %get3A_406 = tpu.vector_load %arg43[%get3A_405] {strides = array<i32>} : memref<5120xi32, #tpu.memory_space<vmem>>, vector<16xi32>,
            %get3A_407 = arith.index_cast %add3A_375 : i32 to index
            %get3A_408 = tpu.vector_load %arg43[%get3A_407] {strides = array<i32>} : memref<5120xi32, #tpu.memory_space<vmem>>, vector<16xi32>,
            %get3A_409 = arith.index_cast %add3A_379 : i32 to index
            %get3A_410 = tpu.vector_load %arg43[%get3A_409] {strides = array<i32>} : memref<5120xi32, #tpu.memory_space<vmem>>, vector<16xi32>,
            %get3A_411 = arith.index_cast %add3A_351 : i32 to index
            %get3A_412 = tpu.vector_load %arg44[%get3A_411] {strides = array<i32>} : memref<5120xf32, #tpu.memory_space<vmem>>, vector<16xf32>,
            %get3A_413 = arith.index_cast %add3A_355 : i32 to index
            %get3A_414 = tpu.vector_load %arg44[%get3A_413] {strides = array<i32>} : memref<5120xf32, #tpu.memory_space<vmem>>, vector<16xf32>,
            %get3A_415 = arith.index_cast %add3A_359 : i32 to index
            %get3A_416 = tpu.vector_load %arg44[%get3A_415] {strides = array<i32>} : memref<5120xf32, #tpu.memory_space<vmem>>, vector<16xf32>,
            %get3A_417 = arith.index_cast %add3A_363 : i32 to index
            %get3A_418 = tpu.vector_load %arg44[%get3A_417] {strides = array<i32>} : memref<5120xf32, #tpu.memory_space<vmem>>, vector<16xf32>,
            %get3A_419 = arith.index_cast %add3A_367 : i32 to index
            %get3A_420 = tpu.vector_load %arg44[%get3A_419] {strides = array<i32>} : memref<5120xf32, #tpu.memory_space<vmem>>, vector<16xf32>,
            %get3A_421 = arith.index_cast %add3A_371 : i32 to index
            %get3A_422 = tpu.vector_load %arg44[%get3A_421] {strides = array<i32>} : memref<5120xf32, #tpu.memory_space<vmem>>, vector<16xf32>,
            %get3A_423 = arith.index_cast %add3A_375 : i32 to index
            %get3A_424 = tpu.vector_load %arg44[%get3A_423] {strides = array<i32>} : memref<5120xf32, #tpu.memory_space<vmem>>, vector<16xf32>,
            %get3A_425 = arith.index_cast %add3A_379 : i32 to index
            %get3A_426 = tpu.vector_load %arg44[%get3A_425] {strides = array<i32>} : memref<5120xf32, #tpu.memory_space<vmem>>, vector<16xf32>,
            %gather3A = tpu.vector_load_idx %arg40[%get3A_380] : memref<50000xf32, #tpu.memory_space<vmem>>[vector<16xi32>], vector<16xf32>,
            %gather3A_427 = tpu.vector_load_idx %arg40[%get3A_382] : memref<50000xf32, #tpu.memory_space<vmem>>[vector<16xi32>], vector<16xf32>,
            %gather3A_428 = tpu.vector_load_idx %arg40[%get3A_384] : memref<50000xf32, #tpu.memory_space<vmem>>[vector<16xi32>], vector<16xf32>,
            %gather3A_429 = tpu.vector_load_idx %arg40[%get3A_386] : memref<50000xf32, #tpu.memory_space<vmem>>[vector<16xi32>], vector<16xf32>,
            %gather3A_430 = tpu.vector_load_idx %arg40[%get3A_388] : memref<50000xf32, #tpu.memory_space<vmem>>[vector<16xi32>], vector<16xf32>,
            %gather3A_431 = tpu.vector_load_idx %arg40[%get3A_390] : memref<50000xf32, #tpu.memory_space<vmem>>[vector<16xi32>], vector<16xf32>,
            %gather3A_432 = tpu.vector_load_idx %arg40[%get3A_392] : memref<50000xf32, #tpu.memory_space<vmem>>[vector<16xi32>], vector<16xf32>,
            %gather3A_433 = tpu.vector_load_idx %arg40[%get3A_394] : memref<50000xf32, #tpu.memory_space<vmem>>[vector<16xi32>], vector<16xf32>,
            %mul3A_434 = arith.mulf %get3A_412, %gather3A : vector<16xf32>
            %mul3A_435 = arith.mulf %get3A_414, %gather3A_427 : vector<16xf32>
            %mul3A_436 = arith.mulf %get3A_416, %gather3A_428 : vector<16xf32>
            %mul3A_437 = arith.mulf %get3A_418, %gather3A_429 : vector<16xf32>
            %mul3A_438 = arith.mulf %get3A_420, %gather3A_430 : vector<16xf32>
            %mul3A_439 = arith.mulf %get3A_422, %gather3A_431 : vector<16xf32>
            %mul3A_440 = arith.mulf %get3A_424, %gather3A_432 : vector<16xf32>
            %mul3A_441 = arith.mulf %get3A_426, %gather3A_433 : vector<16xf32>
            %shift_right_logical3A = arith.constant 7 : i32
            %shift_right_logical3A_442 = vector.broadcast %shift_right_logical3A : i32 to vector<16xi32>
            %shift_right_logical3A_443 = arith.shrui %get3A_396, %shift_right_logical3A_442 : vector<16xi32>
            %and3A_444 = arith.constant 127 : i32
            %and3A_445 = vector.broadcast %and3A_444 : i32 to vector<16xi32>
            %and3A_446 = arith.andi %get3A_396, %and3A_445 : vector<16xi32>
            tpu.vector_store_idx %arg41[%shift_right_logical3A_443, %and3A_446], %mul3A_434 {add = true} : memref<392x128xf32, #tpu.memory_space<vmem>>[vector<16xi32>, vector<16xi32>], vector<16xf32>,
            %shift_right_logical3A_447 = arith.constant 7 : i32
            %shift_right_logical3A_448 = vector.broadcast %shift_right_logical3A_447 : i32 to vector<16xi32>
            %shift_right_logical3A_449 = arith.shrui %get3A_398, %shift_right_logical3A_448 : vector<16xi32>
            %and3A_450 = arith.constant 127 : i32
            %and3A_451 = vector.broadcast %and3A_450 : i32 to vector<16xi32>
            %and3A_452 = arith.andi %get3A_398, %and3A_451 : vector<16xi32>
            tpu.vector_store_idx %arg41[%shift_right_logical3A_449, %and3A_452], %mul3A_435 {add = true} : memref<392x128xf32, #tpu.memory_space<vmem>>[vector<16xi32>, vector<16xi32>], vector<16xf32>,
            %shift_right_logical3A_453 = arith.constant 7 : i32
            %shift_right_logical3A_454 = vector.broadcast %shift_right_logical3A_453 : i32 to vector<16xi32>
            %shift_right_logical3A_455 = arith.shrui %get3A_400, %shift_right_logical3A_454 : vector<16xi32>
            %and3A_456 = arith.constant 127 : i32
            %and3A_457 = vector.broadcast %and3A_456 : i32 to vector<16xi32>
            %and3A_458 = arith.andi %get3A_400, %and3A_457 : vector<16xi32>
            tpu.vector_store_idx %arg41[%shift_right_logical3A_455, %and3A_458], %mul3A_436 {add = true} : memref<392x128xf32, #tpu.memory_space<vmem>>[vector<16xi32>, vector<16xi32>], vector<16xf32>,
            %shift_right_logical3A_459 = arith.constant 7 : i32
            %shift_right_logical3A_460 = vector.broadcast %shift_right_logical3A_459 : i32 to vector<16xi32>
            %shift_right_logical3A_461 = arith.shrui %get3A_402, %shift_right_logical3A_460 : vector<16xi32>
            %and3A_462 = arith.constant 127 : i32
            %and3A_463 = vector.broadcast %and3A_462 : i32 to vector<16xi32>
            %and3A_464 = arith.andi %get3A_402, %and3A_463 : vector<16xi32>
            tpu.vector_store_idx %arg41[%shift_right_logical3A_461, %and3A_464], %mul3A_437 {add = true} : memref<392x128xf32, #tpu.memory_space<vmem>>[vector<16xi32>, vector<16xi32>], vector<16xf32>,
            %shift_right_logical3A_465 = arith.constant 7 : i32
            %shift_right_logical3A_466 = vector.broadcast %shift_right_logical3A_465 : i32 to vector<16xi32>
            %shift_right_logical3A_467 = arith.shrui %get3A_404, %shift_right_logical3A_466 : vector<16xi32>
            %and3A_468 = arith.constant 127 : i32
            %and3A_469 = vector.broadcast %and3A_468 : i32 to vector<16xi32>
            %and3A_470 = arith.andi %get3A_404, %and3A_469 : vector<16xi32>
            tpu.vector_store_idx %arg41[%shift_right_logical3A_467, %and3A_470], %mul3A_438 {add = true} : memref<392x128xf32, #tpu.memory_space<vmem>>[vector<16xi32>, vector<16xi32>], vector<16xf32>,
            %shift_right_logical3A_471 = arith.constant 7 : i32
            %shift_right_logical3A_472 = vector.broadcast %shift_right_logical3A_471 : i32 to vector<16xi32>
            %shift_right_logical3A_473 = arith.shrui %get3A_406, %shift_right_logical3A_472 : vector<16xi32>
            %and3A_474 = arith.constant 127 : i32
            %and3A_475 = vector.broadcast %and3A_474 : i32 to vector<16xi32>
            %and3A_476 = arith.andi %get3A_406, %and3A_475 : vector<16xi32>
            tpu.vector_store_idx %arg41[%shift_right_logical3A_473, %and3A_476], %mul3A_439 {add = true} : memref<392x128xf32, #tpu.memory_space<vmem>>[vector<16xi32>, vector<16xi32>], vector<16xf32>,
            %shift_right_logical3A_477 = arith.constant 7 : i32
            %shift_right_logical3A_478 = vector.broadcast %shift_right_logical3A_477 : i32 to vector<16xi32>
            %shift_right_logical3A_479 = arith.shrui %get3A_408, %shift_right_logical3A_478 : vector<16xi32>
            %and3A_480 = arith.constant 127 : i32
            %and3A_481 = vector.broadcast %and3A_480 : i32 to vector<16xi32>
            %and3A_482 = arith.andi %get3A_408, %and3A_481 : vector<16xi32>
            tpu.vector_store_idx %arg41[%shift_right_logical3A_479, %and3A_482], %mul3A_440 {add = true} : memref<392x128xf32, #tpu.memory_space<vmem>>[vector<16xi32>, vector<16xi32>], vector<16xf32>,
            %shift_right_logical3A_483 = arith.constant 7 : i32
            %shift_right_logical3A_484 = vector.broadcast %shift_right_logical3A_483 : i32 to vector<16xi32>
            %shift_right_logical3A_485 = arith.shrui %get3A_410, %shift_right_logical3A_484 : vector<16xi32>
            %and3A_486 = arith.constant 127 : i32
            %and3A_487 = vector.broadcast %and3A_486 : i32 to vector<16xi32>
            %and3A_488 = arith.andi %get3A_410, %and3A_487 : vector<16xi32>
            tpu.vector_store_idx %arg41[%shift_right_logical3A_485, %and3A_488], %mul3A_441 {add = true} : memref<392x128xf32, #tpu.memory_space<vmem>>[vector<16xi32>, vector<16xi32>], vector<16xf32>,
          }
          %while3A_346 = arith.constant 1 : i32
          scf.for %while3A_347 = %while3A_344 to %while3A_340 step %while3A_346  : i32 {
            %mul3A_348 = arith.constant 128 : i32
            %mul3A_349 = arith.muli %while3A_347, %mul3A_348 : i32
            %add3A_350 = arith.constant 0 : i32
            %add3A_351 = arith.addi %mul3A_349, %add3A_350 : i32
            %mul3A_352 = arith.constant 128 : i32
            %mul3A_353 = arith.muli %while3A_347, %mul3A_352 : i32
            %add3A_354 = arith.constant 16 : i32
            %add3A_355 = arith.addi %mul3A_353, %add3A_354 : i32
            %mul3A_356 = arith.constant 128 : i32
            %mul3A_357 = arith.muli %while3A_347, %mul3A_356 : i32
            %add3A_358 = arith.constant 32 : i32
            %add3A_359 = arith.addi %mul3A_357, %add3A_358 : i32
            %mul3A_360 = arith.constant 128 : i32
            %mul3A_361 = arith.muli %while3A_347, %mul3A_360 : i32
            %add3A_362 = arith.constant 48 : i32
            %add3A_363 = arith.addi %mul3A_361, %add3A_362 : i32
            %mul3A_364 = arith.constant 128 : i32
            %mul3A_365 = arith.muli %while3A_347, %mul3A_364 : i32
            %add3A_366 = arith.constant 64 : i32
            %add3A_367 = arith.addi %mul3A_365, %add3A_366 : i32
            %mul3A_368 = arith.constant 128 : i32
            %mul3A_369 = arith.muli %while3A_347, %mul3A_368 : i32
            %add3A_370 = arith.constant 80 : i32
            %add3A_371 = arith.addi %mul3A_369, %add3A_370 : i32
            %mul3A_372 = arith.constant 128 : i32
            %mul3A_373 = arith.muli %while3A_347, %mul3A_372 : i32
            %add3A_374 = arith.constant 96 : i32
            %add3A_375 = arith.addi %mul3A_373, %add3A_374 : i32
            %mul3A_376 = arith.constant 128 : i32
            %mul3A_377 = arith.muli %while3A_347, %mul3A_376 : i32
            %add3A_378 = arith.constant 112 : i32
            %add3A_379 = arith.addi %mul3A_377, %add3A_378 : i32
            %get3A = arith.index_cast %add3A_351 : i32 to index
            %get3A_380 = tpu.vector_load %arg42[%get3A] {strides = array<i32>} : memref<5120xi32, #tpu.memory_space<vmem>>, vector<16xi32>,
            %get3A_381 = arith.index_cast %add3A_355 : i32 to index
            %get3A_382 = tpu.vector_load %arg42[%get3A_381] {strides = array<i32>} : memref<5120xi32, #tpu.memory_space<vmem>>, vector<16xi32>,
            %get3A_383 = arith.index_cast %add3A_359 : i32 to index
            %get3A_384 = tpu.vector_load %arg42[%get3A_383] {strides = array<i32>} : memref<5120xi32, #tpu.memory_space<vmem>>, vector<16xi32>,
            %get3A_385 = arith.index_cast %add3A_363 : i32 to index
            %get3A_386 = tpu.vector_load %arg42[%get3A_385] {strides = array<i32>} : memref<5120xi32, #tpu.memory_space<vmem>>, vector<16xi32>,
            %get3A_387 = arith.index_cast %add3A_367 : i32 to index
            %get3A_388 = tpu.vector_load %arg42[%get3A_387] {strides = array<i32>} : memref<5120xi32, #tpu.memory_space<vmem>>, vector<16xi32>,
            %get3A_389 = arith.index_cast %add3A_371 : i32 to index
            %get3A_390 = tpu.vector_load %arg42[%get3A_389] {strides = array<i32>} : memref<5120xi32, #tpu.memory_space<vmem>>, vector<16xi32>,
            %get3A_391 = arith.index_cast %add3A_375 : i32 to index
            %get3A_392 = tpu.vector_load %arg42[%get3A_391] {strides = array<i32>} : memref<5120xi32, #tpu.memory_space<vmem>>, vector<16xi32>,
            %get3A_393 = arith.index_cast %add3A_379 : i32 to index
            %get3A_394 = tpu.vector_load %arg42[%get3A_393] {strides = array<i32>} : memref<5120xi32, #tpu.memory_space<vmem>>, vector<16xi32>,
            %get3A_395 = arith.index_cast %add3A_351 : i32 to index
            %get3A_396 = tpu.vector_load %arg43[%get3A_395] {strides = array<i32>} : memref<5120xi32, #tpu.memory_space<vmem>>, vector<16xi32>,
            %get3A_397 = arith.index_cast %add3A_355 : i32 to index
            %get3A_398 = tpu.vector_load %arg43[%get3A_397] {strides = array<i32>} : memref<5120xi32, #tpu.memory_space<vmem>>, vector<16xi32>,
            %get3A_399 = arith.index_cast %add3A_359 : i32 to index
            %get3A_400 = tpu.vector_load %arg43[%get3A_399] {strides = array<i32>} : memref<5120xi32, #tpu.memory_space<vmem>>, vector<16xi32>,
            %get3A_401 = arith.index_cast %add3A_363 : i32 to index
            %get3A_402 = tpu.vector_load %arg43[%get3A_401] {strides = array<i32>} : memref<5120xi32, #tpu.memory_space<vmem>>, vector<16xi32>,
            %get3A_403 = arith.index_cast %add3A_367 : i32 to index
            %get3A_404 = tpu.vector_load %arg43[%get3A_403] {strides = array<i32>} : memref<5120xi32, #tpu.memory_space<vmem>>, vector<16xi32>,
            %get3A_405 = arith.index_cast %add3A_371 : i32 to index
            %get3A_406 = tpu.vector_load %arg43[%get3A_405] {strides = array<i32>} : memref<5120xi32, #tpu.memory_space<vmem>>, vector<16xi32>,
            %get3A_407 = arith.index_cast %add3A_375 : i32 to index
            %get3A_408 = tpu.vector_load %arg43[%get3A_407] {strides = array<i32>} : memref<5120xi32, #tpu.memory_space<vmem>>, vector<16xi32>,
            %get3A_409 = arith.index_cast %add3A_379 : i32 to index
            %get3A_410 = tpu.vector_load %arg43[%get3A_409] {strides = array<i32>} : memref<5120xi32, #tpu.memory_space<vmem>>, vector<16xi32>,
            %get3A_411 = arith.index_cast %add3A_351 : i32 to index
            %get3A_412 = tpu.vector_load %arg44[%get3A_411] {strides = array<i32>} : memref<5120xf32, #tpu.memory_space<vmem>>, vector<16xf32>,
            %get3A_413 = arith.index_cast %add3A_355 : i32 to index
            %get3A_414 = tpu.vector_load %arg44[%get3A_413] {strides = array<i32>} : memref<5120xf32, #tpu.memory_space<vmem>>, vector<16xf32>,
            %get3A_415 = arith.index_cast %add3A_359 : i32 to index
            %get3A_416 = tpu.vector_load %arg44[%get3A_415] {strides = array<i32>} : memref<5120xf32, #tpu.memory_space<vmem>>, vector<16xf32>,
            %get3A_417 = arith.index_cast %add3A_363 : i32 to index
            %get3A_418 = tpu.vector_load %arg44[%get3A_417] {strides = array<i32>} : memref<5120xf32, #tpu.memory_space<vmem>>, vector<16xf32>,
            %get3A_419 = arith.index_cast %add3A_367 : i32 to index
            %get3A_420 = tpu.vector_load %arg44[%get3A_419] {strides = array<i32>} : memref<5120xf32, #tpu.memory_space<vmem>>, vector<16xf32>,
            %get3A_421 = arith.index_cast %add3A_371 : i32 to index
            %get3A_422 = tpu.vector_load %arg44[%get3A_421] {strides = array<i32>} : memref<5120xf32, #tpu.memory_space<vmem>>, vector<16xf32>,
            %get3A_423 = arith.index_cast %add3A_375 : i32 to index
            %get3A_424 = tpu.vector_load %arg44[%get3A_423] {strides = array<i32>} : memref<5120xf32, #tpu.memory_space<vmem>>, vector<16xf32>,
            %get3A_425 = arith.index_cast %add3A_379 : i32 to index
            %get3A_426 = tpu.vector_load %arg44[%get3A_425] {strides = array<i32>} : memref<5120xf32, #tpu.memory_space<vmem>>, vector<16xf32>,
            %gather3A = tpu.vector_load_idx %arg40[%get3A_380] : memref<50000xf32, #tpu.memory_space<vmem>>[vector<16xi32>], vector<16xf32>,
            %gather3A_427 = tpu.vector_load_idx %arg40[%get3A_382] : memref<50000xf32, #tpu.memory_space<vmem>>[vector<16xi32>], vector<16xf32>,
            %gather3A_428 = tpu.vector_load_idx %arg40[%get3A_384] : memref<50000xf32, #tpu.memory_space<vmem>>[vector<16xi32>], vector<16xf32>,
            %gather3A_429 = tpu.vector_load_idx %arg40[%get3A_386] : memref<50000xf32, #tpu.memory_space<vmem>>[vector<16xi32>], vector<16xf32>,
            %gather3A_430 = tpu.vector_load_idx %arg40[%get3A_388] : memref<50000xf32, #tpu.memory_space<vmem>>[vector<16xi32>], vector<16xf32>,
            %gather3A_431 = tpu.vector_load_idx %arg40[%get3A_390] : memref<50000xf32, #tpu.memory_space<vmem>>[vector<16xi32>], vector<16xf32>,
            %gather3A_432 = tpu.vector_load_idx %arg40[%get3A_392] : memref<50000xf32, #tpu.memory_space<vmem>>[vector<16xi32>], vector<16xf32>,
            %gather3A_433 = tpu.vector_load_idx %arg40[%get3A_394] : memref<50000xf32, #tpu.memory_space<vmem>>[vector<16xi32>], vector<16xf32>,
            %mul3A_434 = arith.mulf %get3A_412, %gather3A : vector<16xf32>
            %mul3A_435 = arith.mulf %get3A_414, %gather3A_427 : vector<16xf32>
            %mul3A_436 = arith.mulf %get3A_416, %gather3A_428 : vector<16xf32>
            %mul3A_437 = arith.mulf %get3A_418, %gather3A_429 : vector<16xf32>
            %mul3A_438 = arith.mulf %get3A_420, %gather3A_430 : vector<16xf32>
            %mul3A_439 = arith.mulf %get3A_422, %gather3A_431 : vector<16xf32>
            %mul3A_440 = arith.mulf %get3A_424, %gather3A_432 : vector<16xf32>
            %mul3A_441 = arith.mulf %get3A_426, %gather3A_433 : vector<16xf32>
            %shift_right_logical3A = arith.constant 7 : i32
            %shift_right_logical3A_442 = vector.broadcast %shift_right_logical3A : i32 to vector<16xi32>
            %shift_right_logical3A_443 = arith.shrui %get3A_396, %shift_right_logical3A_442 : vector<16xi32>
            %and3A_444 = arith.constant 127 : i32
            %and3A_445 = vector.broadcast %and3A_444 : i32 to vector<16xi32>
            %and3A_446 = arith.andi %get3A_396, %and3A_445 : vector<16xi32>
            tpu.vector_store_idx %arg41[%shift_right_logical3A_443, %and3A_446], %mul3A_434 {add = true} : memref<392x128xf32, #tpu.memory_space<vmem>>[vector<16xi32>, vector<16xi32>], vector<16xf32>,
            %shift_right_logical3A_447 = arith.constant 7 : i32
            %shift_right_logical3A_448 = vector.broadcast %shift_right_logical3A_447 : i32 to vector<16xi32>
            %shift_right_logical3A_449 = arith.shrui %get3A_398, %shift_right_logical3A_448 : vector<16xi32>
            %and3A_450 = arith.constant 127 : i32
            %and3A_451 = vector.broadcast %and3A_450 : i32 to vector<16xi32>
            %and3A_452 = arith.andi %get3A_398, %and3A_451 : vector<16xi32>
            tpu.vector_store_idx %arg41[%shift_right_logical3A_449, %and3A_452], %mul3A_435 {add = true} : memref<392x128xf32, #tpu.memory_space<vmem>>[vector<16xi32>, vector<16xi32>], vector<16xf32>,
            %shift_right_logical3A_453 = arith.constant 7 : i32
            %shift_right_logical3A_454 = vector.broadcast %shift_right_logical3A_453 : i32 to vector<16xi32>
            %shift_right_logical3A_455 = arith.shrui %get3A_400, %shift_right_logical3A_454 : vector<16xi32>
            %and3A_456 = arith.constant 127 : i32
            %and3A_457 = vector.broadcast %and3A_456 : i32 to vector<16xi32>
            %and3A_458 = arith.andi %get3A_400, %and3A_457 : vector<16xi32>
            tpu.vector_store_idx %arg41[%shift_right_logical3A_455, %and3A_458], %mul3A_436 {add = true} : memref<392x128xf32, #tpu.memory_space<vmem>>[vector<16xi32>, vector<16xi32>], vector<16xf32>,
            %shift_right_logical3A_459 = arith.constant 7 : i32
            %shift_right_logical3A_460 = vector.broadcast %shift_right_logical3A_459 : i32 to vector<16xi32>
            %shift_right_logical3A_461 = arith.shrui %get3A_402, %shift_right_logical3A_460 : vector<16xi32>
            %and3A_462 = arith.constant 127 : i32
            %and3A_463 = vector.broadcast %and3A_462 : i32 to vector<16xi32>
            %and3A_464 = arith.andi %get3A_402, %and3A_463 : vector<16xi32>
            tpu.vector_store_idx %arg41[%shift_right_logical3A_461, %and3A_464], %mul3A_437 {add = true} : memref<392x128xf32, #tpu.memory_space<vmem>>[vector<16xi32>, vector<16xi32>], vector<16xf32>,
            %shift_right_logical3A_465 = arith.constant 7 : i32
            %shift_right_logical3A_466 = vector.broadcast %shift_right_logical3A_465 : i32 to vector<16xi32>
            %shift_right_logical3A_467 = arith.shrui %get3A_404, %shift_right_logical3A_466 : vector<16xi32>
            %and3A_468 = arith.constant 127 : i32
            %and3A_469 = vector.broadcast %and3A_468 : i32 to vector<16xi32>
            %and3A_470 = arith.andi %get3A_404, %and3A_469 : vector<16xi32>
            tpu.vector_store_idx %arg41[%shift_right_logical3A_467, %and3A_470], %mul3A_438 {add = true} : memref<392x128xf32, #tpu.memory_space<vmem>>[vector<16xi32>, vector<16xi32>], vector<16xf32>,
            %shift_right_logical3A_471 = arith.constant 7 : i32
            %shift_right_logical3A_472 = vector.broadcast %shift_right_logical3A_471 : i32 to vector<16xi32>
            %shift_right_logical3A_473 = arith.shrui %get3A_406, %shift_right_logical3A_472 : vector<16xi32>
            %and3A_474 = arith.constant 127 : i32
            %and3A_475 = vector.broadcast %and3A_474 : i32 to vector<16xi32>
            %and3A_476 = arith.andi %get3A_406, %and3A_475 : vector<16xi32>
            tpu.vector_store_idx %arg41[%shift_right_logical3A_473, %and3A_476], %mul3A_439 {add = true} : memref<392x128xf32, #tpu.memory_space<vmem>>[vector<16xi32>, vector<16xi32>], vector<16xf32>,
            %shift_right_logical3A_477 = arith.constant 7 : i32
            %shift_right_logical3A_478 = vector.broadcast %shift_right_logical3A_477 : i32 to vector<16xi32>
            %shift_right_logical3A_479 = arith.shrui %get3A_408, %shift_right_logical3A_478 : vector<16xi32>
            %and3A_480 = arith.constant 127 : i32
            %and3A_481 = vector.broadcast %and3A_480 : i32 to vector<16xi32>
            %and3A_482 = arith.andi %get3A_408, %and3A_481 : vector<16xi32>
            tpu.vector_store_idx %arg41[%shift_right_logical3A_479, %and3A_482], %mul3A_440 {add = true} : memref<392x128xf32, #tpu.memory_space<vmem>>[vector<16xi32>, vector<16xi32>], vector<16xf32>,
            %shift_right_logical3A_483 = arith.constant 7 : i32
            %shift_right_logical3A_484 = vector.broadcast %shift_right_logical3A_483 : i32 to vector<16xi32>
            %shift_right_logical3A_485 = arith.shrui %get3A_410, %shift_right_logical3A_484 : vector<16xi32>
            %and3A_486 = arith.constant 127 : i32
            %and3A_487 = vector.broadcast %and3A_486 : i32 to vector<16xi32>
            %and3A_488 = arith.andi %get3A_410, %and3A_487 : vector<16xi32>
            tpu.vector_store_idx %arg41[%shift_right_logical3A_485, %and3A_488], %mul3A_441 {add = true} : memref<392x128xf32, #tpu.memory_space<vmem>>[vector<16xi32>, vector<16xi32>], vector<16xf32>,
          }
        } else {
        }
        %lt3A_318 = arith.constant 313 : i32
        %lt3A_319 = arith.cmpi slt, %add3A_302, %lt3A_318 : i32
        %convert_element_type3A_320 = arith.extui %lt3A_319 : i1 to i32
        %cond3A_321 = arith.constant 0 : i32
        %cond3A_322 = arith.cmpi ne, %convert_element_type3A_320, %cond3A_321 : i32
        scf.if %cond3A_322 {
          %dma_wait3A = arith.constant 0 : i32
          %dma_wait3A_335 = tpu.memref_slice %arg2[%scan3A_285, %dma_wait3A] : memref<2x1600000xi32, #tpu.memory_space<hbm>> -> memref<1x1600000xi32, #tpu.memory_space<hbm>>
          %dma_wait3A_336 = tpu.memref_squeeze %dma_wait3A_335 : memref<1x1600000xi32, #tpu.memory_space<hbm>> -> memref<1600000xi32, #tpu.memory_space<hbm>>
          %dma_wait3A_337 = arith.constant 0 : i32
          %dma_wait3A_338 = tpu.memref_slice %dma_wait3A_336[%dma_wait3A_337] : memref<1600000xi32, #tpu.memory_space<hbm>> -> memref<5120xi32, #tpu.memory_space<hbm>>
          %dma_wait3A_339 = arith.constant 0 : i32
          %dma_wait3A_340 = tpu.memref_slice %arg2[%scan3A_285, %dma_wait3A_339] : memref<2x1600000xi32, #tpu.memory_space<hbm>> -> memref<1x1600000xi32, #tpu.memory_space<hbm>>
          %dma_wait3A_341 = tpu.memref_squeeze %dma_wait3A_340 : memref<1x1600000xi32, #tpu.memory_space<hbm>> -> memref<1600000xi32, #tpu.memory_space<hbm>>
          %dma_wait3A_342 = arith.constant 0 : i32
          %dma_wait3A_343 = tpu.memref_slice %dma_wait3A_341[%dma_wait3A_342] : memref<1600000xi32, #tpu.memory_space<hbm>> -> memref<5120xi32, #tpu.memory_space<hbm>>
          tpu.wait_dma2 semaphore(%arg49 : memref<!tpu.dma_semaphore, #tpu.memory_space<semaphore_mem>>) src(%dma_wait3A_343 : memref<5120xi32, #tpu.memory_space<hbm>>) dst(%arg45 : memref<5120xi32, #tpu.memory_space<vmem>>)
          %dma_wait3A_344 = arith.constant 0 : i32
          %dma_wait3A_345 = tpu.memref_slice %arg2[%scan3A_286, %dma_wait3A_344] : memref<2x1600000xi32, #tpu.memory_space<hbm>> -> memref<1x1600000xi32, #tpu.memory_space<hbm>>
          %dma_wait3A_346 = tpu.memref_squeeze %dma_wait3A_345 : memref<1x1600000xi32, #tpu.memory_space<hbm>> -> memref<1600000xi32, #tpu.memory_space<hbm>>
          %dma_wait3A_347 = arith.constant 0 : i32
          %dma_wait3A_348 = tpu.memref_slice %dma_wait3A_346[%dma_wait3A_347] : memref<1600000xi32, #tpu.memory_space<hbm>> -> memref<5120xi32, #tpu.memory_space<hbm>>
          %dma_wait3A_349 = arith.constant 0 : i32
          %dma_wait3A_350 = tpu.memref_slice %arg2[%scan3A_286, %dma_wait3A_349] : memref<2x1600000xi32, #tpu.memory_space<hbm>> -> memref<1x1600000xi32, #tpu.memory_space<hbm>>
          %dma_wait3A_351 = tpu.memref_squeeze %dma_wait3A_350 : memref<1x1600000xi32, #tpu.memory_space<hbm>> -> memref<1600000xi32, #tpu.memory_space<hbm>>
          %dma_wait3A_352 = arith.constant 0 : i32
          %dma_wait3A_353 = tpu.memref_slice %dma_wait3A_351[%dma_wait3A_352] : memref<1600000xi32, #tpu.memory_space<hbm>> -> memref<5120xi32, #tpu.memory_space<hbm>>
          tpu.wait_dma2 semaphore(%arg49 : memref<!tpu.dma_semaphore, #tpu.memory_space<semaphore_mem>>) src(%dma_wait3A_353 : memref<5120xi32, #tpu.memory_space<hbm>>) dst(%arg46 : memref<5120xi32, #tpu.memory_space<vmem>>)
          %dma_wait3A_354 = arith.constant 0 : i32
          %dma_wait3A_355 = tpu.memref_slice %arg3[%dma_wait3A_354] : memref<1600000xf32, #tpu.memory_space<hbm>> -> memref<5120xf32, #tpu.memory_space<hbm>>
          %dma_wait3A_356 = arith.constant 0 : i32
          %dma_wait3A_357 = tpu.memref_slice %arg3[%dma_wait3A_356] : memref<1600000xf32, #tpu.memory_space<hbm>> -> memref<5120xf32, #tpu.memory_space<hbm>>
          tpu.wait_dma2 semaphore(%arg49 : memref<!tpu.dma_semaphore, #tpu.memory_space<semaphore_mem>>) src(%dma_wait3A_357 : memref<5120xf32, #tpu.memory_space<hbm>>) dst(%arg47 : memref<5120xf32, #tpu.memory_space<vmem>>)
        } else {
        }
        %add3A_323 = arith.constant 1 : i32
        %add3A_324 = arith.addi %scan3A_292, %add3A_323 : i32
        %lt3A_325 = arith.constant 10 : i32
        %lt3A_326 = arith.cmpi slt, %add3A_324, %lt3A_325 : i32
        %convert_element_type3A_327 = arith.extui %lt3A_326 : i1 to i32
        %cond3A_328 = arith.constant 0 : i32
        %cond3A_329 = arith.cmpi ne, %convert_element_type3A_327, %cond3A_328 : i32
        scf.if %cond3A_329 {
          %mul3A_335 = arith.constant 2 : i32
          %mul3A_336 = arith.muli %mul3A_335, %scan3A_292 : i32
          %add3A_337 = arith.constant 2 : i32
          %add3A_338 = arith.addi %mul3A_336, %add3A_337 : i32
          %mul3A_339 = arith.constant 16 : i32
          %mul3A_340 = arith.muli %add3A_338, %mul3A_339 : i32
          %add3A_341 = arith.addi %arg1, %mul3A_340 : i32
          %lt3A_342 = arith.constant 313 : i32
          %lt3A_343 = arith.cmpi slt, %add3A_341, %lt3A_342 : i32
          %convert_element_type3A_344 = arith.extui %lt3A_343 : i1 to i32
          %cond3A_345 = arith.constant 0 : i32
          %cond3A_346 = arith.cmpi ne, %convert_element_type3A_344, %cond3A_345 : i32
          scf.if %cond3A_346 {
            %eq3A_347 = arith.constant 312 : i32
            %eq3A_348 = arith.cmpi eq, %add3A_341, %eq3A_347 : i32
            %mul3A_349 = arith.constant 5120 : i32
            %mul3A_350 = arith.muli %add3A_341, %mul3A_349 : i32
            %jit3A = arith.constant 1594880 : i32
            %select_n3A = arith.select %eq3A_348, %jit3A, %mul3A_350 : i32
            %dma_start3A = arith.constant 0 : i32
            %dma_start3A_351 = tpu.memref_slice %arg2[%scan3A_285, %dma_start3A] : memref<2x1600000xi32, #tpu.memory_space<hbm>> -> memref<1x1600000xi32, #tpu.memory_space<hbm>>
            %dma_start3A_352 = tpu.memref_squeeze %dma_start3A_351 : memref<1x1600000xi32, #tpu.memory_space<hbm>> -> memref<1600000xi32, #tpu.memory_space<hbm>>
            %dma_start3A_353 = tpu.memref_slice %dma_start3A_352[%select_n3A] : memref<1600000xi32, #tpu.memory_space<hbm>> -> memref<5120xi32, #tpu.memory_space<hbm>>
            %dma_start3A_354 = arith.constant 0 : i32
            %dma_start3A_355 = tpu.memref_slice %arg2[%scan3A_285, %dma_start3A_354] : memref<2x1600000xi32, #tpu.memory_space<hbm>> -> memref<1x1600000xi32, #tpu.memory_space<hbm>>
            %dma_start3A_356 = tpu.memref_squeeze %dma_start3A_355 : memref<1x1600000xi32, #tpu.memory_space<hbm>> -> memref<1600000xi32, #tpu.memory_space<hbm>>
            %dma_start3A_357 = tpu.memref_slice %dma_start3A_356[%select_n3A] : memref<1600000xi32, #tpu.memory_space<hbm>> -> memref<5120xi32, #tpu.memory_space<hbm>>
            tpu.enqueue_dma source(%dma_start3A_357 : memref<5120xi32, #tpu.memory_space<hbm>>) target(%arg42 : memref<5120xi32, #tpu.memory_space<vmem>>) target_semaphore(%arg48 : memref<!tpu.dma_semaphore, #tpu.memory_space<semaphore_mem>>)
            %dma_start3A_358 = arith.constant 0 : i32
            %dma_start3A_359 = tpu.memref_slice %arg2[%scan3A_286, %dma_start3A_358] : memref<2x1600000xi32, #tpu.memory_space<hbm>> -> memref<1x1600000xi32, #tpu.memory_space<hbm>>
            %dma_start3A_360 = tpu.memref_squeeze %dma_start3A_359 : memref<1x1600000xi32, #tpu.memory_space<hbm>> -> memref<1600000xi32, #tpu.memory_space<hbm>>
            %dma_start3A_361 = tpu.memref_slice %dma_start3A_360[%select_n3A] : memref<1600000xi32, #tpu.memory_space<hbm>> -> memref<5120xi32, #tpu.memory_space<hbm>>
            %dma_start3A_362 = arith.constant 0 : i32
            %dma_start3A_363 = tpu.memref_slice %arg2[%scan3A_286, %dma_start3A_362] : memref<2x1600000xi32, #tpu.memory_space<hbm>> -> memref<1x1600000xi32, #tpu.memory_space<hbm>>
            %dma_start3A_364 = tpu.memref_squeeze %dma_start3A_363 : memref<1x1600000xi32, #tpu.memory_space<hbm>> -> memref<1600000xi32, #tpu.memory_space<hbm>>
            %dma_start3A_365 = tpu.memref_slice %dma_start3A_364[%select_n3A] : memref<1600000xi32, #tpu.memory_space<hbm>> -> memref<5120xi32, #tpu.memory_space<hbm>>
            tpu.enqueue_dma source(%dma_start3A_365 : memref<5120xi32, #tpu.memory_space<hbm>>) target(%arg43 : memref<5120xi32, #tpu.memory_space<vmem>>) target_semaphore(%arg48 : memref<!tpu.dma_semaphore, #tpu.memory_space<semaphore_mem>>)
            %dma_start3A_366 = tpu.memref_slice %arg3[%select_n3A] : memref<1600000xf32, #tpu.memory_space<hbm>> -> memref<5120xf32, #tpu.memory_space<hbm>>
            %dma_start3A_367 = tpu.memref_slice %arg3[%select_n3A] : memref<1600000xf32, #tpu.memory_space<hbm>> -> memref<5120xf32, #tpu.memory_space<hbm>>
            tpu.enqueue_dma source(%dma_start3A_367 : memref<5120xf32, #tpu.memory_space<hbm>>) target(%arg44 : memref<5120xf32, #tpu.memory_space<vmem>>) target_semaphore(%arg48 : memref<!tpu.dma_semaphore, #tpu.memory_space<semaphore_mem>>)
          } else {
          }
        } else {
        }
        %lt3A_330 = arith.constant 313 : i32
        %lt3A_331 = arith.cmpi slt, %add3A_302, %lt3A_330 : i32
        %convert_element_type3A_332 = arith.extui %lt3A_331 : i1 to i32
        %cond3A_333 = arith.constant 0 : i32
        %cond3A_334 = arith.cmpi ne, %convert_element_type3A_332, %cond3A_333 : i32
        scf.if %cond3A_334 {
          %eq3A_335 = arith.constant 312 : i32
          %eq3A_336 = arith.cmpi eq, %add3A_302, %eq3A_335 : i32
          %jit3A = arith.constant 20 : i32
          %jit3A_337 = arith.constant 0 : i32
          %select_n3A = arith.select %eq3A_336, %jit3A, %jit3A_337 : i32
          %while3A = arith.constant 0 : i32
          %while3A_338 = arith.constant 40 : i32
          %while3A_339 = arith.subi %while3A_338, %select_n3A : i32
          %while3A_340 = arith.addi %select_n3A, %while3A_339 : i32
          %while3A_341 = arith.constant 1 : i32
          %while3A_342 = arith.divsi %while3A_339, %while3A_341 : i32
          %while3A_343 = arith.muli %while3A_342, %while3A_341 : i32
          %while3A_344 = arith.addi %select_n3A, %while3A_343 : i32
          %while3A_345 = arith.constant 1 : i32
          scf.for %while3A_347 = %select_n3A to %while3A_344 step %while3A_345  : i32 {
            %mul3A_348 = arith.constant 128 : i32
            %mul3A_349 = arith.muli %while3A_347, %mul3A_348 : i32
            %add3A_350 = arith.constant 0 : i32
            %add3A_351 = arith.addi %mul3A_349, %add3A_350 : i32
            %mul3A_352 = arith.constant 128 : i32
            %mul3A_353 = arith.muli %while3A_347, %mul3A_352 : i32
            %add3A_354 = arith.constant 16 : i32
            %add3A_355 = arith.addi %mul3A_353, %add3A_354 : i32
            %mul3A_356 = arith.constant 128 : i32
            %mul3A_357 = arith.muli %while3A_347, %mul3A_356 : i32
            %add3A_358 = arith.constant 32 : i32
            %add3A_359 = arith.addi %mul3A_357, %add3A_358 : i32
            %mul3A_360 = arith.constant 128 : i32
            %mul3A_361 = arith.muli %while3A_347, %mul3A_360 : i32
            %add3A_362 = arith.constant 48 : i32
            %add3A_363 = arith.addi %mul3A_361, %add3A_362 : i32
            %mul3A_364 = arith.constant 128 : i32
            %mul3A_365 = arith.muli %while3A_347, %mul3A_364 : i32
            %add3A_366 = arith.constant 64 : i32
            %add3A_367 = arith.addi %mul3A_365, %add3A_366 : i32
            %mul3A_368 = arith.constant 128 : i32
            %mul3A_369 = arith.muli %while3A_347, %mul3A_368 : i32
            %add3A_370 = arith.constant 80 : i32
            %add3A_371 = arith.addi %mul3A_369, %add3A_370 : i32
            %mul3A_372 = arith.constant 128 : i32
            %mul3A_373 = arith.muli %while3A_347, %mul3A_372 : i32
            %add3A_374 = arith.constant 96 : i32
            %add3A_375 = arith.addi %mul3A_373, %add3A_374 : i32
            %mul3A_376 = arith.constant 128 : i32
            %mul3A_377 = arith.muli %while3A_347, %mul3A_376 : i32
            %add3A_378 = arith.constant 112 : i32
            %add3A_379 = arith.addi %mul3A_377, %add3A_378 : i32
            %get3A = arith.index_cast %add3A_351 : i32 to index
            %get3A_380 = tpu.vector_load %arg45[%get3A] {strides = array<i32>} : memref<5120xi32, #tpu.memory_space<vmem>>, vector<16xi32>,
            %get3A_381 = arith.index_cast %add3A_355 : i32 to index
            %get3A_382 = tpu.vector_load %arg45[%get3A_381] {strides = array<i32>} : memref<5120xi32, #tpu.memory_space<vmem>>, vector<16xi32>,
            %get3A_383 = arith.index_cast %add3A_359 : i32 to index
            %get3A_384 = tpu.vector_load %arg45[%get3A_383] {strides = array<i32>} : memref<5120xi32, #tpu.memory_space<vmem>>, vector<16xi32>,
            %get3A_385 = arith.index_cast %add3A_363 : i32 to index
            %get3A_386 = tpu.vector_load %arg45[%get3A_385] {strides = array<i32>} : memref<5120xi32, #tpu.memory_space<vmem>>, vector<16xi32>,
            %get3A_387 = arith.index_cast %add3A_367 : i32 to index
            %get3A_388 = tpu.vector_load %arg45[%get3A_387] {strides = array<i32>} : memref<5120xi32, #tpu.memory_space<vmem>>, vector<16xi32>,
            %get3A_389 = arith.index_cast %add3A_371 : i32 to index
            %get3A_390 = tpu.vector_load %arg45[%get3A_389] {strides = array<i32>} : memref<5120xi32, #tpu.memory_space<vmem>>, vector<16xi32>,
            %get3A_391 = arith.index_cast %add3A_375 : i32 to index
            %get3A_392 = tpu.vector_load %arg45[%get3A_391] {strides = array<i32>} : memref<5120xi32, #tpu.memory_space<vmem>>, vector<16xi32>,
            %get3A_393 = arith.index_cast %add3A_379 : i32 to index
            %get3A_394 = tpu.vector_load %arg45[%get3A_393] {strides = array<i32>} : memref<5120xi32, #tpu.memory_space<vmem>>, vector<16xi32>,
            %get3A_395 = arith.index_cast %add3A_351 : i32 to index
            %get3A_396 = tpu.vector_load %arg46[%get3A_395] {strides = array<i32>} : memref<5120xi32, #tpu.memory_space<vmem>>, vector<16xi32>,
            %get3A_397 = arith.index_cast %add3A_355 : i32 to index
            %get3A_398 = tpu.vector_load %arg46[%get3A_397] {strides = array<i32>} : memref<5120xi32, #tpu.memory_space<vmem>>, vector<16xi32>,
            %get3A_399 = arith.index_cast %add3A_359 : i32 to index
            %get3A_400 = tpu.vector_load %arg46[%get3A_399] {strides = array<i32>} : memref<5120xi32, #tpu.memory_space<vmem>>, vector<16xi32>,
            %get3A_401 = arith.index_cast %add3A_363 : i32 to index
            %get3A_402 = tpu.vector_load %arg46[%get3A_401] {strides = array<i32>} : memref<5120xi32, #tpu.memory_space<vmem>>, vector<16xi32>,
            %get3A_403 = arith.index_cast %add3A_367 : i32 to index
            %get3A_404 = tpu.vector_load %arg46[%get3A_403] {strides = array<i32>} : memref<5120xi32, #tpu.memory_space<vmem>>, vector<16xi32>,
            %get3A_405 = arith.index_cast %add3A_371 : i32 to index
            %get3A_406 = tpu.vector_load %arg46[%get3A_405] {strides = array<i32>} : memref<5120xi32, #tpu.memory_space<vmem>>, vector<16xi32>,
            %get3A_407 = arith.index_cast %add3A_375 : i32 to index
            %get3A_408 = tpu.vector_load %arg46[%get3A_407] {strides = array<i32>} : memref<5120xi32, #tpu.memory_space<vmem>>, vector<16xi32>,
            %get3A_409 = arith.index_cast %add3A_379 : i32 to index
            %get3A_410 = tpu.vector_load %arg46[%get3A_409] {strides = array<i32>} : memref<5120xi32, #tpu.memory_space<vmem>>, vector<16xi32>,
            %get3A_411 = arith.index_cast %add3A_351 : i32 to index
            %get3A_412 = tpu.vector_load %arg47[%get3A_411] {strides = array<i32>} : memref<5120xf32, #tpu.memory_space<vmem>>, vector<16xf32>,
            %get3A_413 = arith.index_cast %add3A_355 : i32 to index
            %get3A_414 = tpu.vector_load %arg47[%get3A_413] {strides = array<i32>} : memref<5120xf32, #tpu.memory_space<vmem>>, vector<16xf32>,
            %get3A_415 = arith.index_cast %add3A_359 : i32 to index
            %get3A_416 = tpu.vector_load %arg47[%get3A_415] {strides = array<i32>} : memref<5120xf32, #tpu.memory_space<vmem>>, vector<16xf32>,
            %get3A_417 = arith.index_cast %add3A_363 : i32 to index
            %get3A_418 = tpu.vector_load %arg47[%get3A_417] {strides = array<i32>} : memref<5120xf32, #tpu.memory_space<vmem>>, vector<16xf32>,
            %get3A_419 = arith.index_cast %add3A_367 : i32 to index
            %get3A_420 = tpu.vector_load %arg47[%get3A_419] {strides = array<i32>} : memref<5120xf32, #tpu.memory_space<vmem>>, vector<16xf32>,
            %get3A_421 = arith.index_cast %add3A_371 : i32 to index
            %get3A_422 = tpu.vector_load %arg47[%get3A_421] {strides = array<i32>} : memref<5120xf32, #tpu.memory_space<vmem>>, vector<16xf32>,
            %get3A_423 = arith.index_cast %add3A_375 : i32 to index
            %get3A_424 = tpu.vector_load %arg47[%get3A_423] {strides = array<i32>} : memref<5120xf32, #tpu.memory_space<vmem>>, vector<16xf32>,
            %get3A_425 = arith.index_cast %add3A_379 : i32 to index
            %get3A_426 = tpu.vector_load %arg47[%get3A_425] {strides = array<i32>} : memref<5120xf32, #tpu.memory_space<vmem>>, vector<16xf32>,
            %gather3A = tpu.vector_load_idx %arg40[%get3A_380] : memref<50000xf32, #tpu.memory_space<vmem>>[vector<16xi32>], vector<16xf32>,
            %gather3A_427 = tpu.vector_load_idx %arg40[%get3A_382] : memref<50000xf32, #tpu.memory_space<vmem>>[vector<16xi32>], vector<16xf32>,
            %gather3A_428 = tpu.vector_load_idx %arg40[%get3A_384] : memref<50000xf32, #tpu.memory_space<vmem>>[vector<16xi32>], vector<16xf32>,
            %gather3A_429 = tpu.vector_load_idx %arg40[%get3A_386] : memref<50000xf32, #tpu.memory_space<vmem>>[vector<16xi32>], vector<16xf32>,
            %gather3A_430 = tpu.vector_load_idx %arg40[%get3A_388] : memref<50000xf32, #tpu.memory_space<vmem>>[vector<16xi32>], vector<16xf32>,
            %gather3A_431 = tpu.vector_load_idx %arg40[%get3A_390] : memref<50000xf32, #tpu.memory_space<vmem>>[vector<16xi32>], vector<16xf32>,
            %gather3A_432 = tpu.vector_load_idx %arg40[%get3A_392] : memref<50000xf32, #tpu.memory_space<vmem>>[vector<16xi32>], vector<16xf32>,
            %gather3A_433 = tpu.vector_load_idx %arg40[%get3A_394] : memref<50000xf32, #tpu.memory_space<vmem>>[vector<16xi32>], vector<16xf32>,
            %mul3A_434 = arith.mulf %get3A_412, %gather3A : vector<16xf32>
            %mul3A_435 = arith.mulf %get3A_414, %gather3A_427 : vector<16xf32>
            %mul3A_436 = arith.mulf %get3A_416, %gather3A_428 : vector<16xf32>
            %mul3A_437 = arith.mulf %get3A_418, %gather3A_429 : vector<16xf32>
            %mul3A_438 = arith.mulf %get3A_420, %gather3A_430 : vector<16xf32>
            %mul3A_439 = arith.mulf %get3A_422, %gather3A_431 : vector<16xf32>
            %mul3A_440 = arith.mulf %get3A_424, %gather3A_432 : vector<16xf32>
            %mul3A_441 = arith.mulf %get3A_426, %gather3A_433 : vector<16xf32>
            %shift_right_logical3A = arith.constant 7 : i32
            %shift_right_logical3A_442 = vector.broadcast %shift_right_logical3A : i32 to vector<16xi32>
            %shift_right_logical3A_443 = arith.shrui %get3A_396, %shift_right_logical3A_442 : vector<16xi32>
            %and3A_444 = arith.constant 127 : i32
            %and3A_445 = vector.broadcast %and3A_444 : i32 to vector<16xi32>
            %and3A_446 = arith.andi %get3A_396, %and3A_445 : vector<16xi32>
            tpu.vector_store_idx %arg41[%shift_right_logical3A_443, %and3A_446], %mul3A_434 {add = true} : memref<392x128xf32, #tpu.memory_space<vmem>>[vector<16xi32>, vector<16xi32>], vector<16xf32>,
            %shift_right_logical3A_447 = arith.constant 7 : i32
            %shift_right_logical3A_448 = vector.broadcast %shift_right_logical3A_447 : i32 to vector<16xi32>
            %shift_right_logical3A_449 = arith.shrui %get3A_398, %shift_right_logical3A_448 : vector<16xi32>
            %and3A_450 = arith.constant 127 : i32
            %and3A_451 = vector.broadcast %and3A_450 : i32 to vector<16xi32>
            %and3A_452 = arith.andi %get3A_398, %and3A_451 : vector<16xi32>
            tpu.vector_store_idx %arg41[%shift_right_logical3A_449, %and3A_452], %mul3A_435 {add = true} : memref<392x128xf32, #tpu.memory_space<vmem>>[vector<16xi32>, vector<16xi32>], vector<16xf32>,
            %shift_right_logical3A_453 = arith.constant 7 : i32
            %shift_right_logical3A_454 = vector.broadcast %shift_right_logical3A_453 : i32 to vector<16xi32>
            %shift_right_logical3A_455 = arith.shrui %get3A_400, %shift_right_logical3A_454 : vector<16xi32>
            %and3A_456 = arith.constant 127 : i32
            %and3A_457 = vector.broadcast %and3A_456 : i32 to vector<16xi32>
            %and3A_458 = arith.andi %get3A_400, %and3A_457 : vector<16xi32>
            tpu.vector_store_idx %arg41[%shift_right_logical3A_455, %and3A_458], %mul3A_436 {add = true} : memref<392x128xf32, #tpu.memory_space<vmem>>[vector<16xi32>, vector<16xi32>], vector<16xf32>,
            %shift_right_logical3A_459 = arith.constant 7 : i32
            %shift_right_logical3A_460 = vector.broadcast %shift_right_logical3A_459 : i32 to vector<16xi32>
            %shift_right_logical3A_461 = arith.shrui %get3A_402, %shift_right_logical3A_460 : vector<16xi32>
            %and3A_462 = arith.constant 127 : i32
            %and3A_463 = vector.broadcast %and3A_462 : i32 to vector<16xi32>
            %and3A_464 = arith.andi %get3A_402, %and3A_463 : vector<16xi32>
            tpu.vector_store_idx %arg41[%shift_right_logical3A_461, %and3A_464], %mul3A_437 {add = true} : memref<392x128xf32, #tpu.memory_space<vmem>>[vector<16xi32>, vector<16xi32>], vector<16xf32>,
            %shift_right_logical3A_465 = arith.constant 7 : i32
            %shift_right_logical3A_466 = vector.broadcast %shift_right_logical3A_465 : i32 to vector<16xi32>
            %shift_right_logical3A_467 = arith.shrui %get3A_404, %shift_right_logical3A_466 : vector<16xi32>
            %and3A_468 = arith.constant 127 : i32
            %and3A_469 = vector.broadcast %and3A_468 : i32 to vector<16xi32>
            %and3A_470 = arith.andi %get3A_404, %and3A_469 : vector<16xi32>
            tpu.vector_store_idx %arg41[%shift_right_logical3A_467, %and3A_470], %mul3A_438 {add = true} : memref<392x128xf32, #tpu.memory_space<vmem>>[vector<16xi32>, vector<16xi32>], vector<16xf32>,
            %shift_right_logical3A_471 = arith.constant 7 : i32
            %shift_right_logical3A_472 = vector.broadcast %shift_right_logical3A_471 : i32 to vector<16xi32>
            %shift_right_logical3A_473 = arith.shrui %get3A_406, %shift_right_logical3A_472 : vector<16xi32>
            %and3A_474 = arith.constant 127 : i32
            %and3A_475 = vector.broadcast %and3A_474 : i32 to vector<16xi32>
            %and3A_476 = arith.andi %get3A_406, %and3A_475 : vector<16xi32>
            tpu.vector_store_idx %arg41[%shift_right_logical3A_473, %and3A_476], %mul3A_439 {add = true} : memref<392x128xf32, #tpu.memory_space<vmem>>[vector<16xi32>, vector<16xi32>], vector<16xf32>,
            %shift_right_logical3A_477 = arith.constant 7 : i32
            %shift_right_logical3A_478 = vector.broadcast %shift_right_logical3A_477 : i32 to vector<16xi32>
            %shift_right_logical3A_479 = arith.shrui %get3A_408, %shift_right_logical3A_478 : vector<16xi32>
            %and3A_480 = arith.constant 127 : i32
            %and3A_481 = vector.broadcast %and3A_480 : i32 to vector<16xi32>
            %and3A_482 = arith.andi %get3A_408, %and3A_481 : vector<16xi32>
            tpu.vector_store_idx %arg41[%shift_right_logical3A_479, %and3A_482], %mul3A_440 {add = true} : memref<392x128xf32, #tpu.memory_space<vmem>>[vector<16xi32>, vector<16xi32>], vector<16xf32>,
            %shift_right_logical3A_483 = arith.constant 7 : i32
            %shift_right_logical3A_484 = vector.broadcast %shift_right_logical3A_483 : i32 to vector<16xi32>
            %shift_right_logical3A_485 = arith.shrui %get3A_410, %shift_right_logical3A_484 : vector<16xi32>
            %and3A_486 = arith.constant 127 : i32
            %and3A_487 = vector.broadcast %and3A_486 : i32 to vector<16xi32>
            %and3A_488 = arith.andi %get3A_410, %and3A_487 : vector<16xi32>
            tpu.vector_store_idx %arg41[%shift_right_logical3A_485, %and3A_488], %mul3A_441 {add = true} : memref<392x128xf32, #tpu.memory_space<vmem>>[vector<16xi32>, vector<16xi32>], vector<16xf32>,
          }
          %while3A_346 = arith.constant 1 : i32
          scf.for %while3A_347 = %while3A_344 to %while3A_340 step %while3A_346  : i32 {
            %mul3A_348 = arith.constant 128 : i32
            %mul3A_349 = arith.muli %while3A_347, %mul3A_348 : i32
            %add3A_350 = arith.constant 0 : i32
            %add3A_351 = arith.addi %mul3A_349, %add3A_350 : i32
            %mul3A_352 = arith.constant 128 : i32
            %mul3A_353 = arith.muli %while3A_347, %mul3A_352 : i32
            %add3A_354 = arith.constant 16 : i32
            %add3A_355 = arith.addi %mul3A_353, %add3A_354 : i32
            %mul3A_356 = arith.constant 128 : i32
            %mul3A_357 = arith.muli %while3A_347, %mul3A_356 : i32
            %add3A_358 = arith.constant 32 : i32
            %add3A_359 = arith.addi %mul3A_357, %add3A_358 : i32
            %mul3A_360 = arith.constant 128 : i32
            %mul3A_361 = arith.muli %while3A_347, %mul3A_360 : i32
            %add3A_362 = arith.constant 48 : i32
            %add3A_363 = arith.addi %mul3A_361, %add3A_362 : i32
            %mul3A_364 = arith.constant 128 : i32
            %mul3A_365 = arith.muli %while3A_347, %mul3A_364 : i32
            %add3A_366 = arith.constant 64 : i32
            %add3A_367 = arith.addi %mul3A_365, %add3A_366 : i32
            %mul3A_368 = arith.constant 128 : i32
            %mul3A_369 = arith.muli %while3A_347, %mul3A_368 : i32
            %add3A_370 = arith.constant 80 : i32
            %add3A_371 = arith.addi %mul3A_369, %add3A_370 : i32
            %mul3A_372 = arith.constant 128 : i32
            %mul3A_373 = arith.muli %while3A_347, %mul3A_372 : i32
            %add3A_374 = arith.constant 96 : i32
            %add3A_375 = arith.addi %mul3A_373, %add3A_374 : i32
            %mul3A_376 = arith.constant 128 : i32
            %mul3A_377 = arith.muli %while3A_347, %mul3A_376 : i32
            %add3A_378 = arith.constant 112 : i32
            %add3A_379 = arith.addi %mul3A_377, %add3A_378 : i32
            %get3A = arith.index_cast %add3A_351 : i32 to index
            %get3A_380 = tpu.vector_load %arg45[%get3A] {strides = array<i32>} : memref<5120xi32, #tpu.memory_space<vmem>>, vector<16xi32>,
            %get3A_381 = arith.index_cast %add3A_355 : i32 to index
            %get3A_382 = tpu.vector_load %arg45[%get3A_381] {strides = array<i32>} : memref<5120xi32, #tpu.memory_space<vmem>>, vector<16xi32>,
            %get3A_383 = arith.index_cast %add3A_359 : i32 to index
            %get3A_384 = tpu.vector_load %arg45[%get3A_383] {strides = array<i32>} : memref<5120xi32, #tpu.memory_space<vmem>>, vector<16xi32>,
            %get3A_385 = arith.index_cast %add3A_363 : i32 to index
            %get3A_386 = tpu.vector_load %arg45[%get3A_385] {strides = array<i32>} : memref<5120xi32, #tpu.memory_space<vmem>>, vector<16xi32>,
            %get3A_387 = arith.index_cast %add3A_367 : i32 to index
            %get3A_388 = tpu.vector_load %arg45[%get3A_387] {strides = array<i32>} : memref<5120xi32, #tpu.memory_space<vmem>>, vector<16xi32>,
            %get3A_389 = arith.index_cast %add3A_371 : i32 to index
            %get3A_390 = tpu.vector_load %arg45[%get3A_389] {strides = array<i32>} : memref<5120xi32, #tpu.memory_space<vmem>>, vector<16xi32>,
            %get3A_391 = arith.index_cast %add3A_375 : i32 to index
            %get3A_392 = tpu.vector_load %arg45[%get3A_391] {strides = array<i32>} : memref<5120xi32, #tpu.memory_space<vmem>>, vector<16xi32>,
            %get3A_393 = arith.index_cast %add3A_379 : i32 to index
            %get3A_394 = tpu.vector_load %arg45[%get3A_393] {strides = array<i32>} : memref<5120xi32, #tpu.memory_space<vmem>>, vector<16xi32>,
            %get3A_395 = arith.index_cast %add3A_351 : i32 to index
            %get3A_396 = tpu.vector_load %arg46[%get3A_395] {strides = array<i32>} : memref<5120xi32, #tpu.memory_space<vmem>>, vector<16xi32>,
            %get3A_397 = arith.index_cast %add3A_355 : i32 to index
            %get3A_398 = tpu.vector_load %arg46[%get3A_397] {strides = array<i32>} : memref<5120xi32, #tpu.memory_space<vmem>>, vector<16xi32>,
            %get3A_399 = arith.index_cast %add3A_359 : i32 to index
            %get3A_400 = tpu.vector_load %arg46[%get3A_399] {strides = array<i32>} : memref<5120xi32, #tpu.memory_space<vmem>>, vector<16xi32>,
            %get3A_401 = arith.index_cast %add3A_363 : i32 to index
            %get3A_402 = tpu.vector_load %arg46[%get3A_401] {strides = array<i32>} : memref<5120xi32, #tpu.memory_space<vmem>>, vector<16xi32>,
            %get3A_403 = arith.index_cast %add3A_367 : i32 to index
            %get3A_404 = tpu.vector_load %arg46[%get3A_403] {strides = array<i32>} : memref<5120xi32, #tpu.memory_space<vmem>>, vector<16xi32>,
            %get3A_405 = arith.index_cast %add3A_371 : i32 to index
            %get3A_406 = tpu.vector_load %arg46[%get3A_405] {strides = array<i32>} : memref<5120xi32, #tpu.memory_space<vmem>>, vector<16xi32>,
            %get3A_407 = arith.index_cast %add3A_375 : i32 to index
            %get3A_408 = tpu.vector_load %arg46[%get3A_407] {strides = array<i32>} : memref<5120xi32, #tpu.memory_space<vmem>>, vector<16xi32>,
            %get3A_409 = arith.index_cast %add3A_379 : i32 to index
            %get3A_410 = tpu.vector_load %arg46[%get3A_409] {strides = array<i32>} : memref<5120xi32, #tpu.memory_space<vmem>>, vector<16xi32>,
            %get3A_411 = arith.index_cast %add3A_351 : i32 to index
            %get3A_412 = tpu.vector_load %arg47[%get3A_411] {strides = array<i32>} : memref<5120xf32, #tpu.memory_space<vmem>>, vector<16xf32>,
            %get3A_413 = arith.index_cast %add3A_355 : i32 to index
            %get3A_414 = tpu.vector_load %arg47[%get3A_413] {strides = array<i32>} : memref<5120xf32, #tpu.memory_space<vmem>>, vector<16xf32>,
            %get3A_415 = arith.index_cast %add3A_359 : i32 to index
            %get3A_416 = tpu.vector_load %arg47[%get3A_415] {strides = array<i32>} : memref<5120xf32, #tpu.memory_space<vmem>>, vector<16xf32>,
            %get3A_417 = arith.index_cast %add3A_363 : i32 to index
            %get3A_418 = tpu.vector_load %arg47[%get3A_417] {strides = array<i32>} : memref<5120xf32, #tpu.memory_space<vmem>>, vector<16xf32>,
            %get3A_419 = arith.index_cast %add3A_367 : i32 to index
            %get3A_420 = tpu.vector_load %arg47[%get3A_419] {strides = array<i32>} : memref<5120xf32, #tpu.memory_space<vmem>>, vector<16xf32>,
            %get3A_421 = arith.index_cast %add3A_371 : i32 to index
            %get3A_422 = tpu.vector_load %arg47[%get3A_421] {strides = array<i32>} : memref<5120xf32, #tpu.memory_space<vmem>>, vector<16xf32>,
            %get3A_423 = arith.index_cast %add3A_375 : i32 to index
            %get3A_424 = tpu.vector_load %arg47[%get3A_423] {strides = array<i32>} : memref<5120xf32, #tpu.memory_space<vmem>>, vector<16xf32>,
            %get3A_425 = arith.index_cast %add3A_379 : i32 to index
            %get3A_426 = tpu.vector_load %arg47[%get3A_425] {strides = array<i32>} : memref<5120xf32, #tpu.memory_space<vmem>>, vector<16xf32>,
            %gather3A = tpu.vector_load_idx %arg40[%get3A_380] : memref<50000xf32, #tpu.memory_space<vmem>>[vector<16xi32>], vector<16xf32>,
            %gather3A_427 = tpu.vector_load_idx %arg40[%get3A_382] : memref<50000xf32, #tpu.memory_space<vmem>>[vector<16xi32>], vector<16xf32>,
            %gather3A_428 = tpu.vector_load_idx %arg40[%get3A_384] : memref<50000xf32, #tpu.memory_space<vmem>>[vector<16xi32>], vector<16xf32>,
            %gather3A_429 = tpu.vector_load_idx %arg40[%get3A_386] : memref<50000xf32, #tpu.memory_space<vmem>>[vector<16xi32>], vector<16xf32>,
            %gather3A_430 = tpu.vector_load_idx %arg40[%get3A_388] : memref<50000xf32, #tpu.memory_space<vmem>>[vector<16xi32>], vector<16xf32>,
            %gather3A_431 = tpu.vector_load_idx %arg40[%get3A_390] : memref<50000xf32, #tpu.memory_space<vmem>>[vector<16xi32>], vector<16xf32>,
            %gather3A_432 = tpu.vector_load_idx %arg40[%get3A_392] : memref<50000xf32, #tpu.memory_space<vmem>>[vector<16xi32>], vector<16xf32>,
            %gather3A_433 = tpu.vector_load_idx %arg40[%get3A_394] : memref<50000xf32, #tpu.memory_space<vmem>>[vector<16xi32>], vector<16xf32>,
            %mul3A_434 = arith.mulf %get3A_412, %gather3A : vector<16xf32>
            %mul3A_435 = arith.mulf %get3A_414, %gather3A_427 : vector<16xf32>
            %mul3A_436 = arith.mulf %get3A_416, %gather3A_428 : vector<16xf32>
            %mul3A_437 = arith.mulf %get3A_418, %gather3A_429 : vector<16xf32>
            %mul3A_438 = arith.mulf %get3A_420, %gather3A_430 : vector<16xf32>
            %mul3A_439 = arith.mulf %get3A_422, %gather3A_431 : vector<16xf32>
            %mul3A_440 = arith.mulf %get3A_424, %gather3A_432 : vector<16xf32>
            %mul3A_441 = arith.mulf %get3A_426, %gather3A_433 : vector<16xf32>
            %shift_right_logical3A = arith.constant 7 : i32
            %shift_right_logical3A_442 = vector.broadcast %shift_right_logical3A : i32 to vector<16xi32>
            %shift_right_logical3A_443 = arith.shrui %get3A_396, %shift_right_logical3A_442 : vector<16xi32>
            %and3A_444 = arith.constant 127 : i32
            %and3A_445 = vector.broadcast %and3A_444 : i32 to vector<16xi32>
            %and3A_446 = arith.andi %get3A_396, %and3A_445 : vector<16xi32>
            tpu.vector_store_idx %arg41[%shift_right_logical3A_443, %and3A_446], %mul3A_434 {add = true} : memref<392x128xf32, #tpu.memory_space<vmem>>[vector<16xi32>, vector<16xi32>], vector<16xf32>,
            %shift_right_logical3A_447 = arith.constant 7 : i32
            %shift_right_logical3A_448 = vector.broadcast %shift_right_logical3A_447 : i32 to vector<16xi32>
            %shift_right_logical3A_449 = arith.shrui %get3A_398, %shift_right_logical3A_448 : vector<16xi32>
            %and3A_450 = arith.constant 127 : i32
            %and3A_451 = vector.broadcast %and3A_450 : i32 to vector<16xi32>
            %and3A_452 = arith.andi %get3A_398, %and3A_451 : vector<16xi32>
            tpu.vector_store_idx %arg41[%shift_right_logical3A_449, %and3A_452], %mul3A_435 {add = true} : memref<392x128xf32, #tpu.memory_space<vmem>>[vector<16xi32>, vector<16xi32>], vector<16xf32>,
            %shift_right_logical3A_453 = arith.constant 7 : i32
            %shift_right_logical3A_454 = vector.broadcast %shift_right_logical3A_453 : i32 to vector<16xi32>
            %shift_right_logical3A_455 = arith.shrui %get3A_400, %shift_right_logical3A_454 : vector<16xi32>
            %and3A_456 = arith.constant 127 : i32
            %and3A_457 = vector.broadcast %and3A_456 : i32 to vector<16xi32>
            %and3A_458 = arith.andi %get3A_400, %and3A_457 : vector<16xi32>
            tpu.vector_store_idx %arg41[%shift_right_logical3A_455, %and3A_458], %mul3A_436 {add = true} : memref<392x128xf32, #tpu.memory_space<vmem>>[vector<16xi32>, vector<16xi32>], vector<16xf32>,
            %shift_right_logical3A_459 = arith.constant 7 : i32
            %shift_right_logical3A_460 = vector.broadcast %shift_right_logical3A_459 : i32 to vector<16xi32>
            %shift_right_logical3A_461 = arith.shrui %get3A_402, %shift_right_logical3A_460 : vector<16xi32>
            %and3A_462 = arith.constant 127 : i32
            %and3A_463 = vector.broadcast %and3A_462 : i32 to vector<16xi32>
            %and3A_464 = arith.andi %get3A_402, %and3A_463 : vector<16xi32>
            tpu.vector_store_idx %arg41[%shift_right_logical3A_461, %and3A_464], %mul3A_437 {add = true} : memref<392x128xf32, #tpu.memory_space<vmem>>[vector<16xi32>, vector<16xi32>], vector<16xf32>,
            %shift_right_logical3A_465 = arith.constant 7 : i32
            %shift_right_logical3A_466 = vector.broadcast %shift_right_logical3A_465 : i32 to vector<16xi32>
            %shift_right_logical3A_467 = arith.shrui %get3A_404, %shift_right_logical3A_466 : vector<16xi32>
            %and3A_468 = arith.constant 127 : i32
            %and3A_469 = vector.broadcast %and3A_468 : i32 to vector<16xi32>
            %and3A_470 = arith.andi %get3A_404, %and3A_469 : vector<16xi32>
            tpu.vector_store_idx %arg41[%shift_right_logical3A_467, %and3A_470], %mul3A_438 {add = true} : memref<392x128xf32, #tpu.memory_space<vmem>>[vector<16xi32>, vector<16xi32>], vector<16xf32>,
            %shift_right_logical3A_471 = arith.constant 7 : i32
            %shift_right_logical3A_472 = vector.broadcast %shift_right_logical3A_471 : i32 to vector<16xi32>
            %shift_right_logical3A_473 = arith.shrui %get3A_406, %shift_right_logical3A_472 : vector<16xi32>
            %and3A_474 = arith.constant 127 : i32
            %and3A_475 = vector.broadcast %and3A_474 : i32 to vector<16xi32>
            %and3A_476 = arith.andi %get3A_406, %and3A_475 : vector<16xi32>
            tpu.vector_store_idx %arg41[%shift_right_logical3A_473, %and3A_476], %mul3A_439 {add = true} : memref<392x128xf32, #tpu.memory_space<vmem>>[vector<16xi32>, vector<16xi32>], vector<16xf32>,
            %shift_right_logical3A_477 = arith.constant 7 : i32
            %shift_right_logical3A_478 = vector.broadcast %shift_right_logical3A_477 : i32 to vector<16xi32>
            %shift_right_logical3A_479 = arith.shrui %get3A_408, %shift_right_logical3A_478 : vector<16xi32>
            %and3A_480 = arith.constant 127 : i32
            %and3A_481 = vector.broadcast %and3A_480 : i32 to vector<16xi32>
            %and3A_482 = arith.andi %get3A_408, %and3A_481 : vector<16xi32>
            tpu.vector_store_idx %arg41[%shift_right_logical3A_479, %and3A_482], %mul3A_440 {add = true} : memref<392x128xf32, #tpu.memory_space<vmem>>[vector<16xi32>, vector<16xi32>], vector<16xf32>,
            %shift_right_logical3A_483 = arith.constant 7 : i32
            %shift_right_logical3A_484 = vector.broadcast %shift_right_logical3A_483 : i32 to vector<16xi32>
            %shift_right_logical3A_485 = arith.shrui %get3A_410, %shift_right_logical3A_484 : vector<16xi32>
            %and3A_486 = arith.constant 127 : i32
            %and3A_487 = vector.broadcast %and3A_486 : i32 to vector<16xi32>
            %and3A_488 = arith.andi %get3A_410, %and3A_487 : vector<16xi32>
            tpu.vector_store_idx %arg41[%shift_right_logical3A_485, %and3A_488], %mul3A_441 {add = true} : memref<392x128xf32, #tpu.memory_space<vmem>>[vector<16xi32>, vector<16xi32>], vector<16xf32>,
          }
        } else {
        }
      }
      %scan3A_291 = arith.constant 10 : i32
    } else {
    }
    %eq3A_18 = arith.constant 1 : i32
    %eq3A_19 = arith.cmpi eq, %arg0, %eq3A_18 : i32
    %convert_element_type3A_20 = arith.extui %eq3A_19 : i1 to i32
    %cond3A_21 = arith.constant 0 : i32
    %cond3A_22 = arith.cmpi ne, %convert_element_type3A_20, %cond3A_21 : i32
    scf.if %cond3A_22 {
      %lt3A = arith.constant 313 : i32
      %lt3A_278 = arith.cmpi slt, %arg1, %lt3A : i32
      %convert_element_type3A_279 = arith.extui %lt3A_278 : i1 to i32
      %cond3A_280 = arith.constant 0 : i32
      %cond3A_281 = arith.constant 1 : i32
      %cond3A_282 = arith.constant 0 : i32
      %cond3A_283 = arith.cmpi ne, %convert_element_type3A_279, %cond3A_282 : i32
      scf.if %cond3A_283 {
        %eq3A_292 = arith.constant 312 : i32
        %eq3A_293 = arith.cmpi eq, %arg1, %eq3A_292 : i32
        %mul3A = arith.constant 5120 : i32
        %mul3A_294 = arith.muli %arg1, %mul3A : i32
        %jit3A = arith.constant 1594880 : i32
        %select_n3A = arith.select %eq3A_293, %jit3A, %mul3A_294 : i32
        %dma_start3A = arith.constant 0 : i32
        %dma_start3A_295 = tpu.memref_slice %arg4[%cond3A_280, %dma_start3A] : memref<2x1600000xi32, #tpu.memory_space<hbm>> -> memref<1x1600000xi32, #tpu.memory_space<hbm>>
        %dma_start3A_296 = tpu.memref_squeeze %dma_start3A_295 : memref<1x1600000xi32, #tpu.memory_space<hbm>> -> memref<1600000xi32, #tpu.memory_space<hbm>>
        %dma_start3A_297 = tpu.memref_slice %dma_start3A_296[%select_n3A] : memref<1600000xi32, #tpu.memory_space<hbm>> -> memref<5120xi32, #tpu.memory_space<hbm>>
        %dma_start3A_298 = arith.constant 0 : i32
        %dma_start3A_299 = tpu.memref_slice %arg4[%cond3A_280, %dma_start3A_298] : memref<2x1600000xi32, #tpu.memory_space<hbm>> -> memref<1x1600000xi32, #tpu.memory_space<hbm>>
        %dma_start3A_300 = tpu.memref_squeeze %dma_start3A_299 : memref<1x1600000xi32, #tpu.memory_space<hbm>> -> memref<1600000xi32, #tpu.memory_space<hbm>>
        %dma_start3A_301 = tpu.memref_slice %dma_start3A_300[%select_n3A] : memref<1600000xi32, #tpu.memory_space<hbm>> -> memref<5120xi32, #tpu.memory_space<hbm>>
        tpu.enqueue_dma source(%dma_start3A_301 : memref<5120xi32, #tpu.memory_space<hbm>>) target(%arg42 : memref<5120xi32, #tpu.memory_space<vmem>>) target_semaphore(%arg48 : memref<!tpu.dma_semaphore, #tpu.memory_space<semaphore_mem>>)
        %dma_start3A_302 = arith.constant 0 : i32
        %dma_start3A_303 = tpu.memref_slice %arg4[%cond3A_281, %dma_start3A_302] : memref<2x1600000xi32, #tpu.memory_space<hbm>> -> memref<1x1600000xi32, #tpu.memory_space<hbm>>
        %dma_start3A_304 = tpu.memref_squeeze %dma_start3A_303 : memref<1x1600000xi32, #tpu.memory_space<hbm>> -> memref<1600000xi32, #tpu.memory_space<hbm>>
        %dma_start3A_305 = tpu.memref_slice %dma_start3A_304[%select_n3A] : memref<1600000xi32, #tpu.memory_space<hbm>> -> memref<5120xi32, #tpu.memory_space<hbm>>
        %dma_start3A_306 = arith.constant 0 : i32
        %dma_start3A_307 = tpu.memref_slice %arg4[%cond3A_281, %dma_start3A_306] : memref<2x1600000xi32, #tpu.memory_space<hbm>> -> memref<1x1600000xi32, #tpu.memory_space<hbm>>
        %dma_start3A_308 = tpu.memref_squeeze %dma_start3A_307 : memref<1x1600000xi32, #tpu.memory_space<hbm>> -> memref<1600000xi32, #tpu.memory_space<hbm>>
        %dma_start3A_309 = tpu.memref_slice %dma_start3A_308[%select_n3A] : memref<1600000xi32, #tpu.memory_space<hbm>> -> memref<5120xi32, #tpu.memory_space<hbm>>
        tpu.enqueue_dma source(%dma_start3A_309 : memref<5120xi32, #tpu.memory_space<hbm>>) target(%arg43 : memref<5120xi32, #tpu.memory_space<vmem>>) target_semaphore(%arg48 : memref<!tpu.dma_semaphore, #tpu.memory_space<semaphore_mem>>)
        %dma_start3A_310 = tpu.memref_slice %arg5[%select_n3A] : memref<1600000xf32, #tpu.memory_space<hbm>> -> memref<5120xf32, #tpu.memory_space<hbm>>
        %dma_start3A_311 = tpu.memref_slice %arg5[%select_n3A] : memref<1600000xf32, #tpu.memory_space<hbm>> -> memref<5120xf32, #tpu.memory_space<hbm>>
        tpu.enqueue_dma source(%dma_start3A_311 : memref<5120xf32, #tpu.memory_space<hbm>>) target(%arg44 : memref<5120xf32, #tpu.memory_space<vmem>>) target_semaphore(%arg48 : memref<!tpu.dma_semaphore, #tpu.memory_space<semaphore_mem>>)
      } else {
      }
      tpu.wait_dma2 semaphore(%arg49 : memref<!tpu.dma_semaphore, #tpu.memory_space<semaphore_mem>>) src(%arg7 : memref<50000xf32, #tpu.memory_space<hbm>>) dst(%arg40 : memref<50000xf32, #tpu.memory_space<vmem>>)
      %scan3A_284 = arith.constant 0 : i32
      %scan3A_285 = arith.constant 0 : i32
      %scan3A_286 = arith.constant 1 : i32
      %scan3A_287 = arith.constant 0 : i32
      %scan3A_288 = arith.constant 10 : i32
      %scan3A_289 = arith.addi %scan3A_287, %scan3A_288 : i32
      %scan3A_290 = arith.constant 1 : i32
      scf.for %scan3A_292 = %scan3A_287 to %scan3A_289 step %scan3A_290  : i32 {
        %mul3A = arith.constant 2 : i32
        %mul3A_293 = arith.muli %mul3A, %scan3A_292 : i32
        %mul3A_294 = arith.constant 16 : i32
        %mul3A_295 = arith.muli %mul3A_293, %mul3A_294 : i32
        %add3A = arith.addi %arg1, %mul3A_295 : i32
        %mul3A_296 = arith.constant 2 : i32
        %mul3A_297 = arith.muli %mul3A_296, %scan3A_292 : i32
        %add3A_298 = arith.constant 1 : i32
        %add3A_299 = arith.addi %mul3A_297, %add3A_298 : i32
        %mul3A_300 = arith.constant 16 : i32
        %mul3A_301 = arith.muli %add3A_299, %mul3A_300 : i32
        %add3A_302 = arith.addi %arg1, %mul3A_301 : i32
        %lt3A_303 = arith.constant 313 : i32
        %lt3A_304 = arith.cmpi slt, %add3A, %lt3A_303 : i32
        %convert_element_type3A_305 = arith.extui %lt3A_304 : i1 to i32
        %cond3A_306 = arith.constant 0 : i32
        %cond3A_307 = arith.cmpi ne, %convert_element_type3A_305, %cond3A_306 : i32
        scf.if %cond3A_307 {
          %dma_wait3A = arith.constant 0 : i32
          %dma_wait3A_335 = tpu.memref_slice %arg4[%scan3A_285, %dma_wait3A] : memref<2x1600000xi32, #tpu.memory_space<hbm>> -> memref<1x1600000xi32, #tpu.memory_space<hbm>>
          %dma_wait3A_336 = tpu.memref_squeeze %dma_wait3A_335 : memref<1x1600000xi32, #tpu.memory_space<hbm>> -> memref<1600000xi32, #tpu.memory_space<hbm>>
          %dma_wait3A_337 = arith.constant 0 : i32
          %dma_wait3A_338 = tpu.memref_slice %dma_wait3A_336[%dma_wait3A_337] : memref<1600000xi32, #tpu.memory_space<hbm>> -> memref<5120xi32, #tpu.memory_space<hbm>>
          %dma_wait3A_339 = arith.constant 0 : i32
          %dma_wait3A_340 = tpu.memref_slice %arg4[%scan3A_285, %dma_wait3A_339] : memref<2x1600000xi32, #tpu.memory_space<hbm>> -> memref<1x1600000xi32, #tpu.memory_space<hbm>>
          %dma_wait3A_341 = tpu.memref_squeeze %dma_wait3A_340 : memref<1x1600000xi32, #tpu.memory_space<hbm>> -> memref<1600000xi32, #tpu.memory_space<hbm>>
          %dma_wait3A_342 = arith.constant 0 : i32
          %dma_wait3A_343 = tpu.memref_slice %dma_wait3A_341[%dma_wait3A_342] : memref<1600000xi32, #tpu.memory_space<hbm>> -> memref<5120xi32, #tpu.memory_space<hbm>>
          tpu.wait_dma2 semaphore(%arg48 : memref<!tpu.dma_semaphore, #tpu.memory_space<semaphore_mem>>) src(%dma_wait3A_343 : memref<5120xi32, #tpu.memory_space<hbm>>) dst(%arg42 : memref<5120xi32, #tpu.memory_space<vmem>>)
          %dma_wait3A_344 = arith.constant 0 : i32
          %dma_wait3A_345 = tpu.memref_slice %arg4[%scan3A_286, %dma_wait3A_344] : memref<2x1600000xi32, #tpu.memory_space<hbm>> -> memref<1x1600000xi32, #tpu.memory_space<hbm>>
          %dma_wait3A_346 = tpu.memref_squeeze %dma_wait3A_345 : memref<1x1600000xi32, #tpu.memory_space<hbm>> -> memref<1600000xi32, #tpu.memory_space<hbm>>
          %dma_wait3A_347 = arith.constant 0 : i32
          %dma_wait3A_348 = tpu.memref_slice %dma_wait3A_346[%dma_wait3A_347] : memref<1600000xi32, #tpu.memory_space<hbm>> -> memref<5120xi32, #tpu.memory_space<hbm>>
          %dma_wait3A_349 = arith.constant 0 : i32
          %dma_wait3A_350 = tpu.memref_slice %arg4[%scan3A_286, %dma_wait3A_349] : memref<2x1600000xi32, #tpu.memory_space<hbm>> -> memref<1x1600000xi32, #tpu.memory_space<hbm>>
          %dma_wait3A_351 = tpu.memref_squeeze %dma_wait3A_350 : memref<1x1600000xi32, #tpu.memory_space<hbm>> -> memref<1600000xi32, #tpu.memory_space<hbm>>
          %dma_wait3A_352 = arith.constant 0 : i32
          %dma_wait3A_353 = tpu.memref_slice %dma_wait3A_351[%dma_wait3A_352] : memref<1600000xi32, #tpu.memory_space<hbm>> -> memref<5120xi32, #tpu.memory_space<hbm>>
          tpu.wait_dma2 semaphore(%arg48 : memref<!tpu.dma_semaphore, #tpu.memory_space<semaphore_mem>>) src(%dma_wait3A_353 : memref<5120xi32, #tpu.memory_space<hbm>>) dst(%arg43 : memref<5120xi32, #tpu.memory_space<vmem>>)
          %dma_wait3A_354 = arith.constant 0 : i32
          %dma_wait3A_355 = tpu.memref_slice %arg5[%dma_wait3A_354] : memref<1600000xf32, #tpu.memory_space<hbm>> -> memref<5120xf32, #tpu.memory_space<hbm>>
          %dma_wait3A_356 = arith.constant 0 : i32
          %dma_wait3A_357 = tpu.memref_slice %arg5[%dma_wait3A_356] : memref<1600000xf32, #tpu.memory_space<hbm>> -> memref<5120xf32, #tpu.memory_space<hbm>>
          tpu.wait_dma2 semaphore(%arg48 : memref<!tpu.dma_semaphore, #tpu.memory_space<semaphore_mem>>) src(%dma_wait3A_357 : memref<5120xf32, #tpu.memory_space<hbm>>) dst(%arg44 : memref<5120xf32, #tpu.memory_space<vmem>>)
        } else {
        }
        %lt3A_308 = arith.constant 313 : i32
        %lt3A_309 = arith.cmpi slt, %add3A_302, %lt3A_308 : i32
        %convert_element_type3A_310 = arith.extui %lt3A_309 : i1 to i32
        %cond3A_311 = arith.constant 0 : i32
        %cond3A_312 = arith.cmpi ne, %convert_element_type3A_310, %cond3A_311 : i32
        scf.if %cond3A_312 {
          %eq3A_335 = arith.constant 312 : i32
          %eq3A_336 = arith.cmpi eq, %add3A_302, %eq3A_335 : i32
          %mul3A_337 = arith.constant 5120 : i32
          %mul3A_338 = arith.muli %add3A_302, %mul3A_337 : i32
          %jit3A = arith.constant 1594880 : i32
          %select_n3A = arith.select %eq3A_336, %jit3A, %mul3A_338 : i32
          %dma_start3A = arith.constant 0 : i32
          %dma_start3A_339 = tpu.memref_slice %arg4[%scan3A_285, %dma_start3A] : memref<2x1600000xi32, #tpu.memory_space<hbm>> -> memref<1x1600000xi32, #tpu.memory_space<hbm>>
          %dma_start3A_340 = tpu.memref_squeeze %dma_start3A_339 : memref<1x1600000xi32, #tpu.memory_space<hbm>> -> memref<1600000xi32, #tpu.memory_space<hbm>>
          %dma_start3A_341 = tpu.memref_slice %dma_start3A_340[%select_n3A] : memref<1600000xi32, #tpu.memory_space<hbm>> -> memref<5120xi32, #tpu.memory_space<hbm>>
          %dma_start3A_342 = arith.constant 0 : i32
          %dma_start3A_343 = tpu.memref_slice %arg4[%scan3A_285, %dma_start3A_342] : memref<2x1600000xi32, #tpu.memory_space<hbm>> -> memref<1x1600000xi32, #tpu.memory_space<hbm>>
          %dma_start3A_344 = tpu.memref_squeeze %dma_start3A_343 : memref<1x1600000xi32, #tpu.memory_space<hbm>> -> memref<1600000xi32, #tpu.memory_space<hbm>>
          %dma_start3A_345 = tpu.memref_slice %dma_start3A_344[%select_n3A] : memref<1600000xi32, #tpu.memory_space<hbm>> -> memref<5120xi32, #tpu.memory_space<hbm>>
          tpu.enqueue_dma source(%dma_start3A_345 : memref<5120xi32, #tpu.memory_space<hbm>>) target(%arg45 : memref<5120xi32, #tpu.memory_space<vmem>>) target_semaphore(%arg49 : memref<!tpu.dma_semaphore, #tpu.memory_space<semaphore_mem>>)
          %dma_start3A_346 = arith.constant 0 : i32
          %dma_start3A_347 = tpu.memref_slice %arg4[%scan3A_286, %dma_start3A_346] : memref<2x1600000xi32, #tpu.memory_space<hbm>> -> memref<1x1600000xi32, #tpu.memory_space<hbm>>
          %dma_start3A_348 = tpu.memref_squeeze %dma_start3A_347 : memref<1x1600000xi32, #tpu.memory_space<hbm>> -> memref<1600000xi32, #tpu.memory_space<hbm>>
          %dma_start3A_349 = tpu.memref_slice %dma_start3A_348[%select_n3A] : memref<1600000xi32, #tpu.memory_space<hbm>> -> memref<5120xi32, #tpu.memory_space<hbm>>
          %dma_start3A_350 = arith.constant 0 : i32
          %dma_start3A_351 = tpu.memref_slice %arg4[%scan3A_286, %dma_start3A_350] : memref<2x1600000xi32, #tpu.memory_space<hbm>> -> memref<1x1600000xi32, #tpu.memory_space<hbm>>
          %dma_start3A_352 = tpu.memref_squeeze %dma_start3A_351 : memref<1x1600000xi32, #tpu.memory_space<hbm>> -> memref<1600000xi32, #tpu.memory_space<hbm>>
          %dma_start3A_353 = tpu.memref_slice %dma_start3A_352[%select_n3A] : memref<1600000xi32, #tpu.memory_space<hbm>> -> memref<5120xi32, #tpu.memory_space<hbm>>
          tpu.enqueue_dma source(%dma_start3A_353 : memref<5120xi32, #tpu.memory_space<hbm>>) target(%arg46 : memref<5120xi32, #tpu.memory_space<vmem>>) target_semaphore(%arg49 : memref<!tpu.dma_semaphore, #tpu.memory_space<semaphore_mem>>)
          %dma_start3A_354 = tpu.memref_slice %arg5[%select_n3A] : memref<1600000xf32, #tpu.memory_space<hbm>> -> memref<5120xf32, #tpu.memory_space<hbm>>
          %dma_start3A_355 = tpu.memref_slice %arg5[%select_n3A] : memref<1600000xf32, #tpu.memory_space<hbm>> -> memref<5120xf32, #tpu.memory_space<hbm>>
          tpu.enqueue_dma source(%dma_start3A_355 : memref<5120xf32, #tpu.memory_space<hbm>>) target(%arg47 : memref<5120xf32, #tpu.memory_space<vmem>>) target_semaphore(%arg49 : memref<!tpu.dma_semaphore, #tpu.memory_space<semaphore_mem>>)
        } else {
        }
        %lt3A_313 = arith.constant 313 : i32
        %lt3A_314 = arith.cmpi slt, %add3A, %lt3A_313 : i32
        %convert_element_type3A_315 = arith.extui %lt3A_314 : i1 to i32
        %cond3A_316 = arith.constant 0 : i32
        %cond3A_317 = arith.cmpi ne, %convert_element_type3A_315, %cond3A_316 : i32
        scf.if %cond3A_317 {
          %eq3A_335 = arith.constant 312 : i32
          %eq3A_336 = arith.cmpi eq, %add3A, %eq3A_335 : i32
          %jit3A = arith.constant 20 : i32
          %jit3A_337 = arith.constant 0 : i32
          %select_n3A = arith.select %eq3A_336, %jit3A, %jit3A_337 : i32
          %while3A = arith.constant 0 : i32
          %while3A_338 = arith.constant 40 : i32
          %while3A_339 = arith.subi %while3A_338, %select_n3A : i32
          %while3A_340 = arith.addi %select_n3A, %while3A_339 : i32
          %while3A_341 = arith.constant 1 : i32
          %while3A_342 = arith.divsi %while3A_339, %while3A_341 : i32
          %while3A_343 = arith.muli %while3A_342, %while3A_341 : i32
          %while3A_344 = arith.addi %select_n3A, %while3A_343 : i32
          %while3A_345 = arith.constant 1 : i32
          scf.for %while3A_347 = %select_n3A to %while3A_344 step %while3A_345  : i32 {
            %mul3A_348 = arith.constant 128 : i32
            %mul3A_349 = arith.muli %while3A_347, %mul3A_348 : i32
            %add3A_350 = arith.constant 0 : i32
            %add3A_351 = arith.addi %mul3A_349, %add3A_350 : i32
            %mul3A_352 = arith.constant 128 : i32
            %mul3A_353 = arith.muli %while3A_347, %mul3A_352 : i32
            %add3A_354 = arith.constant 16 : i32
            %add3A_355 = arith.addi %mul3A_353, %add3A_354 : i32
            %mul3A_356 = arith.constant 128 : i32
            %mul3A_357 = arith.muli %while3A_347, %mul3A_356 : i32
            %add3A_358 = arith.constant 32 : i32
            %add3A_359 = arith.addi %mul3A_357, %add3A_358 : i32
            %mul3A_360 = arith.constant 128 : i32
            %mul3A_361 = arith.muli %while3A_347, %mul3A_360 : i32
            %add3A_362 = arith.constant 48 : i32
            %add3A_363 = arith.addi %mul3A_361, %add3A_362 : i32
            %mul3A_364 = arith.constant 128 : i32
            %mul3A_365 = arith.muli %while3A_347, %mul3A_364 : i32
            %add3A_366 = arith.constant 64 : i32
            %add3A_367 = arith.addi %mul3A_365, %add3A_366 : i32
            %mul3A_368 = arith.constant 128 : i32
            %mul3A_369 = arith.muli %while3A_347, %mul3A_368 : i32
            %add3A_370 = arith.constant 80 : i32
            %add3A_371 = arith.addi %mul3A_369, %add3A_370 : i32
            %mul3A_372 = arith.constant 128 : i32
            %mul3A_373 = arith.muli %while3A_347, %mul3A_372 : i32
            %add3A_374 = arith.constant 96 : i32
            %add3A_375 = arith.addi %mul3A_373, %add3A_374 : i32
            %mul3A_376 = arith.constant 128 : i32
            %mul3A_377 = arith.muli %while3A_347, %mul3A_376 : i32
            %add3A_378 = arith.constant 112 : i32
            %add3A_379 = arith.addi %mul3A_377, %add3A_378 : i32
            %get3A = arith.index_cast %add3A_351 : i32 to index
            %get3A_380 = tpu.vector_load %arg42[%get3A] {strides = array<i32>} : memref<5120xi32, #tpu.memory_space<vmem>>, vector<16xi32>,
            %get3A_381 = arith.index_cast %add3A_355 : i32 to index
            %get3A_382 = tpu.vector_load %arg42[%get3A_381] {strides = array<i32>} : memref<5120xi32, #tpu.memory_space<vmem>>, vector<16xi32>,
            %get3A_383 = arith.index_cast %add3A_359 : i32 to index
            %get3A_384 = tpu.vector_load %arg42[%get3A_383] {strides = array<i32>} : memref<5120xi32, #tpu.memory_space<vmem>>, vector<16xi32>,
            %get3A_385 = arith.index_cast %add3A_363 : i32 to index
            %get3A_386 = tpu.vector_load %arg42[%get3A_385] {strides = array<i32>} : memref<5120xi32, #tpu.memory_space<vmem>>, vector<16xi32>,
            %get3A_387 = arith.index_cast %add3A_367 : i32 to index
            %get3A_388 = tpu.vector_load %arg42[%get3A_387] {strides = array<i32>} : memref<5120xi32, #tpu.memory_space<vmem>>, vector<16xi32>,
            %get3A_389 = arith.index_cast %add3A_371 : i32 to index
            %get3A_390 = tpu.vector_load %arg42[%get3A_389] {strides = array<i32>} : memref<5120xi32, #tpu.memory_space<vmem>>, vector<16xi32>,
            %get3A_391 = arith.index_cast %add3A_375 : i32 to index
            %get3A_392 = tpu.vector_load %arg42[%get3A_391] {strides = array<i32>} : memref<5120xi32, #tpu.memory_space<vmem>>, vector<16xi32>,
            %get3A_393 = arith.index_cast %add3A_379 : i32 to index
            %get3A_394 = tpu.vector_load %arg42[%get3A_393] {strides = array<i32>} : memref<5120xi32, #tpu.memory_space<vmem>>, vector<16xi32>,
            %get3A_395 = arith.index_cast %add3A_351 : i32 to index
            %get3A_396 = tpu.vector_load %arg43[%get3A_395] {strides = array<i32>} : memref<5120xi32, #tpu.memory_space<vmem>>, vector<16xi32>,
            %get3A_397 = arith.index_cast %add3A_355 : i32 to index
            %get3A_398 = tpu.vector_load %arg43[%get3A_397] {strides = array<i32>} : memref<5120xi32, #tpu.memory_space<vmem>>, vector<16xi32>,
            %get3A_399 = arith.index_cast %add3A_359 : i32 to index
            %get3A_400 = tpu.vector_load %arg43[%get3A_399] {strides = array<i32>} : memref<5120xi32, #tpu.memory_space<vmem>>, vector<16xi32>,
            %get3A_401 = arith.index_cast %add3A_363 : i32 to index
            %get3A_402 = tpu.vector_load %arg43[%get3A_401] {strides = array<i32>} : memref<5120xi32, #tpu.memory_space<vmem>>, vector<16xi32>,
            %get3A_403 = arith.index_cast %add3A_367 : i32 to index
            %get3A_404 = tpu.vector_load %arg43[%get3A_403] {strides = array<i32>} : memref<5120xi32, #tpu.memory_space<vmem>>, vector<16xi32>,
            %get3A_405 = arith.index_cast %add3A_371 : i32 to index
            %get3A_406 = tpu.vector_load %arg43[%get3A_405] {strides = array<i32>} : memref<5120xi32, #tpu.memory_space<vmem>>, vector<16xi32>,
            %get3A_407 = arith.index_cast %add3A_375 : i32 to index
            %get3A_408 = tpu.vector_load %arg43[%get3A_407] {strides = array<i32>} : memref<5120xi32, #tpu.memory_space<vmem>>, vector<16xi32>,
            %get3A_409 = arith.index_cast %add3A_379 : i32 to index
            %get3A_410 = tpu.vector_load %arg43[%get3A_409] {strides = array<i32>} : memref<5120xi32, #tpu.memory_space<vmem>>, vector<16xi32>,
            %get3A_411 = arith.index_cast %add3A_351 : i32 to index
            %get3A_412 = tpu.vector_load %arg44[%get3A_411] {strides = array<i32>} : memref<5120xf32, #tpu.memory_space<vmem>>, vector<16xf32>,
            %get3A_413 = arith.index_cast %add3A_355 : i32 to index
            %get3A_414 = tpu.vector_load %arg44[%get3A_413] {strides = array<i32>} : memref<5120xf32, #tpu.memory_space<vmem>>, vector<16xf32>,
            %get3A_415 = arith.index_cast %add3A_359 : i32 to index
            %get3A_416 = tpu.vector_load %arg44[%get3A_415] {strides = array<i32>} : memref<5120xf32, #tpu.memory_space<vmem>>, vector<16xf32>,
            %get3A_417 = arith.index_cast %add3A_363 : i32 to index
            %get3A_418 = tpu.vector_load %arg44[%get3A_417] {strides = array<i32>} : memref<5120xf32, #tpu.memory_space<vmem>>, vector<16xf32>,
            %get3A_419 = arith.index_cast %add3A_367 : i32 to index
            %get3A_420 = tpu.vector_load %arg44[%get3A_419] {strides = array<i32>} : memref<5120xf32, #tpu.memory_space<vmem>>, vector<16xf32>,
            %get3A_421 = arith.index_cast %add3A_371 : i32 to index
            %get3A_422 = tpu.vector_load %arg44[%get3A_421] {strides = array<i32>} : memref<5120xf32, #tpu.memory_space<vmem>>, vector<16xf32>,
            %get3A_423 = arith.index_cast %add3A_375 : i32 to index
            %get3A_424 = tpu.vector_load %arg44[%get3A_423] {strides = array<i32>} : memref<5120xf32, #tpu.memory_space<vmem>>, vector<16xf32>,
            %get3A_425 = arith.index_cast %add3A_379 : i32 to index
            %get3A_426 = tpu.vector_load %arg44[%get3A_425] {strides = array<i32>} : memref<5120xf32, #tpu.memory_space<vmem>>, vector<16xf32>,
            %gather3A = tpu.vector_load_idx %arg40[%get3A_380] : memref<50000xf32, #tpu.memory_space<vmem>>[vector<16xi32>], vector<16xf32>,
            %gather3A_427 = tpu.vector_load_idx %arg40[%get3A_382] : memref<50000xf32, #tpu.memory_space<vmem>>[vector<16xi32>], vector<16xf32>,
            %gather3A_428 = tpu.vector_load_idx %arg40[%get3A_384] : memref<50000xf32, #tpu.memory_space<vmem>>[vector<16xi32>], vector<16xf32>,
            %gather3A_429 = tpu.vector_load_idx %arg40[%get3A_386] : memref<50000xf32, #tpu.memory_space<vmem>>[vector<16xi32>], vector<16xf32>,
            %gather3A_430 = tpu.vector_load_idx %arg40[%get3A_388] : memref<50000xf32, #tpu.memory_space<vmem>>[vector<16xi32>], vector<16xf32>,
            %gather3A_431 = tpu.vector_load_idx %arg40[%get3A_390] : memref<50000xf32, #tpu.memory_space<vmem>>[vector<16xi32>], vector<16xf32>,
            %gather3A_432 = tpu.vector_load_idx %arg40[%get3A_392] : memref<50000xf32, #tpu.memory_space<vmem>>[vector<16xi32>], vector<16xf32>,
            %gather3A_433 = tpu.vector_load_idx %arg40[%get3A_394] : memref<50000xf32, #tpu.memory_space<vmem>>[vector<16xi32>], vector<16xf32>,
            %mul3A_434 = arith.mulf %get3A_412, %gather3A : vector<16xf32>
            %mul3A_435 = arith.mulf %get3A_414, %gather3A_427 : vector<16xf32>
            %mul3A_436 = arith.mulf %get3A_416, %gather3A_428 : vector<16xf32>
            %mul3A_437 = arith.mulf %get3A_418, %gather3A_429 : vector<16xf32>
            %mul3A_438 = arith.mulf %get3A_420, %gather3A_430 : vector<16xf32>
            %mul3A_439 = arith.mulf %get3A_422, %gather3A_431 : vector<16xf32>
            %mul3A_440 = arith.mulf %get3A_424, %gather3A_432 : vector<16xf32>
            %mul3A_441 = arith.mulf %get3A_426, %gather3A_433 : vector<16xf32>
            %shift_right_logical3A = arith.constant 7 : i32
            %shift_right_logical3A_442 = vector.broadcast %shift_right_logical3A : i32 to vector<16xi32>
            %shift_right_logical3A_443 = arith.shrui %get3A_396, %shift_right_logical3A_442 : vector<16xi32>
            %and3A_444 = arith.constant 127 : i32
            %and3A_445 = vector.broadcast %and3A_444 : i32 to vector<16xi32>
            %and3A_446 = arith.andi %get3A_396, %and3A_445 : vector<16xi32>
            tpu.vector_store_idx %arg41[%shift_right_logical3A_443, %and3A_446], %mul3A_434 {add = true} : memref<392x128xf32, #tpu.memory_space<vmem>>[vector<16xi32>, vector<16xi32>], vector<16xf32>,
            %shift_right_logical3A_447 = arith.constant 7 : i32
            %shift_right_logical3A_448 = vector.broadcast %shift_right_logical3A_447 : i32 to vector<16xi32>
            %shift_right_logical3A_449 = arith.shrui %get3A_398, %shift_right_logical3A_448 : vector<16xi32>
            %and3A_450 = arith.constant 127 : i32
            %and3A_451 = vector.broadcast %and3A_450 : i32 to vector<16xi32>
            %and3A_452 = arith.andi %get3A_398, %and3A_451 : vector<16xi32>
            tpu.vector_store_idx %arg41[%shift_right_logical3A_449, %and3A_452], %mul3A_435 {add = true} : memref<392x128xf32, #tpu.memory_space<vmem>>[vector<16xi32>, vector<16xi32>], vector<16xf32>,
            %shift_right_logical3A_453 = arith.constant 7 : i32
            %shift_right_logical3A_454 = vector.broadcast %shift_right_logical3A_453 : i32 to vector<16xi32>
            %shift_right_logical3A_455 = arith.shrui %get3A_400, %shift_right_logical3A_454 : vector<16xi32>
            %and3A_456 = arith.constant 127 : i32
            %and3A_457 = vector.broadcast %and3A_456 : i32 to vector<16xi32>
            %and3A_458 = arith.andi %get3A_400, %and3A_457 : vector<16xi32>
            tpu.vector_store_idx %arg41[%shift_right_logical3A_455, %and3A_458], %mul3A_436 {add = true} : memref<392x128xf32, #tpu.memory_space<vmem>>[vector<16xi32>, vector<16xi32>], vector<16xf32>,
            %shift_right_logical3A_459 = arith.constant 7 : i32
            %shift_right_logical3A_460 = vector.broadcast %shift_right_logical3A_459 : i32 to vector<16xi32>
            %shift_right_logical3A_461 = arith.shrui %get3A_402, %shift_right_logical3A_460 : vector<16xi32>
            %and3A_462 = arith.constant 127 : i32
            %and3A_463 = vector.broadcast %and3A_462 : i32 to vector<16xi32>
            %and3A_464 = arith.andi %get3A_402, %and3A_463 : vector<16xi32>
            tpu.vector_store_idx %arg41[%shift_right_logical3A_461, %and3A_464], %mul3A_437 {add = true} : memref<392x128xf32, #tpu.memory_space<vmem>>[vector<16xi32>, vector<16xi32>], vector<16xf32>,
            %shift_right_logical3A_465 = arith.constant 7 : i32
            %shift_right_logical3A_466 = vector.broadcast %shift_right_logical3A_465 : i32 to vector<16xi32>
            %shift_right_logical3A_467 = arith.shrui %get3A_404, %shift_right_logical3A_466 : vector<16xi32>
            %and3A_468 = arith.constant 127 : i32
            %and3A_469 = vector.broadcast %and3A_468 : i32 to vector<16xi32>
            %and3A_470 = arith.andi %get3A_404, %and3A_469 : vector<16xi32>
            tpu.vector_store_idx %arg41[%shift_right_logical3A_467, %and3A_470], %mul3A_438 {add = true} : memref<392x128xf32, #tpu.memory_space<vmem>>[vector<16xi32>, vector<16xi32>], vector<16xf32>,
            %shift_right_logical3A_471 = arith.constant 7 : i32
            %shift_right_logical3A_472 = vector.broadcast %shift_right_logical3A_471 : i32 to vector<16xi32>
            %shift_right_logical3A_473 = arith.shrui %get3A_406, %shift_right_logical3A_472 : vector<16xi32>
            %and3A_474 = arith.constant 127 : i32
            %and3A_475 = vector.broadcast %and3A_474 : i32 to vector<16xi32>
            %and3A_476 = arith.andi %get3A_406, %and3A_475 : vector<16xi32>
            tpu.vector_store_idx %arg41[%shift_right_logical3A_473, %and3A_476], %mul3A_439 {add = true} : memref<392x128xf32, #tpu.memory_space<vmem>>[vector<16xi32>, vector<16xi32>], vector<16xf32>,
            %shift_right_logical3A_477 = arith.constant 7 : i32
            %shift_right_logical3A_478 = vector.broadcast %shift_right_logical3A_477 : i32 to vector<16xi32>
            %shift_right_logical3A_479 = arith.shrui %get3A_408, %shift_right_logical3A_478 : vector<16xi32>
            %and3A_480 = arith.constant 127 : i32
            %and3A_481 = vector.broadcast %and3A_480 : i32 to vector<16xi32>
            %and3A_482 = arith.andi %get3A_408, %and3A_481 : vector<16xi32>
            tpu.vector_store_idx %arg41[%shift_right_logical3A_479, %and3A_482], %mul3A_440 {add = true} : memref<392x128xf32, #tpu.memory_space<vmem>>[vector<16xi32>, vector<16xi32>], vector<16xf32>,
            %shift_right_logical3A_483 = arith.constant 7 : i32
            %shift_right_logical3A_484 = vector.broadcast %shift_right_logical3A_483 : i32 to vector<16xi32>
            %shift_right_logical3A_485 = arith.shrui %get3A_410, %shift_right_logical3A_484 : vector<16xi32>
            %and3A_486 = arith.constant 127 : i32
            %and3A_487 = vector.broadcast %and3A_486 : i32 to vector<16xi32>
            %and3A_488 = arith.andi %get3A_410, %and3A_487 : vector<16xi32>
            tpu.vector_store_idx %arg41[%shift_right_logical3A_485, %and3A_488], %mul3A_441 {add = true} : memref<392x128xf32, #tpu.memory_space<vmem>>[vector<16xi32>, vector<16xi32>], vector<16xf32>,
          }
          %while3A_346 = arith.constant 1 : i32
          scf.for %while3A_347 = %while3A_344 to %while3A_340 step %while3A_346  : i32 {
            %mul3A_348 = arith.constant 128 : i32
            %mul3A_349 = arith.muli %while3A_347, %mul3A_348 : i32
            %add3A_350 = arith.constant 0 : i32
            %add3A_351 = arith.addi %mul3A_349, %add3A_350 : i32
            %mul3A_352 = arith.constant 128 : i32
            %mul3A_353 = arith.muli %while3A_347, %mul3A_352 : i32
            %add3A_354 = arith.constant 16 : i32
            %add3A_355 = arith.addi %mul3A_353, %add3A_354 : i32
            %mul3A_356 = arith.constant 128 : i32
            %mul3A_357 = arith.muli %while3A_347, %mul3A_356 : i32
            %add3A_358 = arith.constant 32 : i32
            %add3A_359 = arith.addi %mul3A_357, %add3A_358 : i32
            %mul3A_360 = arith.constant 128 : i32
            %mul3A_361 = arith.muli %while3A_347, %mul3A_360 : i32
            %add3A_362 = arith.constant 48 : i32
            %add3A_363 = arith.addi %mul3A_361, %add3A_362 : i32
            %mul3A_364 = arith.constant 128 : i32
            %mul3A_365 = arith.muli %while3A_347, %mul3A_364 : i32
            %add3A_366 = arith.constant 64 : i32
            %add3A_367 = arith.addi %mul3A_365, %add3A_366 : i32
            %mul3A_368 = arith.constant 128 : i32
            %mul3A_369 = arith.muli %while3A_347, %mul3A_368 : i32
            %add3A_370 = arith.constant 80 : i32
            %add3A_371 = arith.addi %mul3A_369, %add3A_370 : i32
            %mul3A_372 = arith.constant 128 : i32
            %mul3A_373 = arith.muli %while3A_347, %mul3A_372 : i32
            %add3A_374 = arith.constant 96 : i32
            %add3A_375 = arith.addi %mul3A_373, %add3A_374 : i32
            %mul3A_376 = arith.constant 128 : i32
            %mul3A_377 = arith.muli %while3A_347, %mul3A_376 : i32
            %add3A_378 = arith.constant 112 : i32
            %add3A_379 = arith.addi %mul3A_377, %add3A_378 : i32
            %get3A = arith.index_cast %add3A_351 : i32 to index
            %get3A_380 = tpu.vector_load %arg42[%get3A] {strides = array<i32>} : memref<5120xi32, #tpu.memory_space<vmem>>, vector<16xi32>,
            %get3A_381 = arith.index_cast %add3A_355 : i32 to index
            %get3A_382 = tpu.vector_load %arg42[%get3A_381] {strides = array<i32>} : memref<5120xi32, #tpu.memory_space<vmem>>, vector<16xi32>,
            %get3A_383 = arith.index_cast %add3A_359 : i32 to index
            %get3A_384 = tpu.vector_load %arg42[%get3A_383] {strides = array<i32>} : memref<5120xi32, #tpu.memory_space<vmem>>, vector<16xi32>,
            %get3A_385 = arith.index_cast %add3A_363 : i32 to index
            %get3A_386 = tpu.vector_load %arg42[%get3A_385] {strides = array<i32>} : memref<5120xi32, #tpu.memory_space<vmem>>, vector<16xi32>,
            %get3A_387 = arith.index_cast %add3A_367 : i32 to index
            %get3A_388 = tpu.vector_load %arg42[%get3A_387] {strides = array<i32>} : memref<5120xi32, #tpu.memory_space<vmem>>, vector<16xi32>,
            %get3A_389 = arith.index_cast %add3A_371 : i32 to index
            %get3A_390 = tpu.vector_load %arg42[%get3A_389] {strides = array<i32>} : memref<5120xi32, #tpu.memory_space<vmem>>, vector<16xi32>,
            %get3A_391 = arith.index_cast %add3A_375 : i32 to index
            %get3A_392 = tpu.vector_load %arg42[%get3A_391] {strides = array<i32>} : memref<5120xi32, #tpu.memory_space<vmem>>, vector<16xi32>,
            %get3A_393 = arith.index_cast %add3A_379 : i32 to index
            %get3A_394 = tpu.vector_load %arg42[%get3A_393] {strides = array<i32>} : memref<5120xi32, #tpu.memory_space<vmem>>, vector<16xi32>,
            %get3A_395 = arith.index_cast %add3A_351 : i32 to index
            %get3A_396 = tpu.vector_load %arg43[%get3A_395] {strides = array<i32>} : memref<5120xi32, #tpu.memory_space<vmem>>, vector<16xi32>,
            %get3A_397 = arith.index_cast %add3A_355 : i32 to index
            %get3A_398 = tpu.vector_load %arg43[%get3A_397] {strides = array<i32>} : memref<5120xi32, #tpu.memory_space<vmem>>, vector<16xi32>,
            %get3A_399 = arith.index_cast %add3A_359 : i32 to index
            %get3A_400 = tpu.vector_load %arg43[%get3A_399] {strides = array<i32>} : memref<5120xi32, #tpu.memory_space<vmem>>, vector<16xi32>,
            %get3A_401 = arith.index_cast %add3A_363 : i32 to index
            %get3A_402 = tpu.vector_load %arg43[%get3A_401] {strides = array<i32>} : memref<5120xi32, #tpu.memory_space<vmem>>, vector<16xi32>,
            %get3A_403 = arith.index_cast %add3A_367 : i32 to index
            %get3A_404 = tpu.vector_load %arg43[%get3A_403] {strides = array<i32>} : memref<5120xi32, #tpu.memory_space<vmem>>, vector<16xi32>,
            %get3A_405 = arith.index_cast %add3A_371 : i32 to index
            %get3A_406 = tpu.vector_load %arg43[%get3A_405] {strides = array<i32>} : memref<5120xi32, #tpu.memory_space<vmem>>, vector<16xi32>,
            %get3A_407 = arith.index_cast %add3A_375 : i32 to index
            %get3A_408 = tpu.vector_load %arg43[%get3A_407] {strides = array<i32>} : memref<5120xi32, #tpu.memory_space<vmem>>, vector<16xi32>,
            %get3A_409 = arith.index_cast %add3A_379 : i32 to index
            %get3A_410 = tpu.vector_load %arg43[%get3A_409] {strides = array<i32>} : memref<5120xi32, #tpu.memory_space<vmem>>, vector<16xi32>,
            %get3A_411 = arith.index_cast %add3A_351 : i32 to index
            %get3A_412 = tpu.vector_load %arg44[%get3A_411] {strides = array<i32>} : memref<5120xf32, #tpu.memory_space<vmem>>, vector<16xf32>,
            %get3A_413 = arith.index_cast %add3A_355 : i32 to index
            %get3A_414 = tpu.vector_load %arg44[%get3A_413] {strides = array<i32>} : memref<5120xf32, #tpu.memory_space<vmem>>, vector<16xf32>,
            %get3A_415 = arith.index_cast %add3A_359 : i32 to index
            %get3A_416 = tpu.vector_load %arg44[%get3A_415] {strides = array<i32>} : memref<5120xf32, #tpu.memory_space<vmem>>, vector<16xf32>,
            %get3A_417 = arith.index_cast %add3A_363 : i32 to index
            %get3A_418 = tpu.vector_load %arg44[%get3A_417] {strides = array<i32>} : memref<5120xf32, #tpu.memory_space<vmem>>, vector<16xf32>,
            %get3A_419 = arith.index_cast %add3A_367 : i32 to index
            %get3A_420 = tpu.vector_load %arg44[%get3A_419] {strides = array<i32>} : memref<5120xf32, #tpu.memory_space<vmem>>, vector<16xf32>,
            %get3A_421 = arith.index_cast %add3A_371 : i32 to index
            %get3A_422 = tpu.vector_load %arg44[%get3A_421] {strides = array<i32>} : memref<5120xf32, #tpu.memory_space<vmem>>, vector<16xf32>,
            %get3A_423 = arith.index_cast %add3A_375 : i32 to index
            %get3A_424 = tpu.vector_load %arg44[%get3A_423] {strides = array<i32>} : memref<5120xf32, #tpu.memory_space<vmem>>, vector<16xf32>,
            %get3A_425 = arith.index_cast %add3A_379 : i32 to index
            %get3A_426 = tpu.vector_load %arg44[%get3A_425] {strides = array<i32>} : memref<5120xf32, #tpu.memory_space<vmem>>, vector<16xf32>,
            %gather3A = tpu.vector_load_idx %arg40[%get3A_380] : memref<50000xf32, #tpu.memory_space<vmem>>[vector<16xi32>], vector<16xf32>,
            %gather3A_427 = tpu.vector_load_idx %arg40[%get3A_382] : memref<50000xf32, #tpu.memory_space<vmem>>[vector<16xi32>], vector<16xf32>,
            %gather3A_428 = tpu.vector_load_idx %arg40[%get3A_384] : memref<50000xf32, #tpu.memory_space<vmem>>[vector<16xi32>], vector<16xf32>,
            %gather3A_429 = tpu.vector_load_idx %arg40[%get3A_386] : memref<50000xf32, #tpu.memory_space<vmem>>[vector<16xi32>], vector<16xf32>,
            %gather3A_430 = tpu.vector_load_idx %arg40[%get3A_388] : memref<50000xf32, #tpu.memory_space<vmem>>[vector<16xi32>], vector<16xf32>,
            %gather3A_431 = tpu.vector_load_idx %arg40[%get3A_390] : memref<50000xf32, #tpu.memory_space<vmem>>[vector<16xi32>], vector<16xf32>,
            %gather3A_432 = tpu.vector_load_idx %arg40[%get3A_392] : memref<50000xf32, #tpu.memory_space<vmem>>[vector<16xi32>], vector<16xf32>,
            %gather3A_433 = tpu.vector_load_idx %arg40[%get3A_394] : memref<50000xf32, #tpu.memory_space<vmem>>[vector<16xi32>], vector<16xf32>,
            %mul3A_434 = arith.mulf %get3A_412, %gather3A : vector<16xf32>
            %mul3A_435 = arith.mulf %get3A_414, %gather3A_427 : vector<16xf32>
            %mul3A_436 = arith.mulf %get3A_416, %gather3A_428 : vector<16xf32>
            %mul3A_437 = arith.mulf %get3A_418, %gather3A_429 : vector<16xf32>
            %mul3A_438 = arith.mulf %get3A_420, %gather3A_430 : vector<16xf32>
            %mul3A_439 = arith.mulf %get3A_422, %gather3A_431 : vector<16xf32>
            %mul3A_440 = arith.mulf %get3A_424, %gather3A_432 : vector<16xf32>
            %mul3A_441 = arith.mulf %get3A_426, %gather3A_433 : vector<16xf32>
            %shift_right_logical3A = arith.constant 7 : i32
            %shift_right_logical3A_442 = vector.broadcast %shift_right_logical3A : i32 to vector<16xi32>
            %shift_right_logical3A_443 = arith.shrui %get3A_396, %shift_right_logical3A_442 : vector<16xi32>
            %and3A_444 = arith.constant 127 : i32
            %and3A_445 = vector.broadcast %and3A_444 : i32 to vector<16xi32>
            %and3A_446 = arith.andi %get3A_396, %and3A_445 : vector<16xi32>
            tpu.vector_store_idx %arg41[%shift_right_logical3A_443, %and3A_446], %mul3A_434 {add = true} : memref<392x128xf32, #tpu.memory_space<vmem>>[vector<16xi32>, vector<16xi32>], vector<16xf32>,
            %shift_right_logical3A_447 = arith.constant 7 : i32
            %shift_right_logical3A_448 = vector.broadcast %shift_right_logical3A_447 : i32 to vector<16xi32>
            %shift_right_logical3A_449 = arith.shrui %get3A_398, %shift_right_logical3A_448 : vector<16xi32>
            %and3A_450 = arith.constant 127 : i32
            %and3A_451 = vector.broadcast %and3A_450 : i32 to vector<16xi32>
            %and3A_452 = arith.andi %get3A_398, %and3A_451 : vector<16xi32>
            tpu.vector_store_idx %arg41[%shift_right_logical3A_449, %and3A_452], %mul3A_435 {add = true} : memref<392x128xf32, #tpu.memory_space<vmem>>[vector<16xi32>, vector<16xi32>], vector<16xf32>,
            %shift_right_logical3A_453 = arith.constant 7 : i32
            %shift_right_logical3A_454 = vector.broadcast %shift_right_logical3A_453 : i32 to vector<16xi32>
            %shift_right_logical3A_455 = arith.shrui %get3A_400, %shift_right_logical3A_454 : vector<16xi32>
            %and3A_456 = arith.constant 127 : i32
            %and3A_457 = vector.broadcast %and3A_456 : i32 to vector<16xi32>
            %and3A_458 = arith.andi %get3A_400, %and3A_457 : vector<16xi32>
            tpu.vector_store_idx %arg41[%shift_right_logical3A_455, %and3A_458], %mul3A_436 {add = true} : memref<392x128xf32, #tpu.memory_space<vmem>>[vector<16xi32>, vector<16xi32>], vector<16xf32>,
            %shift_right_logical3A_459 = arith.constant 7 : i32
            %shift_right_logical3A_460 = vector.broadcast %shift_right_logical3A_459 : i32 to vector<16xi32>
            %shift_right_logical3A_461 = arith.shrui %get3A_402, %shift_right_logical3A_460 : vector<16xi32>
            %and3A_462 = arith.constant 127 : i32
            %and3A_463 = vector.broadcast %and3A_462 : i32 to vector<16xi32>
            %and3A_464 = arith.andi %get3A_402, %and3A_463 : vector<16xi32>
            tpu.vector_store_idx %arg41[%shift_right_logical3A_461, %and3A_464], %mul3A_437 {add = true} : memref<392x128xf32, #tpu.memory_space<vmem>>[vector<16xi32>, vector<16xi32>], vector<16xf32>,
            %shift_right_logical3A_465 = arith.constant 7 : i32
            %shift_right_logical3A_466 = vector.broadcast %shift_right_logical3A_465 : i32 to vector<16xi32>
            %shift_right_logical3A_467 = arith.shrui %get3A_404, %shift_right_logical3A_466 : vector<16xi32>
            %and3A_468 = arith.constant 127 : i32
            %and3A_469 = vector.broadcast %and3A_468 : i32 to vector<16xi32>
            %and3A_470 = arith.andi %get3A_404, %and3A_469 : vector<16xi32>
            tpu.vector_store_idx %arg41[%shift_right_logical3A_467, %and3A_470], %mul3A_438 {add = true} : memref<392x128xf32, #tpu.memory_space<vmem>>[vector<16xi32>, vector<16xi32>], vector<16xf32>,
            %shift_right_logical3A_471 = arith.constant 7 : i32
            %shift_right_logical3A_472 = vector.broadcast %shift_right_logical3A_471 : i32 to vector<16xi32>
            %shift_right_logical3A_473 = arith.shrui %get3A_406, %shift_right_logical3A_472 : vector<16xi32>
            %and3A_474 = arith.constant 127 : i32
            %and3A_475 = vector.broadcast %and3A_474 : i32 to vector<16xi32>
            %and3A_476 = arith.andi %get3A_406, %and3A_475 : vector<16xi32>
            tpu.vector_store_idx %arg41[%shift_right_logical3A_473, %and3A_476], %mul3A_439 {add = true} : memref<392x128xf32, #tpu.memory_space<vmem>>[vector<16xi32>, vector<16xi32>], vector<16xf32>,
            %shift_right_logical3A_477 = arith.constant 7 : i32
            %shift_right_logical3A_478 = vector.broadcast %shift_right_logical3A_477 : i32 to vector<16xi32>
            %shift_right_logical3A_479 = arith.shrui %get3A_408, %shift_right_logical3A_478 : vector<16xi32>
            %and3A_480 = arith.constant 127 : i32
            %and3A_481 = vector.broadcast %and3A_480 : i32 to vector<16xi32>
            %and3A_482 = arith.andi %get3A_408, %and3A_481 : vector<16xi32>
            tpu.vector_store_idx %arg41[%shift_right_logical3A_479, %and3A_482], %mul3A_440 {add = true} : memref<392x128xf32, #tpu.memory_space<vmem>>[vector<16xi32>, vector<16xi32>], vector<16xf32>,
            %shift_right_logical3A_483 = arith.constant 7 : i32
            %shift_right_logical3A_484 = vector.broadcast %shift_right_logical3A_483 : i32 to vector<16xi32>
            %shift_right_logical3A_485 = arith.shrui %get3A_410, %shift_right_logical3A_484 : vector<16xi32>
            %and3A_486 = arith.constant 127 : i32
            %and3A_487 = vector.broadcast %and3A_486 : i32 to vector<16xi32>
            %and3A_488 = arith.andi %get3A_410, %and3A_487 : vector<16xi32>
            tpu.vector_store_idx %arg41[%shift_right_logical3A_485, %and3A_488], %mul3A_441 {add = true} : memref<392x128xf32, #tpu.memory_space<vmem>>[vector<16xi32>, vector<16xi32>], vector<16xf32>,
          }
        } else {
        }
        %lt3A_318 = arith.constant 313 : i32
        %lt3A_319 = arith.cmpi slt, %add3A_302, %lt3A_318 : i32
        %convert_element_type3A_320 = arith.extui %lt3A_319 : i1 to i32
        %cond3A_321 = arith.constant 0 : i32
        %cond3A_322 = arith.cmpi ne, %convert_element_type3A_320, %cond3A_321 : i32
        scf.if %cond3A_322 {
          %dma_wait3A = arith.constant 0 : i32
          %dma_wait3A_335 = tpu.memref_slice %arg4[%scan3A_285, %dma_wait3A] : memref<2x1600000xi32, #tpu.memory_space<hbm>> -> memref<1x1600000xi32, #tpu.memory_space<hbm>>
          %dma_wait3A_336 = tpu.memref_squeeze %dma_wait3A_335 : memref<1x1600000xi32, #tpu.memory_space<hbm>> -> memref<1600000xi32, #tpu.memory_space<hbm>>
          %dma_wait3A_337 = arith.constant 0 : i32
          %dma_wait3A_338 = tpu.memref_slice %dma_wait3A_336[%dma_wait3A_337] : memref<1600000xi32, #tpu.memory_space<hbm>> -> memref<5120xi32, #tpu.memory_space<hbm>>
          %dma_wait3A_339 = arith.constant 0 : i32
          %dma_wait3A_340 = tpu.memref_slice %arg4[%scan3A_285, %dma_wait3A_339] : memref<2x1600000xi32, #tpu.memory_space<hbm>> -> memref<1x1600000xi32, #tpu.memory_space<hbm>>
          %dma_wait3A_341 = tpu.memref_squeeze %dma_wait3A_340 : memref<1x1600000xi32, #tpu.memory_space<hbm>> -> memref<1600000xi32, #tpu.memory_space<hbm>>
          %dma_wait3A_342 = arith.constant 0 : i32
          %dma_wait3A_343 = tpu.memref_slice %dma_wait3A_341[%dma_wait3A_342] : memref<1600000xi32, #tpu.memory_space<hbm>> -> memref<5120xi32, #tpu.memory_space<hbm>>
          tpu.wait_dma2 semaphore(%arg49 : memref<!tpu.dma_semaphore, #tpu.memory_space<semaphore_mem>>) src(%dma_wait3A_343 : memref<5120xi32, #tpu.memory_space<hbm>>) dst(%arg45 : memref<5120xi32, #tpu.memory_space<vmem>>)
          %dma_wait3A_344 = arith.constant 0 : i32
          %dma_wait3A_345 = tpu.memref_slice %arg4[%scan3A_286, %dma_wait3A_344] : memref<2x1600000xi32, #tpu.memory_space<hbm>> -> memref<1x1600000xi32, #tpu.memory_space<hbm>>
          %dma_wait3A_346 = tpu.memref_squeeze %dma_wait3A_345 : memref<1x1600000xi32, #tpu.memory_space<hbm>> -> memref<1600000xi32, #tpu.memory_space<hbm>>
          %dma_wait3A_347 = arith.constant 0 : i32
          %dma_wait3A_348 = tpu.memref_slice %dma_wait3A_346[%dma_wait3A_347] : memref<1600000xi32, #tpu.memory_space<hbm>> -> memref<5120xi32, #tpu.memory_space<hbm>>
          %dma_wait3A_349 = arith.constant 0 : i32
          %dma_wait3A_350 = tpu.memref_slice %arg4[%scan3A_286, %dma_wait3A_349] : memref<2x1600000xi32, #tpu.memory_space<hbm>> -> memref<1x1600000xi32, #tpu.memory_space<hbm>>
          %dma_wait3A_351 = tpu.memref_squeeze %dma_wait3A_350 : memref<1x1600000xi32, #tpu.memory_space<hbm>> -> memref<1600000xi32, #tpu.memory_space<hbm>>
          %dma_wait3A_352 = arith.constant 0 : i32
          %dma_wait3A_353 = tpu.memref_slice %dma_wait3A_351[%dma_wait3A_352] : memref<1600000xi32, #tpu.memory_space<hbm>> -> memref<5120xi32, #tpu.memory_space<hbm>>
          tpu.wait_dma2 semaphore(%arg49 : memref<!tpu.dma_semaphore, #tpu.memory_space<semaphore_mem>>) src(%dma_wait3A_353 : memref<5120xi32, #tpu.memory_space<hbm>>) dst(%arg46 : memref<5120xi32, #tpu.memory_space<vmem>>)
          %dma_wait3A_354 = arith.constant 0 : i32
          %dma_wait3A_355 = tpu.memref_slice %arg5[%dma_wait3A_354] : memref<1600000xf32, #tpu.memory_space<hbm>> -> memref<5120xf32, #tpu.memory_space<hbm>>
          %dma_wait3A_356 = arith.constant 0 : i32
          %dma_wait3A_357 = tpu.memref_slice %arg5[%dma_wait3A_356] : memref<1600000xf32, #tpu.memory_space<hbm>> -> memref<5120xf32, #tpu.memory_space<hbm>>
          tpu.wait_dma2 semaphore(%arg49 : memref<!tpu.dma_semaphore, #tpu.memory_space<semaphore_mem>>) src(%dma_wait3A_357 : memref<5120xf32, #tpu.memory_space<hbm>>) dst(%arg47 : memref<5120xf32, #tpu.memory_space<vmem>>)
        } else {
        }
        %add3A_323 = arith.constant 1 : i32
        %add3A_324 = arith.addi %scan3A_292, %add3A_323 : i32
        %lt3A_325 = arith.constant 10 : i32
        %lt3A_326 = arith.cmpi slt, %add3A_324, %lt3A_325 : i32
        %convert_element_type3A_327 = arith.extui %lt3A_326 : i1 to i32
        %cond3A_328 = arith.constant 0 : i32
        %cond3A_329 = arith.cmpi ne, %convert_element_type3A_327, %cond3A_328 : i32
        scf.if %cond3A_329 {
          %mul3A_335 = arith.constant 2 : i32
          %mul3A_336 = arith.muli %mul3A_335, %scan3A_292 : i32
          %add3A_337 = arith.constant 2 : i32
          %add3A_338 = arith.addi %mul3A_336, %add3A_337 : i32
          %mul3A_339 = arith.constant 16 : i32
          %mul3A_340 = arith.muli %add3A_338, %mul3A_339 : i32
          %add3A_341 = arith.addi %arg1, %mul3A_340 : i32
          %lt3A_342 = arith.constant 313 : i32
          %lt3A_343 = arith.cmpi slt, %add3A_341, %lt3A_342 : i32
          %convert_element_type3A_344 = arith.extui %lt3A_343 : i1 to i32
          %cond3A_345 = arith.constant 0 : i32
          %cond3A_346 = arith.cmpi ne, %convert_element_type3A_344, %cond3A_345 : i32
          scf.if %cond3A_346 {
            %eq3A_347 = arith.constant 312 : i32
            %eq3A_348 = arith.cmpi eq, %add3A_341, %eq3A_347 : i32
            %mul3A_349 = arith.constant 5120 : i32
            %mul3A_350 = arith.muli %add3A_341, %mul3A_349 : i32
            %jit3A = arith.constant 1594880 : i32
            %select_n3A = arith.select %eq3A_348, %jit3A, %mul3A_350 : i32
            %dma_start3A = arith.constant 0 : i32
            %dma_start3A_351 = tpu.memref_slice %arg4[%scan3A_285, %dma_start3A] : memref<2x1600000xi32, #tpu.memory_space<hbm>> -> memref<1x1600000xi32, #tpu.memory_space<hbm>>
            %dma_start3A_352 = tpu.memref_squeeze %dma_start3A_351 : memref<1x1600000xi32, #tpu.memory_space<hbm>> -> memref<1600000xi32, #tpu.memory_space<hbm>>
            %dma_start3A_353 = tpu.memref_slice %dma_start3A_352[%select_n3A] : memref<1600000xi32, #tpu.memory_space<hbm>> -> memref<5120xi32, #tpu.memory_space<hbm>>
            %dma_start3A_354 = arith.constant 0 : i32
            %dma_start3A_355 = tpu.memref_slice %arg4[%scan3A_285, %dma_start3A_354] : memref<2x1600000xi32, #tpu.memory_space<hbm>> -> memref<1x1600000xi32, #tpu.memory_space<hbm>>
            %dma_start3A_356 = tpu.memref_squeeze %dma_start3A_355 : memref<1x1600000xi32, #tpu.memory_space<hbm>> -> memref<1600000xi32, #tpu.memory_space<hbm>>
            %dma_start3A_357 = tpu.memref_slice %dma_start3A_356[%select_n3A] : memref<1600000xi32, #tpu.memory_space<hbm>> -> memref<5120xi32, #tpu.memory_space<hbm>>
            tpu.enqueue_dma source(%dma_start3A_357 : memref<5120xi32, #tpu.memory_space<hbm>>) target(%arg42 : memref<5120xi32, #tpu.memory_space<vmem>>) target_semaphore(%arg48 : memref<!tpu.dma_semaphore, #tpu.memory_space<semaphore_mem>>)
            %dma_start3A_358 = arith.constant 0 : i32
            %dma_start3A_359 = tpu.memref_slice %arg4[%scan3A_286, %dma_start3A_358] : memref<2x1600000xi32, #tpu.memory_space<hbm>> -> memref<1x1600000xi32, #tpu.memory_space<hbm>>
            %dma_start3A_360 = tpu.memref_squeeze %dma_start3A_359 : memref<1x1600000xi32, #tpu.memory_space<hbm>> -> memref<1600000xi32, #tpu.memory_space<hbm>>
            %dma_start3A_361 = tpu.memref_slice %dma_start3A_360[%select_n3A] : memref<1600000xi32, #tpu.memory_space<hbm>> -> memref<5120xi32, #tpu.memory_space<hbm>>
            %dma_start3A_362 = arith.constant 0 : i32
            %dma_start3A_363 = tpu.memref_slice %arg4[%scan3A_286, %dma_start3A_362] : memref<2x1600000xi32, #tpu.memory_space<hbm>> -> memref<1x1600000xi32, #tpu.memory_space<hbm>>
            %dma_start3A_364 = tpu.memref_squeeze %dma_start3A_363 : memref<1x1600000xi32, #tpu.memory_space<hbm>> -> memref<1600000xi32, #tpu.memory_space<hbm>>
            %dma_start3A_365 = tpu.memref_slice %dma_start3A_364[%select_n3A] : memref<1600000xi32, #tpu.memory_space<hbm>> -> memref<5120xi32, #tpu.memory_space<hbm>>
            tpu.enqueue_dma source(%dma_start3A_365 : memref<5120xi32, #tpu.memory_space<hbm>>) target(%arg43 : memref<5120xi32, #tpu.memory_space<vmem>>) target_semaphore(%arg48 : memref<!tpu.dma_semaphore, #tpu.memory_space<semaphore_mem>>)
            %dma_start3A_366 = tpu.memref_slice %arg5[%select_n3A] : memref<1600000xf32, #tpu.memory_space<hbm>> -> memref<5120xf32, #tpu.memory_space<hbm>>
            %dma_start3A_367 = tpu.memref_slice %arg5[%select_n3A] : memref<1600000xf32, #tpu.memory_space<hbm>> -> memref<5120xf32, #tpu.memory_space<hbm>>
            tpu.enqueue_dma source(%dma_start3A_367 : memref<5120xf32, #tpu.memory_space<hbm>>) target(%arg44 : memref<5120xf32, #tpu.memory_space<vmem>>) target_semaphore(%arg48 : memref<!tpu.dma_semaphore, #tpu.memory_space<semaphore_mem>>)
          } else {
          }
        } else {
        }
        %lt3A_330 = arith.constant 313 : i32
        %lt3A_331 = arith.cmpi slt, %add3A_302, %lt3A_330 : i32
        %convert_element_type3A_332 = arith.extui %lt3A_331 : i1 to i32
        %cond3A_333 = arith.constant 0 : i32
        %cond3A_334 = arith.cmpi ne, %convert_element_type3A_332, %cond3A_333 : i32
        scf.if %cond3A_334 {
          %eq3A_335 = arith.constant 312 : i32
          %eq3A_336 = arith.cmpi eq, %add3A_302, %eq3A_335 : i32
          %jit3A = arith.constant 20 : i32
          %jit3A_337 = arith.constant 0 : i32
          %select_n3A = arith.select %eq3A_336, %jit3A, %jit3A_337 : i32
          %while3A = arith.constant 0 : i32
          %while3A_338 = arith.constant 40 : i32
          %while3A_339 = arith.subi %while3A_338, %select_n3A : i32
          %while3A_340 = arith.addi %select_n3A, %while3A_339 : i32
          %while3A_341 = arith.constant 1 : i32
          %while3A_342 = arith.divsi %while3A_339, %while3A_341 : i32
          %while3A_343 = arith.muli %while3A_342, %while3A_341 : i32
          %while3A_344 = arith.addi %select_n3A, %while3A_343 : i32
          %while3A_345 = arith.constant 1 : i32
          scf.for %while3A_347 = %select_n3A to %while3A_344 step %while3A_345  : i32 {
            %mul3A_348 = arith.constant 128 : i32
            %mul3A_349 = arith.muli %while3A_347, %mul3A_348 : i32
            %add3A_350 = arith.constant 0 : i32
            %add3A_351 = arith.addi %mul3A_349, %add3A_350 : i32
            %mul3A_352 = arith.constant 128 : i32
            %mul3A_353 = arith.muli %while3A_347, %mul3A_352 : i32
            %add3A_354 = arith.constant 16 : i32
            %add3A_355 = arith.addi %mul3A_353, %add3A_354 : i32
            %mul3A_356 = arith.constant 128 : i32
            %mul3A_357 = arith.muli %while3A_347, %mul3A_356 : i32
            %add3A_358 = arith.constant 32 : i32
            %add3A_359 = arith.addi %mul3A_357, %add3A_358 : i32
            %mul3A_360 = arith.constant 128 : i32
            %mul3A_361 = arith.muli %while3A_347, %mul3A_360 : i32
            %add3A_362 = arith.constant 48 : i32
            %add3A_363 = arith.addi %mul3A_361, %add3A_362 : i32
            %mul3A_364 = arith.constant 128 : i32
            %mul3A_365 = arith.muli %while3A_347, %mul3A_364 : i32
            %add3A_366 = arith.constant 64 : i32
            %add3A_367 = arith.addi %mul3A_365, %add3A_366 : i32
            %mul3A_368 = arith.constant 128 : i32
            %mul3A_369 = arith.muli %while3A_347, %mul3A_368 : i32
            %add3A_370 = arith.constant 80 : i32
            %add3A_371 = arith.addi %mul3A_369, %add3A_370 : i32
            %mul3A_372 = arith.constant 128 : i32
            %mul3A_373 = arith.muli %while3A_347, %mul3A_372 : i32
            %add3A_374 = arith.constant 96 : i32
            %add3A_375 = arith.addi %mul3A_373, %add3A_374 : i32
            %mul3A_376 = arith.constant 128 : i32
            %mul3A_377 = arith.muli %while3A_347, %mul3A_376 : i32
            %add3A_378 = arith.constant 112 : i32
            %add3A_379 = arith.addi %mul3A_377, %add3A_378 : i32
            %get3A = arith.index_cast %add3A_351 : i32 to index
            %get3A_380 = tpu.vector_load %arg45[%get3A] {strides = array<i32>} : memref<5120xi32, #tpu.memory_space<vmem>>, vector<16xi32>,
            %get3A_381 = arith.index_cast %add3A_355 : i32 to index
            %get3A_382 = tpu.vector_load %arg45[%get3A_381] {strides = array<i32>} : memref<5120xi32, #tpu.memory_space<vmem>>, vector<16xi32>,
            %get3A_383 = arith.index_cast %add3A_359 : i32 to index
            %get3A_384 = tpu.vector_load %arg45[%get3A_383] {strides = array<i32>} : memref<5120xi32, #tpu.memory_space<vmem>>, vector<16xi32>,
            %get3A_385 = arith.index_cast %add3A_363 : i32 to index
            %get3A_386 = tpu.vector_load %arg45[%get3A_385] {strides = array<i32>} : memref<5120xi32, #tpu.memory_space<vmem>>, vector<16xi32>,
            %get3A_387 = arith.index_cast %add3A_367 : i32 to index
            %get3A_388 = tpu.vector_load %arg45[%get3A_387] {strides = array<i32>} : memref<5120xi32, #tpu.memory_space<vmem>>, vector<16xi32>,
            %get3A_389 = arith.index_cast %add3A_371 : i32 to index
            %get3A_390 = tpu.vector_load %arg45[%get3A_389] {strides = array<i32>} : memref<5120xi32, #tpu.memory_space<vmem>>, vector<16xi32>,
            %get3A_391 = arith.index_cast %add3A_375 : i32 to index
            %get3A_392 = tpu.vector_load %arg45[%get3A_391] {strides = array<i32>} : memref<5120xi32, #tpu.memory_space<vmem>>, vector<16xi32>,
            %get3A_393 = arith.index_cast %add3A_379 : i32 to index
            %get3A_394 = tpu.vector_load %arg45[%get3A_393] {strides = array<i32>} : memref<5120xi32, #tpu.memory_space<vmem>>, vector<16xi32>,
            %get3A_395 = arith.index_cast %add3A_351 : i32 to index
            %get3A_396 = tpu.vector_load %arg46[%get3A_395] {strides = array<i32>} : memref<5120xi32, #tpu.memory_space<vmem>>, vector<16xi32>,
            %get3A_397 = arith.index_cast %add3A_355 : i32 to index
            %get3A_398 = tpu.vector_load %arg46[%get3A_397] {strides = array<i32>} : memref<5120xi32, #tpu.memory_space<vmem>>, vector<16xi32>,
            %get3A_399 = arith.index_cast %add3A_359 : i32 to index
            %get3A_400 = tpu.vector_load %arg46[%get3A_399] {strides = array<i32>} : memref<5120xi32, #tpu.memory_space<vmem>>, vector<16xi32>,
            %get3A_401 = arith.index_cast %add3A_363 : i32 to index
            %get3A_402 = tpu.vector_load %arg46[%get3A_401] {strides = array<i32>} : memref<5120xi32, #tpu.memory_space<vmem>>, vector<16xi32>,
            %get3A_403 = arith.index_cast %add3A_367 : i32 to index
            %get3A_404 = tpu.vector_load %arg46[%get3A_403] {strides = array<i32>} : memref<5120xi32, #tpu.memory_space<vmem>>, vector<16xi32>,
            %get3A_405 = arith.index_cast %add3A_371 : i32 to index
            %get3A_406 = tpu.vector_load %arg46[%get3A_405] {strides = array<i32>} : memref<5120xi32, #tpu.memory_space<vmem>>, vector<16xi32>,
            %get3A_407 = arith.index_cast %add3A_375 : i32 to index
            %get3A_408 = tpu.vector_load %arg46[%get3A_407] {strides = array<i32>} : memref<5120xi32, #tpu.memory_space<vmem>>, vector<16xi32>,
            %get3A_409 = arith.index_cast %add3A_379 : i32 to index
            %get3A_410 = tpu.vector_load %arg46[%get3A_409] {strides = array<i32>} : memref<5120xi32, #tpu.memory_space<vmem>>, vector<16xi32>,
            %get3A_411 = arith.index_cast %add3A_351 : i32 to index
            %get3A_412 = tpu.vector_load %arg47[%get3A_411] {strides = array<i32>} : memref<5120xf32, #tpu.memory_space<vmem>>, vector<16xf32>,
            %get3A_413 = arith.index_cast %add3A_355 : i32 to index
            %get3A_414 = tpu.vector_load %arg47[%get3A_413] {strides = array<i32>} : memref<5120xf32, #tpu.memory_space<vmem>>, vector<16xf32>,
            %get3A_415 = arith.index_cast %add3A_359 : i32 to index
            %get3A_416 = tpu.vector_load %arg47[%get3A_415] {strides = array<i32>} : memref<5120xf32, #tpu.memory_space<vmem>>, vector<16xf32>,
            %get3A_417 = arith.index_cast %add3A_363 : i32 to index
            %get3A_418 = tpu.vector_load %arg47[%get3A_417] {strides = array<i32>} : memref<5120xf32, #tpu.memory_space<vmem>>, vector<16xf32>,
            %get3A_419 = arith.index_cast %add3A_367 : i32 to index
            %get3A_420 = tpu.vector_load %arg47[%get3A_419] {strides = array<i32>} : memref<5120xf32, #tpu.memory_space<vmem>>, vector<16xf32>,
            %get3A_421 = arith.index_cast %add3A_371 : i32 to index
            %get3A_422 = tpu.vector_load %arg47[%get3A_421] {strides = array<i32>} : memref<5120xf32, #tpu.memory_space<vmem>>, vector<16xf32>,
            %get3A_423 = arith.index_cast %add3A_375 : i32 to index
            %get3A_424 = tpu.vector_load %arg47[%get3A_423] {strides = array<i32>} : memref<5120xf32, #tpu.memory_space<vmem>>, vector<16xf32>,
            %get3A_425 = arith.index_cast %add3A_379 : i32 to index
            %get3A_426 = tpu.vector_load %arg47[%get3A_425] {strides = array<i32>} : memref<5120xf32, #tpu.memory_space<vmem>>, vector<16xf32>,
            %gather3A = tpu.vector_load_idx %arg40[%get3A_380] : memref<50000xf32, #tpu.memory_space<vmem>>[vector<16xi32>], vector<16xf32>,
            %gather3A_427 = tpu.vector_load_idx %arg40[%get3A_382] : memref<50000xf32, #tpu.memory_space<vmem>>[vector<16xi32>], vector<16xf32>,
            %gather3A_428 = tpu.vector_load_idx %arg40[%get3A_384] : memref<50000xf32, #tpu.memory_space<vmem>>[vector<16xi32>], vector<16xf32>,
            %gather3A_429 = tpu.vector_load_idx %arg40[%get3A_386] : memref<50000xf32, #tpu.memory_space<vmem>>[vector<16xi32>], vector<16xf32>,
            %gather3A_430 = tpu.vector_load_idx %arg40[%get3A_388] : memref<50000xf32, #tpu.memory_space<vmem>>[vector<16xi32>], vector<16xf32>,
            %gather3A_431 = tpu.vector_load_idx %arg40[%get3A_390] : memref<50000xf32, #tpu.memory_space<vmem>>[vector<16xi32>], vector<16xf32>,
            %gather3A_432 = tpu.vector_load_idx %arg40[%get3A_392] : memref<50000xf32, #tpu.memory_space<vmem>>[vector<16xi32>], vector<16xf32>,
            %gather3A_433 = tpu.vector_load_idx %arg40[%get3A_394] : memref<50000xf32, #tpu.memory_space<vmem>>[vector<16xi32>], vector<16xf32>,
            %mul3A_434 = arith.mulf %get3A_412, %gather3A : vector<16xf32>
            %mul3A_435 = arith.mulf %get3A_414, %gather3A_427 : vector<16xf32>
            %mul3A_436 = arith.mulf %get3A_416, %gather3A_428 : vector<16xf32>
            %mul3A_437 = arith.mulf %get3A_418, %gather3A_429 : vector<16xf32>
            %mul3A_438 = arith.mulf %get3A_420, %gather3A_430 : vector<16xf32>
            %mul3A_439 = arith.mulf %get3A_422, %gather3A_431 : vector<16xf32>
            %mul3A_440 = arith.mulf %get3A_424, %gather3A_432 : vector<16xf32>
            %mul3A_441 = arith.mulf %get3A_426, %gather3A_433 : vector<16xf32>
            %shift_right_logical3A = arith.constant 7 : i32
            %shift_right_logical3A_442 = vector.broadcast %shift_right_logical3A : i32 to vector<16xi32>
            %shift_right_logical3A_443 = arith.shrui %get3A_396, %shift_right_logical3A_442 : vector<16xi32>
            %and3A_444 = arith.constant 127 : i32
            %and3A_445 = vector.broadcast %and3A_444 : i32 to vector<16xi32>
            %and3A_446 = arith.andi %get3A_396, %and3A_445 : vector<16xi32>
            tpu.vector_store_idx %arg41[%shift_right_logical3A_443, %and3A_446], %mul3A_434 {add = true} : memref<392x128xf32, #tpu.memory_space<vmem>>[vector<16xi32>, vector<16xi32>], vector<16xf32>,
            %shift_right_logical3A_447 = arith.constant 7 : i32
            %shift_right_logical3A_448 = vector.broadcast %shift_right_logical3A_447 : i32 to vector<16xi32>
            %shift_right_logical3A_449 = arith.shrui %get3A_398, %shift_right_logical3A_448 : vector<16xi32>
            %and3A_450 = arith.constant 127 : i32
            %and3A_451 = vector.broadcast %and3A_450 : i32 to vector<16xi32>
            %and3A_452 = arith.andi %get3A_398, %and3A_451 : vector<16xi32>
            tpu.vector_store_idx %arg41[%shift_right_logical3A_449, %and3A_452], %mul3A_435 {add = true} : memref<392x128xf32, #tpu.memory_space<vmem>>[vector<16xi32>, vector<16xi32>], vector<16xf32>,
            %shift_right_logical3A_453 = arith.constant 7 : i32
            %shift_right_logical3A_454 = vector.broadcast %shift_right_logical3A_453 : i32 to vector<16xi32>
            %shift_right_logical3A_455 = arith.shrui %get3A_400, %shift_right_logical3A_454 : vector<16xi32>
            %and3A_456 = arith.constant 127 : i32
            %and3A_457 = vector.broadcast %and3A_456 : i32 to vector<16xi32>
            %and3A_458 = arith.andi %get3A_400, %and3A_457 : vector<16xi32>
            tpu.vector_store_idx %arg41[%shift_right_logical3A_455, %and3A_458], %mul3A_436 {add = true} : memref<392x128xf32, #tpu.memory_space<vmem>>[vector<16xi32>, vector<16xi32>], vector<16xf32>,
            %shift_right_logical3A_459 = arith.constant 7 : i32
            %shift_right_logical3A_460 = vector.broadcast %shift_right_logical3A_459 : i32 to vector<16xi32>
            %shift_right_logical3A_461 = arith.shrui %get3A_402, %shift_right_logical3A_460 : vector<16xi32>
            %and3A_462 = arith.constant 127 : i32
            %and3A_463 = vector.broadcast %and3A_462 : i32 to vector<16xi32>
            %and3A_464 = arith.andi %get3A_402, %and3A_463 : vector<16xi32>
            tpu.vector_store_idx %arg41[%shift_right_logical3A_461, %and3A_464], %mul3A_437 {add = true} : memref<392x128xf32, #tpu.memory_space<vmem>>[vector<16xi32>, vector<16xi32>], vector<16xf32>,
            %shift_right_logical3A_465 = arith.constant 7 : i32
            %shift_right_logical3A_466 = vector.broadcast %shift_right_logical3A_465 : i32 to vector<16xi32>
            %shift_right_logical3A_467 = arith.shrui %get3A_404, %shift_right_logical3A_466 : vector<16xi32>
            %and3A_468 = arith.constant 127 : i32
            %and3A_469 = vector.broadcast %and3A_468 : i32 to vector<16xi32>
            %and3A_470 = arith.andi %get3A_404, %and3A_469 : vector<16xi32>
            tpu.vector_store_idx %arg41[%shift_right_logical3A_467, %and3A_470], %mul3A_438 {add = true} : memref<392x128xf32, #tpu.memory_space<vmem>>[vector<16xi32>, vector<16xi32>], vector<16xf32>,
            %shift_right_logical3A_471 = arith.constant 7 : i32
            %shift_right_logical3A_472 = vector.broadcast %shift_right_logical3A_471 : i32 to vector<16xi32>
            %shift_right_logical3A_473 = arith.shrui %get3A_406, %shift_right_logical3A_472 : vector<16xi32>
            %and3A_474 = arith.constant 127 : i32
            %and3A_475 = vector.broadcast %and3A_474 : i32 to vector<16xi32>
            %and3A_476 = arith.andi %get3A_406, %and3A_475 : vector<16xi32>
            tpu.vector_store_idx %arg41[%shift_right_logical3A_473, %and3A_476], %mul3A_439 {add = true} : memref<392x128xf32, #tpu.memory_space<vmem>>[vector<16xi32>, vector<16xi32>], vector<16xf32>,
            %shift_right_logical3A_477 = arith.constant 7 : i32
            %shift_right_logical3A_478 = vector.broadcast %shift_right_logical3A_477 : i32 to vector<16xi32>
            %shift_right_logical3A_479 = arith.shrui %get3A_408, %shift_right_logical3A_478 : vector<16xi32>
            %and3A_480 = arith.constant 127 : i32
            %and3A_481 = vector.broadcast %and3A_480 : i32 to vector<16xi32>
            %and3A_482 = arith.andi %get3A_408, %and3A_481 : vector<16xi32>
            tpu.vector_store_idx %arg41[%shift_right_logical3A_479, %and3A_482], %mul3A_440 {add = true} : memref<392x128xf32, #tpu.memory_space<vmem>>[vector<16xi32>, vector<16xi32>], vector<16xf32>,
            %shift_right_logical3A_483 = arith.constant 7 : i32
            %shift_right_logical3A_484 = vector.broadcast %shift_right_logical3A_483 : i32 to vector<16xi32>
            %shift_right_logical3A_485 = arith.shrui %get3A_410, %shift_right_logical3A_484 : vector<16xi32>
            %and3A_486 = arith.constant 127 : i32
            %and3A_487 = vector.broadcast %and3A_486 : i32 to vector<16xi32>
            %and3A_488 = arith.andi %get3A_410, %and3A_487 : vector<16xi32>
            tpu.vector_store_idx %arg41[%shift_right_logical3A_485, %and3A_488], %mul3A_441 {add = true} : memref<392x128xf32, #tpu.memory_space<vmem>>[vector<16xi32>, vector<16xi32>], vector<16xf32>,
          }
          %while3A_346 = arith.constant 1 : i32
          scf.for %while3A_347 = %while3A_344 to %while3A_340 step %while3A_346  : i32 {
            %mul3A_348 = arith.constant 128 : i32
            %mul3A_349 = arith.muli %while3A_347, %mul3A_348 : i32
            %add3A_350 = arith.constant 0 : i32
            %add3A_351 = arith.addi %mul3A_349, %add3A_350 : i32
            %mul3A_352 = arith.constant 128 : i32
            %mul3A_353 = arith.muli %while3A_347, %mul3A_352 : i32
            %add3A_354 = arith.constant 16 : i32
            %add3A_355 = arith.addi %mul3A_353, %add3A_354 : i32
            %mul3A_356 = arith.constant 128 : i32
            %mul3A_357 = arith.muli %while3A_347, %mul3A_356 : i32
            %add3A_358 = arith.constant 32 : i32
            %add3A_359 = arith.addi %mul3A_357, %add3A_358 : i32
            %mul3A_360 = arith.constant 128 : i32
            %mul3A_361 = arith.muli %while3A_347, %mul3A_360 : i32
            %add3A_362 = arith.constant 48 : i32
            %add3A_363 = arith.addi %mul3A_361, %add3A_362 : i32
            %mul3A_364 = arith.constant 128 : i32
            %mul3A_365 = arith.muli %while3A_347, %mul3A_364 : i32
            %add3A_366 = arith.constant 64 : i32
            %add3A_367 = arith.addi %mul3A_365, %add3A_366 : i32
            %mul3A_368 = arith.constant 128 : i32
            %mul3A_369 = arith.muli %while3A_347, %mul3A_368 : i32
            %add3A_370 = arith.constant 80 : i32
            %add3A_371 = arith.addi %mul3A_369, %add3A_370 : i32
            %mul3A_372 = arith.constant 128 : i32
            %mul3A_373 = arith.muli %while3A_347, %mul3A_372 : i32
            %add3A_374 = arith.constant 96 : i32
            %add3A_375 = arith.addi %mul3A_373, %add3A_374 : i32
            %mul3A_376 = arith.constant 128 : i32
            %mul3A_377 = arith.muli %while3A_347, %mul3A_376 : i32
            %add3A_378 = arith.constant 112 : i32
            %add3A_379 = arith.addi %mul3A_377, %add3A_378 : i32
            %get3A = arith.index_cast %add3A_351 : i32 to index
            %get3A_380 = tpu.vector_load %arg45[%get3A] {strides = array<i32>} : memref<5120xi32, #tpu.memory_space<vmem>>, vector<16xi32>,
            %get3A_381 = arith.index_cast %add3A_355 : i32 to index
            %get3A_382 = tpu.vector_load %arg45[%get3A_381] {strides = array<i32>} : memref<5120xi32, #tpu.memory_space<vmem>>, vector<16xi32>,
            %get3A_383 = arith.index_cast %add3A_359 : i32 to index
            %get3A_384 = tpu.vector_load %arg45[%get3A_383] {strides = array<i32>} : memref<5120xi32, #tpu.memory_space<vmem>>, vector<16xi32>,
            %get3A_385 = arith.index_cast %add3A_363 : i32 to index
            %get3A_386 = tpu.vector_load %arg45[%get3A_385] {strides = array<i32>} : memref<5120xi32, #tpu.memory_space<vmem>>, vector<16xi32>,
            %get3A_387 = arith.index_cast %add3A_367 : i32 to index
            %get3A_388 = tpu.vector_load %arg45[%get3A_387] {strides = array<i32>} : memref<5120xi32, #tpu.memory_space<vmem>>, vector<16xi32>,
            %get3A_389 = arith.index_cast %add3A_371 : i32 to index
            %get3A_390 = tpu.vector_load %arg45[%get3A_389] {strides = array<i32>} : memref<5120xi32, #tpu.memory_space<vmem>>, vector<16xi32>,
            %get3A_391 = arith.index_cast %add3A_375 : i32 to index
            %get3A_392 = tpu.vector_load %arg45[%get3A_391] {strides = array<i32>} : memref<5120xi32, #tpu.memory_space<vmem>>, vector<16xi32>,
            %get3A_393 = arith.index_cast %add3A_379 : i32 to index
            %get3A_394 = tpu.vector_load %arg45[%get3A_393] {strides = array<i32>} : memref<5120xi32, #tpu.memory_space<vmem>>, vector<16xi32>,
            %get3A_395 = arith.index_cast %add3A_351 : i32 to index
            %get3A_396 = tpu.vector_load %arg46[%get3A_395] {strides = array<i32>} : memref<5120xi32, #tpu.memory_space<vmem>>, vector<16xi32>,
            %get3A_397 = arith.index_cast %add3A_355 : i32 to index
            %get3A_398 = tpu.vector_load %arg46[%get3A_397] {strides = array<i32>} : memref<5120xi32, #tpu.memory_space<vmem>>, vector<16xi32>,
            %get3A_399 = arith.index_cast %add3A_359 : i32 to index
            %get3A_400 = tpu.vector_load %arg46[%get3A_399] {strides = array<i32>} : memref<5120xi32, #tpu.memory_space<vmem>>, vector<16xi32>,
            %get3A_401 = arith.index_cast %add3A_363 : i32 to index
            %get3A_402 = tpu.vector_load %arg46[%get3A_401] {strides = array<i32>} : memref<5120xi32, #tpu.memory_space<vmem>>, vector<16xi32>,
            %get3A_403 = arith.index_cast %add3A_367 : i32 to index
            %get3A_404 = tpu.vector_load %arg46[%get3A_403] {strides = array<i32>} : memref<5120xi32, #tpu.memory_space<vmem>>, vector<16xi32>,
            %get3A_405 = arith.index_cast %add3A_371 : i32 to index
            %get3A_406 = tpu.vector_load %arg46[%get3A_405] {strides = array<i32>} : memref<5120xi32, #tpu.memory_space<vmem>>, vector<16xi32>,
            %get3A_407 = arith.index_cast %add3A_375 : i32 to index
            %get3A_408 = tpu.vector_load %arg46[%get3A_407] {strides = array<i32>} : memref<5120xi32, #tpu.memory_space<vmem>>, vector<16xi32>,
            %get3A_409 = arith.index_cast %add3A_379 : i32 to index
            %get3A_410 = tpu.vector_load %arg46[%get3A_409] {strides = array<i32>} : memref<5120xi32, #tpu.memory_space<vmem>>, vector<16xi32>,
            %get3A_411 = arith.index_cast %add3A_351 : i32 to index
            %get3A_412 = tpu.vector_load %arg47[%get3A_411] {strides = array<i32>} : memref<5120xf32, #tpu.memory_space<vmem>>, vector<16xf32>,
            %get3A_413 = arith.index_cast %add3A_355 : i32 to index
            %get3A_414 = tpu.vector_load %arg47[%get3A_413] {strides = array<i32>} : memref<5120xf32, #tpu.memory_space<vmem>>, vector<16xf32>,
            %get3A_415 = arith.index_cast %add3A_359 : i32 to index
            %get3A_416 = tpu.vector_load %arg47[%get3A_415] {strides = array<i32>} : memref<5120xf32, #tpu.memory_space<vmem>>, vector<16xf32>,
            %get3A_417 = arith.index_cast %add3A_363 : i32 to index
            %get3A_418 = tpu.vector_load %arg47[%get3A_417] {strides = array<i32>} : memref<5120xf32, #tpu.memory_space<vmem>>, vector<16xf32>,
            %get3A_419 = arith.index_cast %add3A_367 : i32 to index
            %get3A_420 = tpu.vector_load %arg47[%get3A_419] {strides = array<i32>} : memref<5120xf32, #tpu.memory_space<vmem>>, vector<16xf32>,
            %get3A_421 = arith.index_cast %add3A_371 : i32 to index
            %get3A_422 = tpu.vector_load %arg47[%get3A_421] {strides = array<i32>} : memref<5120xf32, #tpu.memory_space<vmem>>, vector<16xf32>,
            %get3A_423 = arith.index_cast %add3A_375 : i32 to index
            %get3A_424 = tpu.vector_load %arg47[%get3A_423] {strides = array<i32>} : memref<5120xf32, #tpu.memory_space<vmem>>, vector<16xf32>,
            %get3A_425 = arith.index_cast %add3A_379 : i32 to index
            %get3A_426 = tpu.vector_load %arg47[%get3A_425] {strides = array<i32>} : memref<5120xf32, #tpu.memory_space<vmem>>, vector<16xf32>,
            %gather3A = tpu.vector_load_idx %arg40[%get3A_380] : memref<50000xf32, #tpu.memory_space<vmem>>[vector<16xi32>], vector<16xf32>,
            %gather3A_427 = tpu.vector_load_idx %arg40[%get3A_382] : memref<50000xf32, #tpu.memory_space<vmem>>[vector<16xi32>], vector<16xf32>,
            %gather3A_428 = tpu.vector_load_idx %arg40[%get3A_384] : memref<50000xf32, #tpu.memory_space<vmem>>[vector<16xi32>], vector<16xf32>,
            %gather3A_429 = tpu.vector_load_idx %arg40[%get3A_386] : memref<50000xf32, #tpu.memory_space<vmem>>[vector<16xi32>], vector<16xf32>,
            %gather3A_430 = tpu.vector_load_idx %arg40[%get3A_388] : memref<50000xf32, #tpu.memory_space<vmem>>[vector<16xi32>], vector<16xf32>,
            %gather3A_431 = tpu.vector_load_idx %arg40[%get3A_390] : memref<50000xf32, #tpu.memory_space<vmem>>[vector<16xi32>], vector<16xf32>,
            %gather3A_432 = tpu.vector_load_idx %arg40[%get3A_392] : memref<50000xf32, #tpu.memory_space<vmem>>[vector<16xi32>], vector<16xf32>,
            %gather3A_433 = tpu.vector_load_idx %arg40[%get3A_394] : memref<50000xf32, #tpu.memory_space<vmem>>[vector<16xi32>], vector<16xf32>,
            %mul3A_434 = arith.mulf %get3A_412, %gather3A : vector<16xf32>
            %mul3A_435 = arith.mulf %get3A_414, %gather3A_427 : vector<16xf32>
            %mul3A_436 = arith.mulf %get3A_416, %gather3A_428 : vector<16xf32>
            %mul3A_437 = arith.mulf %get3A_418, %gather3A_429 : vector<16xf32>
            %mul3A_438 = arith.mulf %get3A_420, %gather3A_430 : vector<16xf32>
            %mul3A_439 = arith.mulf %get3A_422, %gather3A_431 : vector<16xf32>
            %mul3A_440 = arith.mulf %get3A_424, %gather3A_432 : vector<16xf32>
            %mul3A_441 = arith.mulf %get3A_426, %gather3A_433 : vector<16xf32>
            %shift_right_logical3A = arith.constant 7 : i32
            %shift_right_logical3A_442 = vector.broadcast %shift_right_logical3A : i32 to vector<16xi32>
            %shift_right_logical3A_443 = arith.shrui %get3A_396, %shift_right_logical3A_442 : vector<16xi32>
            %and3A_444 = arith.constant 127 : i32
            %and3A_445 = vector.broadcast %and3A_444 : i32 to vector<16xi32>
            %and3A_446 = arith.andi %get3A_396, %and3A_445 : vector<16xi32>
            tpu.vector_store_idx %arg41[%shift_right_logical3A_443, %and3A_446], %mul3A_434 {add = true} : memref<392x128xf32, #tpu.memory_space<vmem>>[vector<16xi32>, vector<16xi32>], vector<16xf32>,
            %shift_right_logical3A_447 = arith.constant 7 : i32
            %shift_right_logical3A_448 = vector.broadcast %shift_right_logical3A_447 : i32 to vector<16xi32>
            %shift_right_logical3A_449 = arith.shrui %get3A_398, %shift_right_logical3A_448 : vector<16xi32>
            %and3A_450 = arith.constant 127 : i32
            %and3A_451 = vector.broadcast %and3A_450 : i32 to vector<16xi32>
            %and3A_452 = arith.andi %get3A_398, %and3A_451 : vector<16xi32>
            tpu.vector_store_idx %arg41[%shift_right_logical3A_449, %and3A_452], %mul3A_435 {add = true} : memref<392x128xf32, #tpu.memory_space<vmem>>[vector<16xi32>, vector<16xi32>], vector<16xf32>,
            %shift_right_logical3A_453 = arith.constant 7 : i32
            %shift_right_logical3A_454 = vector.broadcast %shift_right_logical3A_453 : i32 to vector<16xi32>
            %shift_right_logical3A_455 = arith.shrui %get3A_400, %shift_right_logical3A_454 : vector<16xi32>
            %and3A_456 = arith.constant 127 : i32
            %and3A_457 = vector.broadcast %and3A_456 : i32 to vector<16xi32>
            %and3A_458 = arith.andi %get3A_400, %and3A_457 : vector<16xi32>
            tpu.vector_store_idx %arg41[%shift_right_logical3A_455, %and3A_458], %mul3A_436 {add = true} : memref<392x128xf32, #tpu.memory_space<vmem>>[vector<16xi32>, vector<16xi32>], vector<16xf32>,
            %shift_right_logical3A_459 = arith.constant 7 : i32
            %shift_right_logical3A_460 = vector.broadcast %shift_right_logical3A_459 : i32 to vector<16xi32>
            %shift_right_logical3A_461 = arith.shrui %get3A_402, %shift_right_logical3A_460 : vector<16xi32>
            %and3A_462 = arith.constant 127 : i32
            %and3A_463 = vector.broadcast %and3A_462 : i32 to vector<16xi32>
            %and3A_464 = arith.andi %get3A_402, %and3A_463 : vector<16xi32>
            tpu.vector_store_idx %arg41[%shift_right_logical3A_461, %and3A_464], %mul3A_437 {add = true} : memref<392x128xf32, #tpu.memory_space<vmem>>[vector<16xi32>, vector<16xi32>], vector<16xf32>,
            %shift_right_logical3A_465 = arith.constant 7 : i32
            %shift_right_logical3A_466 = vector.broadcast %shift_right_logical3A_465 : i32 to vector<16xi32>
            %shift_right_logical3A_467 = arith.shrui %get3A_404, %shift_right_logical3A_466 : vector<16xi32>
            %and3A_468 = arith.constant 127 : i32
            %and3A_469 = vector.broadcast %and3A_468 : i32 to vector<16xi32>
            %and3A_470 = arith.andi %get3A_404, %and3A_469 : vector<16xi32>
            tpu.vector_store_idx %arg41[%shift_right_logical3A_467, %and3A_470], %mul3A_438 {add = true} : memref<392x128xf32, #tpu.memory_space<vmem>>[vector<16xi32>, vector<16xi32>], vector<16xf32>,
            %shift_right_logical3A_471 = arith.constant 7 : i32
            %shift_right_logical3A_472 = vector.broadcast %shift_right_logical3A_471 : i32 to vector<16xi32>
            %shift_right_logical3A_473 = arith.shrui %get3A_406, %shift_right_logical3A_472 : vector<16xi32>
            %and3A_474 = arith.constant 127 : i32
            %and3A_475 = vector.broadcast %and3A_474 : i32 to vector<16xi32>
            %and3A_476 = arith.andi %get3A_406, %and3A_475 : vector<16xi32>
            tpu.vector_store_idx %arg41[%shift_right_logical3A_473, %and3A_476], %mul3A_439 {add = true} : memref<392x128xf32, #tpu.memory_space<vmem>>[vector<16xi32>, vector<16xi32>], vector<16xf32>,
            %shift_right_logical3A_477 = arith.constant 7 : i32
            %shift_right_logical3A_478 = vector.broadcast %shift_right_logical3A_477 : i32 to vector<16xi32>
            %shift_right_logical3A_479 = arith.shrui %get3A_408, %shift_right_logical3A_478 : vector<16xi32>
            %and3A_480 = arith.constant 127 : i32
            %and3A_481 = vector.broadcast %and3A_480 : i32 to vector<16xi32>
            %and3A_482 = arith.andi %get3A_408, %and3A_481 : vector<16xi32>
            tpu.vector_store_idx %arg41[%shift_right_logical3A_479, %and3A_482], %mul3A_440 {add = true} : memref<392x128xf32, #tpu.memory_space<vmem>>[vector<16xi32>, vector<16xi32>], vector<16xf32>,
            %shift_right_logical3A_483 = arith.constant 7 : i32
            %shift_right_logical3A_484 = vector.broadcast %shift_right_logical3A_483 : i32 to vector<16xi32>
            %shift_right_logical3A_485 = arith.shrui %get3A_410, %shift_right_logical3A_484 : vector<16xi32>
            %and3A_486 = arith.constant 127 : i32
            %and3A_487 = vector.broadcast %and3A_486 : i32 to vector<16xi32>
            %and3A_488 = arith.andi %get3A_410, %and3A_487 : vector<16xi32>
            tpu.vector_store_idx %arg41[%shift_right_logical3A_485, %and3A_488], %mul3A_441 {add = true} : memref<392x128xf32, #tpu.memory_space<vmem>>[vector<16xi32>, vector<16xi32>], vector<16xf32>,
          }
        } else {
        }
      }
      %scan3A_291 = arith.constant 10 : i32
    } else {
    }
    %eq3A_23 = arith.constant 0 : i32
    "tpu.trace_stop"() : () -> ()
    %eq3A_24 = arith.cmpi eq, %arg0, %eq3A_23 : i32
    %eq3A_25 = arith.constant 0 : i32
    %eq3A_26 = arith.cmpi eq, %arg1, %eq3A_25 : i32
    %and3A = arith.andi %eq3A_24, %eq3A_26 : i1
    %convert_element_type3A_27 = arith.extui %and3A : i1 to i32
    %cond3A_28 = arith.constant 0 : i32
    %cond3A_29 = arith.cmpi ne, %convert_element_type3A_27, %cond3A_28 : i32
    scf.if %cond3A_29 {
      "tpu.region"() ({
        %run_scoped3A = tpu.sem_alloc : memref<!tpu.dma_semaphore, #tpu.memory_space<semaphore_mem>>
        tpu.enqueue_dma source(%arg41 : memref<392x128xf32, #tpu.memory_space<vmem>>) target(%arg8 : memref<392x128xf32, #tpu.memory_space<hbm>>) target_semaphore(%run_scoped3A : memref<!tpu.dma_semaphore, #tpu.memory_space<semaphore_mem>>)
        tpu.wait_dma2 semaphore(%run_scoped3A : memref<!tpu.dma_semaphore, #tpu.memory_space<semaphore_mem>>) src(%arg41 : memref<392x128xf32, #tpu.memory_space<vmem>>) dst(%arg8 : memref<392x128xf32, #tpu.memory_space<hbm>>)
        tpu.yield
      }) : () -> ()
    } else {
    }
    %eq3A_30 = arith.constant 0 : i32
    %eq3A_31 = arith.cmpi eq, %arg0, %eq3A_30 : i32
    %eq3A_32 = arith.constant 1 : i32
    %eq3A_33 = arith.cmpi eq, %arg1, %eq3A_32 : i32
    %and3A_34 = arith.andi %eq3A_31, %eq3A_33 : i1
    %convert_element_type3A_35 = arith.extui %and3A_34 : i1 to i32
    %cond3A_36 = arith.constant 0 : i32
    %cond3A_37 = arith.cmpi ne, %convert_element_type3A_35, %cond3A_36 : i32
    scf.if %cond3A_37 {
      "tpu.region"() ({
        %run_scoped3A = tpu.sem_alloc : memref<!tpu.dma_semaphore, #tpu.memory_space<semaphore_mem>>
        tpu.enqueue_dma source(%arg41 : memref<392x128xf32, #tpu.memory_space<vmem>>) target(%arg9 : memref<392x128xf32, #tpu.memory_space<hbm>>) target_semaphore(%run_scoped3A : memref<!tpu.dma_semaphore, #tpu.memory_space<semaphore_mem>>)
        tpu.wait_dma2 semaphore(%run_scoped3A : memref<!tpu.dma_semaphore, #tpu.memory_space<semaphore_mem>>) src(%arg41 : memref<392x128xf32, #tpu.memory_space<vmem>>) dst(%arg9 : memref<392x128xf32, #tpu.memory_space<hbm>>)
        tpu.yield
      }) : () -> ()
    } else {
    }
    %eq3A_38 = arith.constant 0 : i32
    %eq3A_39 = arith.cmpi eq, %arg0, %eq3A_38 : i32
    %eq3A_40 = arith.constant 2 : i32
    %eq3A_41 = arith.cmpi eq, %arg1, %eq3A_40 : i32
    %and3A_42 = arith.andi %eq3A_39, %eq3A_41 : i1
    %convert_element_type3A_43 = arith.extui %and3A_42 : i1 to i32
    %cond3A_44 = arith.constant 0 : i32
    %cond3A_45 = arith.cmpi ne, %convert_element_type3A_43, %cond3A_44 : i32
    scf.if %cond3A_45 {
      "tpu.region"() ({
        %run_scoped3A = tpu.sem_alloc : memref<!tpu.dma_semaphore, #tpu.memory_space<semaphore_mem>>
        tpu.enqueue_dma source(%arg41 : memref<392x128xf32, #tpu.memory_space<vmem>>) target(%arg10 : memref<392x128xf32, #tpu.memory_space<hbm>>) target_semaphore(%run_scoped3A : memref<!tpu.dma_semaphore, #tpu.memory_space<semaphore_mem>>)
        tpu.wait_dma2 semaphore(%run_scoped3A : memref<!tpu.dma_semaphore, #tpu.memory_space<semaphore_mem>>) src(%arg41 : memref<392x128xf32, #tpu.memory_space<vmem>>) dst(%arg10 : memref<392x128xf32, #tpu.memory_space<hbm>>)
        tpu.yield
      }) : () -> ()
    } else {
    }
    %eq3A_46 = arith.constant 0 : i32
    %eq3A_47 = arith.cmpi eq, %arg0, %eq3A_46 : i32
    %eq3A_48 = arith.constant 3 : i32
    %eq3A_49 = arith.cmpi eq, %arg1, %eq3A_48 : i32
    %and3A_50 = arith.andi %eq3A_47, %eq3A_49 : i1
    %convert_element_type3A_51 = arith.extui %and3A_50 : i1 to i32
    %cond3A_52 = arith.constant 0 : i32
    %cond3A_53 = arith.cmpi ne, %convert_element_type3A_51, %cond3A_52 : i32
    scf.if %cond3A_53 {
      "tpu.region"() ({
        %run_scoped3A = tpu.sem_alloc : memref<!tpu.dma_semaphore, #tpu.memory_space<semaphore_mem>>
        tpu.enqueue_dma source(%arg41 : memref<392x128xf32, #tpu.memory_space<vmem>>) target(%arg11 : memref<392x128xf32, #tpu.memory_space<hbm>>) target_semaphore(%run_scoped3A : memref<!tpu.dma_semaphore, #tpu.memory_space<semaphore_mem>>)
        tpu.wait_dma2 semaphore(%run_scoped3A : memref<!tpu.dma_semaphore, #tpu.memory_space<semaphore_mem>>) src(%arg41 : memref<392x128xf32, #tpu.memory_space<vmem>>) dst(%arg11 : memref<392x128xf32, #tpu.memory_space<hbm>>)
        tpu.yield
      }) : () -> ()
    } else {
    }
    %eq3A_54 = arith.constant 0 : i32
    %eq3A_55 = arith.cmpi eq, %arg0, %eq3A_54 : i32
    %eq3A_56 = arith.constant 4 : i32
    %eq3A_57 = arith.cmpi eq, %arg1, %eq3A_56 : i32
    %and3A_58 = arith.andi %eq3A_55, %eq3A_57 : i1
    %convert_element_type3A_59 = arith.extui %and3A_58 : i1 to i32
    %cond3A_60 = arith.constant 0 : i32
    %cond3A_61 = arith.cmpi ne, %convert_element_type3A_59, %cond3A_60 : i32
    scf.if %cond3A_61 {
      "tpu.region"() ({
        %run_scoped3A = tpu.sem_alloc : memref<!tpu.dma_semaphore, #tpu.memory_space<semaphore_mem>>
        tpu.enqueue_dma source(%arg41 : memref<392x128xf32, #tpu.memory_space<vmem>>) target(%arg12 : memref<392x128xf32, #tpu.memory_space<hbm>>) target_semaphore(%run_scoped3A : memref<!tpu.dma_semaphore, #tpu.memory_space<semaphore_mem>>)
        tpu.wait_dma2 semaphore(%run_scoped3A : memref<!tpu.dma_semaphore, #tpu.memory_space<semaphore_mem>>) src(%arg41 : memref<392x128xf32, #tpu.memory_space<vmem>>) dst(%arg12 : memref<392x128xf32, #tpu.memory_space<hbm>>)
        tpu.yield
      }) : () -> ()
    } else {
    }
    %eq3A_62 = arith.constant 0 : i32
    %eq3A_63 = arith.cmpi eq, %arg0, %eq3A_62 : i32
    %eq3A_64 = arith.constant 5 : i32
    %eq3A_65 = arith.cmpi eq, %arg1, %eq3A_64 : i32
    %and3A_66 = arith.andi %eq3A_63, %eq3A_65 : i1
    %convert_element_type3A_67 = arith.extui %and3A_66 : i1 to i32
    %cond3A_68 = arith.constant 0 : i32
    %cond3A_69 = arith.cmpi ne, %convert_element_type3A_67, %cond3A_68 : i32
    scf.if %cond3A_69 {
      "tpu.region"() ({
        %run_scoped3A = tpu.sem_alloc : memref<!tpu.dma_semaphore, #tpu.memory_space<semaphore_mem>>
        tpu.enqueue_dma source(%arg41 : memref<392x128xf32, #tpu.memory_space<vmem>>) target(%arg13 : memref<392x128xf32, #tpu.memory_space<hbm>>) target_semaphore(%run_scoped3A : memref<!tpu.dma_semaphore, #tpu.memory_space<semaphore_mem>>)
        tpu.wait_dma2 semaphore(%run_scoped3A : memref<!tpu.dma_semaphore, #tpu.memory_space<semaphore_mem>>) src(%arg41 : memref<392x128xf32, #tpu.memory_space<vmem>>) dst(%arg13 : memref<392x128xf32, #tpu.memory_space<hbm>>)
        tpu.yield
      }) : () -> ()
    } else {
    }
    %eq3A_70 = arith.constant 0 : i32
    %eq3A_71 = arith.cmpi eq, %arg0, %eq3A_70 : i32
    %eq3A_72 = arith.constant 6 : i32
    %eq3A_73 = arith.cmpi eq, %arg1, %eq3A_72 : i32
    %and3A_74 = arith.andi %eq3A_71, %eq3A_73 : i1
    %convert_element_type3A_75 = arith.extui %and3A_74 : i1 to i32
    %cond3A_76 = arith.constant 0 : i32
    %cond3A_77 = arith.cmpi ne, %convert_element_type3A_75, %cond3A_76 : i32
    scf.if %cond3A_77 {
      "tpu.region"() ({
        %run_scoped3A = tpu.sem_alloc : memref<!tpu.dma_semaphore, #tpu.memory_space<semaphore_mem>>
        tpu.enqueue_dma source(%arg41 : memref<392x128xf32, #tpu.memory_space<vmem>>) target(%arg14 : memref<392x128xf32, #tpu.memory_space<hbm>>) target_semaphore(%run_scoped3A : memref<!tpu.dma_semaphore, #tpu.memory_space<semaphore_mem>>)
        tpu.wait_dma2 semaphore(%run_scoped3A : memref<!tpu.dma_semaphore, #tpu.memory_space<semaphore_mem>>) src(%arg41 : memref<392x128xf32, #tpu.memory_space<vmem>>) dst(%arg14 : memref<392x128xf32, #tpu.memory_space<hbm>>)
        tpu.yield
      }) : () -> ()
    } else {
    }
    %eq3A_78 = arith.constant 0 : i32
    %eq3A_79 = arith.cmpi eq, %arg0, %eq3A_78 : i32
    %eq3A_80 = arith.constant 7 : i32
    %eq3A_81 = arith.cmpi eq, %arg1, %eq3A_80 : i32
    %and3A_82 = arith.andi %eq3A_79, %eq3A_81 : i1
    %convert_element_type3A_83 = arith.extui %and3A_82 : i1 to i32
    %cond3A_84 = arith.constant 0 : i32
    %cond3A_85 = arith.cmpi ne, %convert_element_type3A_83, %cond3A_84 : i32
    scf.if %cond3A_85 {
      "tpu.region"() ({
        %run_scoped3A = tpu.sem_alloc : memref<!tpu.dma_semaphore, #tpu.memory_space<semaphore_mem>>
        tpu.enqueue_dma source(%arg41 : memref<392x128xf32, #tpu.memory_space<vmem>>) target(%arg15 : memref<392x128xf32, #tpu.memory_space<hbm>>) target_semaphore(%run_scoped3A : memref<!tpu.dma_semaphore, #tpu.memory_space<semaphore_mem>>)
        tpu.wait_dma2 semaphore(%run_scoped3A : memref<!tpu.dma_semaphore, #tpu.memory_space<semaphore_mem>>) src(%arg41 : memref<392x128xf32, #tpu.memory_space<vmem>>) dst(%arg15 : memref<392x128xf32, #tpu.memory_space<hbm>>)
        tpu.yield
      }) : () -> ()
    } else {
    }
    %eq3A_86 = arith.constant 0 : i32
    %eq3A_87 = arith.cmpi eq, %arg0, %eq3A_86 : i32
    %eq3A_88 = arith.constant 8 : i32
    %eq3A_89 = arith.cmpi eq, %arg1, %eq3A_88 : i32
    %and3A_90 = arith.andi %eq3A_87, %eq3A_89 : i1
    %convert_element_type3A_91 = arith.extui %and3A_90 : i1 to i32
    %cond3A_92 = arith.constant 0 : i32
    %cond3A_93 = arith.cmpi ne, %convert_element_type3A_91, %cond3A_92 : i32
    scf.if %cond3A_93 {
      "tpu.region"() ({
        %run_scoped3A = tpu.sem_alloc : memref<!tpu.dma_semaphore, #tpu.memory_space<semaphore_mem>>
        tpu.enqueue_dma source(%arg41 : memref<392x128xf32, #tpu.memory_space<vmem>>) target(%arg16 : memref<392x128xf32, #tpu.memory_space<hbm>>) target_semaphore(%run_scoped3A : memref<!tpu.dma_semaphore, #tpu.memory_space<semaphore_mem>>)
        tpu.wait_dma2 semaphore(%run_scoped3A : memref<!tpu.dma_semaphore, #tpu.memory_space<semaphore_mem>>) src(%arg41 : memref<392x128xf32, #tpu.memory_space<vmem>>) dst(%arg16 : memref<392x128xf32, #tpu.memory_space<hbm>>)
        tpu.yield
      }) : () -> ()
    } else {
    }
    %eq3A_94 = arith.constant 0 : i32
    %eq3A_95 = arith.cmpi eq, %arg0, %eq3A_94 : i32
    %eq3A_96 = arith.constant 9 : i32
    %eq3A_97 = arith.cmpi eq, %arg1, %eq3A_96 : i32
    %and3A_98 = arith.andi %eq3A_95, %eq3A_97 : i1
    %convert_element_type3A_99 = arith.extui %and3A_98 : i1 to i32
    %cond3A_100 = arith.constant 0 : i32
    %cond3A_101 = arith.cmpi ne, %convert_element_type3A_99, %cond3A_100 : i32
    scf.if %cond3A_101 {
      "tpu.region"() ({
        %run_scoped3A = tpu.sem_alloc : memref<!tpu.dma_semaphore, #tpu.memory_space<semaphore_mem>>
        tpu.enqueue_dma source(%arg41 : memref<392x128xf32, #tpu.memory_space<vmem>>) target(%arg17 : memref<392x128xf32, #tpu.memory_space<hbm>>) target_semaphore(%run_scoped3A : memref<!tpu.dma_semaphore, #tpu.memory_space<semaphore_mem>>)
        tpu.wait_dma2 semaphore(%run_scoped3A : memref<!tpu.dma_semaphore, #tpu.memory_space<semaphore_mem>>) src(%arg41 : memref<392x128xf32, #tpu.memory_space<vmem>>) dst(%arg17 : memref<392x128xf32, #tpu.memory_space<hbm>>)
        tpu.yield
      }) : () -> ()
    } else {
    }
    %eq3A_102 = arith.constant 0 : i32
    %eq3A_103 = arith.cmpi eq, %arg0, %eq3A_102 : i32
    %eq3A_104 = arith.constant 10 : i32
    %eq3A_105 = arith.cmpi eq, %arg1, %eq3A_104 : i32
    %and3A_106 = arith.andi %eq3A_103, %eq3A_105 : i1
    %convert_element_type3A_107 = arith.extui %and3A_106 : i1 to i32
    %cond3A_108 = arith.constant 0 : i32
    %cond3A_109 = arith.cmpi ne, %convert_element_type3A_107, %cond3A_108 : i32
    scf.if %cond3A_109 {
      "tpu.region"() ({
        %run_scoped3A = tpu.sem_alloc : memref<!tpu.dma_semaphore, #tpu.memory_space<semaphore_mem>>
        tpu.enqueue_dma source(%arg41 : memref<392x128xf32, #tpu.memory_space<vmem>>) target(%arg18 : memref<392x128xf32, #tpu.memory_space<hbm>>) target_semaphore(%run_scoped3A : memref<!tpu.dma_semaphore, #tpu.memory_space<semaphore_mem>>)
        tpu.wait_dma2 semaphore(%run_scoped3A : memref<!tpu.dma_semaphore, #tpu.memory_space<semaphore_mem>>) src(%arg41 : memref<392x128xf32, #tpu.memory_space<vmem>>) dst(%arg18 : memref<392x128xf32, #tpu.memory_space<hbm>>)
        tpu.yield
      }) : () -> ()
    } else {
    }
    %eq3A_110 = arith.constant 0 : i32
    %eq3A_111 = arith.cmpi eq, %arg0, %eq3A_110 : i32
    %eq3A_112 = arith.constant 11 : i32
    %eq3A_113 = arith.cmpi eq, %arg1, %eq3A_112 : i32
    %and3A_114 = arith.andi %eq3A_111, %eq3A_113 : i1
    %convert_element_type3A_115 = arith.extui %and3A_114 : i1 to i32
    %cond3A_116 = arith.constant 0 : i32
    %cond3A_117 = arith.cmpi ne, %convert_element_type3A_115, %cond3A_116 : i32
    scf.if %cond3A_117 {
      "tpu.region"() ({
        %run_scoped3A = tpu.sem_alloc : memref<!tpu.dma_semaphore, #tpu.memory_space<semaphore_mem>>
        tpu.enqueue_dma source(%arg41 : memref<392x128xf32, #tpu.memory_space<vmem>>) target(%arg19 : memref<392x128xf32, #tpu.memory_space<hbm>>) target_semaphore(%run_scoped3A : memref<!tpu.dma_semaphore, #tpu.memory_space<semaphore_mem>>)
        tpu.wait_dma2 semaphore(%run_scoped3A : memref<!tpu.dma_semaphore, #tpu.memory_space<semaphore_mem>>) src(%arg41 : memref<392x128xf32, #tpu.memory_space<vmem>>) dst(%arg19 : memref<392x128xf32, #tpu.memory_space<hbm>>)
        tpu.yield
      }) : () -> ()
    } else {
    }
    %eq3A_118 = arith.constant 0 : i32
    %eq3A_119 = arith.cmpi eq, %arg0, %eq3A_118 : i32
    %eq3A_120 = arith.constant 12 : i32
    %eq3A_121 = arith.cmpi eq, %arg1, %eq3A_120 : i32
    %and3A_122 = arith.andi %eq3A_119, %eq3A_121 : i1
    %convert_element_type3A_123 = arith.extui %and3A_122 : i1 to i32
    %cond3A_124 = arith.constant 0 : i32
    %cond3A_125 = arith.cmpi ne, %convert_element_type3A_123, %cond3A_124 : i32
    scf.if %cond3A_125 {
      "tpu.region"() ({
        %run_scoped3A = tpu.sem_alloc : memref<!tpu.dma_semaphore, #tpu.memory_space<semaphore_mem>>
        tpu.enqueue_dma source(%arg41 : memref<392x128xf32, #tpu.memory_space<vmem>>) target(%arg20 : memref<392x128xf32, #tpu.memory_space<hbm>>) target_semaphore(%run_scoped3A : memref<!tpu.dma_semaphore, #tpu.memory_space<semaphore_mem>>)
        tpu.wait_dma2 semaphore(%run_scoped3A : memref<!tpu.dma_semaphore, #tpu.memory_space<semaphore_mem>>) src(%arg41 : memref<392x128xf32, #tpu.memory_space<vmem>>) dst(%arg20 : memref<392x128xf32, #tpu.memory_space<hbm>>)
        tpu.yield
      }) : () -> ()
    } else {
    }
    %eq3A_126 = arith.constant 0 : i32
    %eq3A_127 = arith.cmpi eq, %arg0, %eq3A_126 : i32
    %eq3A_128 = arith.constant 13 : i32
    %eq3A_129 = arith.cmpi eq, %arg1, %eq3A_128 : i32
    %and3A_130 = arith.andi %eq3A_127, %eq3A_129 : i1
    %convert_element_type3A_131 = arith.extui %and3A_130 : i1 to i32
    %cond3A_132 = arith.constant 0 : i32
    %cond3A_133 = arith.cmpi ne, %convert_element_type3A_131, %cond3A_132 : i32
    scf.if %cond3A_133 {
      "tpu.region"() ({
        %run_scoped3A = tpu.sem_alloc : memref<!tpu.dma_semaphore, #tpu.memory_space<semaphore_mem>>
        tpu.enqueue_dma source(%arg41 : memref<392x128xf32, #tpu.memory_space<vmem>>) target(%arg21 : memref<392x128xf32, #tpu.memory_space<hbm>>) target_semaphore(%run_scoped3A : memref<!tpu.dma_semaphore, #tpu.memory_space<semaphore_mem>>)
        tpu.wait_dma2 semaphore(%run_scoped3A : memref<!tpu.dma_semaphore, #tpu.memory_space<semaphore_mem>>) src(%arg41 : memref<392x128xf32, #tpu.memory_space<vmem>>) dst(%arg21 : memref<392x128xf32, #tpu.memory_space<hbm>>)
        tpu.yield
      }) : () -> ()
    } else {
    }
    %eq3A_134 = arith.constant 0 : i32
    %eq3A_135 = arith.cmpi eq, %arg0, %eq3A_134 : i32
    %eq3A_136 = arith.constant 14 : i32
    %eq3A_137 = arith.cmpi eq, %arg1, %eq3A_136 : i32
    %and3A_138 = arith.andi %eq3A_135, %eq3A_137 : i1
    %convert_element_type3A_139 = arith.extui %and3A_138 : i1 to i32
    %cond3A_140 = arith.constant 0 : i32
    %cond3A_141 = arith.cmpi ne, %convert_element_type3A_139, %cond3A_140 : i32
    scf.if %cond3A_141 {
      "tpu.region"() ({
        %run_scoped3A = tpu.sem_alloc : memref<!tpu.dma_semaphore, #tpu.memory_space<semaphore_mem>>
        tpu.enqueue_dma source(%arg41 : memref<392x128xf32, #tpu.memory_space<vmem>>) target(%arg22 : memref<392x128xf32, #tpu.memory_space<hbm>>) target_semaphore(%run_scoped3A : memref<!tpu.dma_semaphore, #tpu.memory_space<semaphore_mem>>)
        tpu.wait_dma2 semaphore(%run_scoped3A : memref<!tpu.dma_semaphore, #tpu.memory_space<semaphore_mem>>) src(%arg41 : memref<392x128xf32, #tpu.memory_space<vmem>>) dst(%arg22 : memref<392x128xf32, #tpu.memory_space<hbm>>)
        tpu.yield
      }) : () -> ()
    } else {
    }
    %eq3A_142 = arith.constant 0 : i32
    %eq3A_143 = arith.cmpi eq, %arg0, %eq3A_142 : i32
    %eq3A_144 = arith.constant 15 : i32
    %eq3A_145 = arith.cmpi eq, %arg1, %eq3A_144 : i32
    %and3A_146 = arith.andi %eq3A_143, %eq3A_145 : i1
    %convert_element_type3A_147 = arith.extui %and3A_146 : i1 to i32
    %cond3A_148 = arith.constant 0 : i32
    %cond3A_149 = arith.cmpi ne, %convert_element_type3A_147, %cond3A_148 : i32
    scf.if %cond3A_149 {
      "tpu.region"() ({
        %run_scoped3A = tpu.sem_alloc : memref<!tpu.dma_semaphore, #tpu.memory_space<semaphore_mem>>
        tpu.enqueue_dma source(%arg41 : memref<392x128xf32, #tpu.memory_space<vmem>>) target(%arg23 : memref<392x128xf32, #tpu.memory_space<hbm>>) target_semaphore(%run_scoped3A : memref<!tpu.dma_semaphore, #tpu.memory_space<semaphore_mem>>)
        tpu.wait_dma2 semaphore(%run_scoped3A : memref<!tpu.dma_semaphore, #tpu.memory_space<semaphore_mem>>) src(%arg41 : memref<392x128xf32, #tpu.memory_space<vmem>>) dst(%arg23 : memref<392x128xf32, #tpu.memory_space<hbm>>)
        tpu.yield
      }) : () -> ()
    } else {
    }
    %eq3A_150 = arith.constant 1 : i32
    %eq3A_151 = arith.cmpi eq, %arg0, %eq3A_150 : i32
    %eq3A_152 = arith.constant 0 : i32
    %eq3A_153 = arith.cmpi eq, %arg1, %eq3A_152 : i32
    %and3A_154 = arith.andi %eq3A_151, %eq3A_153 : i1
    %convert_element_type3A_155 = arith.extui %and3A_154 : i1 to i32
    %cond3A_156 = arith.constant 0 : i32
    %cond3A_157 = arith.cmpi ne, %convert_element_type3A_155, %cond3A_156 : i32
    scf.if %cond3A_157 {
      "tpu.region"() ({
        %run_scoped3A = tpu.sem_alloc : memref<!tpu.dma_semaphore, #tpu.memory_space<semaphore_mem>>
        tpu.enqueue_dma source(%arg41 : memref<392x128xf32, #tpu.memory_space<vmem>>) target(%arg24 : memref<392x128xf32, #tpu.memory_space<hbm>>) target_semaphore(%run_scoped3A : memref<!tpu.dma_semaphore, #tpu.memory_space<semaphore_mem>>)
        tpu.wait_dma2 semaphore(%run_scoped3A : memref<!tpu.dma_semaphore, #tpu.memory_space<semaphore_mem>>) src(%arg41 : memref<392x128xf32, #tpu.memory_space<vmem>>) dst(%arg24 : memref<392x128xf32, #tpu.memory_space<hbm>>)
        tpu.yield
      }) : () -> ()
    } else {
    }
    %eq3A_158 = arith.constant 1 : i32
    %eq3A_159 = arith.cmpi eq, %arg0, %eq3A_158 : i32
    %eq3A_160 = arith.constant 1 : i32
    %eq3A_161 = arith.cmpi eq, %arg1, %eq3A_160 : i32
    %and3A_162 = arith.andi %eq3A_159, %eq3A_161 : i1
    %convert_element_type3A_163 = arith.extui %and3A_162 : i1 to i32
    %cond3A_164 = arith.constant 0 : i32
    %cond3A_165 = arith.cmpi ne, %convert_element_type3A_163, %cond3A_164 : i32
    scf.if %cond3A_165 {
      "tpu.region"() ({
        %run_scoped3A = tpu.sem_alloc : memref<!tpu.dma_semaphore, #tpu.memory_space<semaphore_mem>>
        tpu.enqueue_dma source(%arg41 : memref<392x128xf32, #tpu.memory_space<vmem>>) target(%arg25 : memref<392x128xf32, #tpu.memory_space<hbm>>) target_semaphore(%run_scoped3A : memref<!tpu.dma_semaphore, #tpu.memory_space<semaphore_mem>>)
        tpu.wait_dma2 semaphore(%run_scoped3A : memref<!tpu.dma_semaphore, #tpu.memory_space<semaphore_mem>>) src(%arg41 : memref<392x128xf32, #tpu.memory_space<vmem>>) dst(%arg25 : memref<392x128xf32, #tpu.memory_space<hbm>>)
        tpu.yield
      }) : () -> ()
    } else {
    }
    %eq3A_166 = arith.constant 1 : i32
    %eq3A_167 = arith.cmpi eq, %arg0, %eq3A_166 : i32
    %eq3A_168 = arith.constant 2 : i32
    %eq3A_169 = arith.cmpi eq, %arg1, %eq3A_168 : i32
    %and3A_170 = arith.andi %eq3A_167, %eq3A_169 : i1
    %convert_element_type3A_171 = arith.extui %and3A_170 : i1 to i32
    %cond3A_172 = arith.constant 0 : i32
    %cond3A_173 = arith.cmpi ne, %convert_element_type3A_171, %cond3A_172 : i32
    scf.if %cond3A_173 {
      "tpu.region"() ({
        %run_scoped3A = tpu.sem_alloc : memref<!tpu.dma_semaphore, #tpu.memory_space<semaphore_mem>>
        tpu.enqueue_dma source(%arg41 : memref<392x128xf32, #tpu.memory_space<vmem>>) target(%arg26 : memref<392x128xf32, #tpu.memory_space<hbm>>) target_semaphore(%run_scoped3A : memref<!tpu.dma_semaphore, #tpu.memory_space<semaphore_mem>>)
        tpu.wait_dma2 semaphore(%run_scoped3A : memref<!tpu.dma_semaphore, #tpu.memory_space<semaphore_mem>>) src(%arg41 : memref<392x128xf32, #tpu.memory_space<vmem>>) dst(%arg26 : memref<392x128xf32, #tpu.memory_space<hbm>>)
        tpu.yield
      }) : () -> ()
    } else {
    }
    %eq3A_174 = arith.constant 1 : i32
    %eq3A_175 = arith.cmpi eq, %arg0, %eq3A_174 : i32
    %eq3A_176 = arith.constant 3 : i32
    %eq3A_177 = arith.cmpi eq, %arg1, %eq3A_176 : i32
    %and3A_178 = arith.andi %eq3A_175, %eq3A_177 : i1
    %convert_element_type3A_179 = arith.extui %and3A_178 : i1 to i32
    %cond3A_180 = arith.constant 0 : i32
    %cond3A_181 = arith.cmpi ne, %convert_element_type3A_179, %cond3A_180 : i32
    scf.if %cond3A_181 {
      "tpu.region"() ({
        %run_scoped3A = tpu.sem_alloc : memref<!tpu.dma_semaphore, #tpu.memory_space<semaphore_mem>>
        tpu.enqueue_dma source(%arg41 : memref<392x128xf32, #tpu.memory_space<vmem>>) target(%arg27 : memref<392x128xf32, #tpu.memory_space<hbm>>) target_semaphore(%run_scoped3A : memref<!tpu.dma_semaphore, #tpu.memory_space<semaphore_mem>>)
        tpu.wait_dma2 semaphore(%run_scoped3A : memref<!tpu.dma_semaphore, #tpu.memory_space<semaphore_mem>>) src(%arg41 : memref<392x128xf32, #tpu.memory_space<vmem>>) dst(%arg27 : memref<392x128xf32, #tpu.memory_space<hbm>>)
        tpu.yield
      }) : () -> ()
    } else {
    }
    %eq3A_182 = arith.constant 1 : i32
    %eq3A_183 = arith.cmpi eq, %arg0, %eq3A_182 : i32
    %eq3A_184 = arith.constant 4 : i32
    %eq3A_185 = arith.cmpi eq, %arg1, %eq3A_184 : i32
    %and3A_186 = arith.andi %eq3A_183, %eq3A_185 : i1
    %convert_element_type3A_187 = arith.extui %and3A_186 : i1 to i32
    %cond3A_188 = arith.constant 0 : i32
    %cond3A_189 = arith.cmpi ne, %convert_element_type3A_187, %cond3A_188 : i32
    scf.if %cond3A_189 {
      "tpu.region"() ({
        %run_scoped3A = tpu.sem_alloc : memref<!tpu.dma_semaphore, #tpu.memory_space<semaphore_mem>>
        tpu.enqueue_dma source(%arg41 : memref<392x128xf32, #tpu.memory_space<vmem>>) target(%arg28 : memref<392x128xf32, #tpu.memory_space<hbm>>) target_semaphore(%run_scoped3A : memref<!tpu.dma_semaphore, #tpu.memory_space<semaphore_mem>>)
        tpu.wait_dma2 semaphore(%run_scoped3A : memref<!tpu.dma_semaphore, #tpu.memory_space<semaphore_mem>>) src(%arg41 : memref<392x128xf32, #tpu.memory_space<vmem>>) dst(%arg28 : memref<392x128xf32, #tpu.memory_space<hbm>>)
        tpu.yield
      }) : () -> ()
    } else {
    }
    %eq3A_190 = arith.constant 1 : i32
    %eq3A_191 = arith.cmpi eq, %arg0, %eq3A_190 : i32
    %eq3A_192 = arith.constant 5 : i32
    %eq3A_193 = arith.cmpi eq, %arg1, %eq3A_192 : i32
    %and3A_194 = arith.andi %eq3A_191, %eq3A_193 : i1
    %convert_element_type3A_195 = arith.extui %and3A_194 : i1 to i32
    %cond3A_196 = arith.constant 0 : i32
    %cond3A_197 = arith.cmpi ne, %convert_element_type3A_195, %cond3A_196 : i32
    scf.if %cond3A_197 {
      "tpu.region"() ({
        %run_scoped3A = tpu.sem_alloc : memref<!tpu.dma_semaphore, #tpu.memory_space<semaphore_mem>>
        tpu.enqueue_dma source(%arg41 : memref<392x128xf32, #tpu.memory_space<vmem>>) target(%arg29 : memref<392x128xf32, #tpu.memory_space<hbm>>) target_semaphore(%run_scoped3A : memref<!tpu.dma_semaphore, #tpu.memory_space<semaphore_mem>>)
        tpu.wait_dma2 semaphore(%run_scoped3A : memref<!tpu.dma_semaphore, #tpu.memory_space<semaphore_mem>>) src(%arg41 : memref<392x128xf32, #tpu.memory_space<vmem>>) dst(%arg29 : memref<392x128xf32, #tpu.memory_space<hbm>>)
        tpu.yield
      }) : () -> ()
    } else {
    }
    %eq3A_198 = arith.constant 1 : i32
    %eq3A_199 = arith.cmpi eq, %arg0, %eq3A_198 : i32
    %eq3A_200 = arith.constant 6 : i32
    %eq3A_201 = arith.cmpi eq, %arg1, %eq3A_200 : i32
    %and3A_202 = arith.andi %eq3A_199, %eq3A_201 : i1
    %convert_element_type3A_203 = arith.extui %and3A_202 : i1 to i32
    %cond3A_204 = arith.constant 0 : i32
    %cond3A_205 = arith.cmpi ne, %convert_element_type3A_203, %cond3A_204 : i32
    scf.if %cond3A_205 {
      "tpu.region"() ({
        %run_scoped3A = tpu.sem_alloc : memref<!tpu.dma_semaphore, #tpu.memory_space<semaphore_mem>>
        tpu.enqueue_dma source(%arg41 : memref<392x128xf32, #tpu.memory_space<vmem>>) target(%arg30 : memref<392x128xf32, #tpu.memory_space<hbm>>) target_semaphore(%run_scoped3A : memref<!tpu.dma_semaphore, #tpu.memory_space<semaphore_mem>>)
        tpu.wait_dma2 semaphore(%run_scoped3A : memref<!tpu.dma_semaphore, #tpu.memory_space<semaphore_mem>>) src(%arg41 : memref<392x128xf32, #tpu.memory_space<vmem>>) dst(%arg30 : memref<392x128xf32, #tpu.memory_space<hbm>>)
        tpu.yield
      }) : () -> ()
    } else {
    }
    %eq3A_206 = arith.constant 1 : i32
    %eq3A_207 = arith.cmpi eq, %arg0, %eq3A_206 : i32
    %eq3A_208 = arith.constant 7 : i32
    %eq3A_209 = arith.cmpi eq, %arg1, %eq3A_208 : i32
    %and3A_210 = arith.andi %eq3A_207, %eq3A_209 : i1
    %convert_element_type3A_211 = arith.extui %and3A_210 : i1 to i32
    %cond3A_212 = arith.constant 0 : i32
    %cond3A_213 = arith.cmpi ne, %convert_element_type3A_211, %cond3A_212 : i32
    scf.if %cond3A_213 {
      "tpu.region"() ({
        %run_scoped3A = tpu.sem_alloc : memref<!tpu.dma_semaphore, #tpu.memory_space<semaphore_mem>>
        tpu.enqueue_dma source(%arg41 : memref<392x128xf32, #tpu.memory_space<vmem>>) target(%arg31 : memref<392x128xf32, #tpu.memory_space<hbm>>) target_semaphore(%run_scoped3A : memref<!tpu.dma_semaphore, #tpu.memory_space<semaphore_mem>>)
        tpu.wait_dma2 semaphore(%run_scoped3A : memref<!tpu.dma_semaphore, #tpu.memory_space<semaphore_mem>>) src(%arg41 : memref<392x128xf32, #tpu.memory_space<vmem>>) dst(%arg31 : memref<392x128xf32, #tpu.memory_space<hbm>>)
        tpu.yield
      }) : () -> ()
    } else {
    }
    %eq3A_214 = arith.constant 1 : i32
    %eq3A_215 = arith.cmpi eq, %arg0, %eq3A_214 : i32
    %eq3A_216 = arith.constant 8 : i32
    %eq3A_217 = arith.cmpi eq, %arg1, %eq3A_216 : i32
    %and3A_218 = arith.andi %eq3A_215, %eq3A_217 : i1
    %convert_element_type3A_219 = arith.extui %and3A_218 : i1 to i32
    %cond3A_220 = arith.constant 0 : i32
    %cond3A_221 = arith.cmpi ne, %convert_element_type3A_219, %cond3A_220 : i32
    scf.if %cond3A_221 {
      "tpu.region"() ({
        %run_scoped3A = tpu.sem_alloc : memref<!tpu.dma_semaphore, #tpu.memory_space<semaphore_mem>>
        tpu.enqueue_dma source(%arg41 : memref<392x128xf32, #tpu.memory_space<vmem>>) target(%arg32 : memref<392x128xf32, #tpu.memory_space<hbm>>) target_semaphore(%run_scoped3A : memref<!tpu.dma_semaphore, #tpu.memory_space<semaphore_mem>>)
        tpu.wait_dma2 semaphore(%run_scoped3A : memref<!tpu.dma_semaphore, #tpu.memory_space<semaphore_mem>>) src(%arg41 : memref<392x128xf32, #tpu.memory_space<vmem>>) dst(%arg32 : memref<392x128xf32, #tpu.memory_space<hbm>>)
        tpu.yield
      }) : () -> ()
    } else {
    }
    %eq3A_222 = arith.constant 1 : i32
    %eq3A_223 = arith.cmpi eq, %arg0, %eq3A_222 : i32
    %eq3A_224 = arith.constant 9 : i32
    %eq3A_225 = arith.cmpi eq, %arg1, %eq3A_224 : i32
    %and3A_226 = arith.andi %eq3A_223, %eq3A_225 : i1
    %convert_element_type3A_227 = arith.extui %and3A_226 : i1 to i32
    %cond3A_228 = arith.constant 0 : i32
    %cond3A_229 = arith.cmpi ne, %convert_element_type3A_227, %cond3A_228 : i32
    scf.if %cond3A_229 {
      "tpu.region"() ({
        %run_scoped3A = tpu.sem_alloc : memref<!tpu.dma_semaphore, #tpu.memory_space<semaphore_mem>>
        tpu.enqueue_dma source(%arg41 : memref<392x128xf32, #tpu.memory_space<vmem>>) target(%arg33 : memref<392x128xf32, #tpu.memory_space<hbm>>) target_semaphore(%run_scoped3A : memref<!tpu.dma_semaphore, #tpu.memory_space<semaphore_mem>>)
        tpu.wait_dma2 semaphore(%run_scoped3A : memref<!tpu.dma_semaphore, #tpu.memory_space<semaphore_mem>>) src(%arg41 : memref<392x128xf32, #tpu.memory_space<vmem>>) dst(%arg33 : memref<392x128xf32, #tpu.memory_space<hbm>>)
        tpu.yield
      }) : () -> ()
    } else {
    }
    %eq3A_230 = arith.constant 1 : i32
    %eq3A_231 = arith.cmpi eq, %arg0, %eq3A_230 : i32
    %eq3A_232 = arith.constant 10 : i32
    %eq3A_233 = arith.cmpi eq, %arg1, %eq3A_232 : i32
    %and3A_234 = arith.andi %eq3A_231, %eq3A_233 : i1
    %convert_element_type3A_235 = arith.extui %and3A_234 : i1 to i32
    %cond3A_236 = arith.constant 0 : i32
    %cond3A_237 = arith.cmpi ne, %convert_element_type3A_235, %cond3A_236 : i32
    scf.if %cond3A_237 {
      "tpu.region"() ({
        %run_scoped3A = tpu.sem_alloc : memref<!tpu.dma_semaphore, #tpu.memory_space<semaphore_mem>>
        tpu.enqueue_dma source(%arg41 : memref<392x128xf32, #tpu.memory_space<vmem>>) target(%arg34 : memref<392x128xf32, #tpu.memory_space<hbm>>) target_semaphore(%run_scoped3A : memref<!tpu.dma_semaphore, #tpu.memory_space<semaphore_mem>>)
        tpu.wait_dma2 semaphore(%run_scoped3A : memref<!tpu.dma_semaphore, #tpu.memory_space<semaphore_mem>>) src(%arg41 : memref<392x128xf32, #tpu.memory_space<vmem>>) dst(%arg34 : memref<392x128xf32, #tpu.memory_space<hbm>>)
        tpu.yield
      }) : () -> ()
    } else {
    }
    %eq3A_238 = arith.constant 1 : i32
    %eq3A_239 = arith.cmpi eq, %arg0, %eq3A_238 : i32
    %eq3A_240 = arith.constant 11 : i32
    %eq3A_241 = arith.cmpi eq, %arg1, %eq3A_240 : i32
    %and3A_242 = arith.andi %eq3A_239, %eq3A_241 : i1
    %convert_element_type3A_243 = arith.extui %and3A_242 : i1 to i32
    %cond3A_244 = arith.constant 0 : i32
    %cond3A_245 = arith.cmpi ne, %convert_element_type3A_243, %cond3A_244 : i32
    scf.if %cond3A_245 {
      "tpu.region"() ({
        %run_scoped3A = tpu.sem_alloc : memref<!tpu.dma_semaphore, #tpu.memory_space<semaphore_mem>>
        tpu.enqueue_dma source(%arg41 : memref<392x128xf32, #tpu.memory_space<vmem>>) target(%arg35 : memref<392x128xf32, #tpu.memory_space<hbm>>) target_semaphore(%run_scoped3A : memref<!tpu.dma_semaphore, #tpu.memory_space<semaphore_mem>>)
        tpu.wait_dma2 semaphore(%run_scoped3A : memref<!tpu.dma_semaphore, #tpu.memory_space<semaphore_mem>>) src(%arg41 : memref<392x128xf32, #tpu.memory_space<vmem>>) dst(%arg35 : memref<392x128xf32, #tpu.memory_space<hbm>>)
        tpu.yield
      }) : () -> ()
    } else {
    }
    %eq3A_246 = arith.constant 1 : i32
    %eq3A_247 = arith.cmpi eq, %arg0, %eq3A_246 : i32
    %eq3A_248 = arith.constant 12 : i32
    %eq3A_249 = arith.cmpi eq, %arg1, %eq3A_248 : i32
    %and3A_250 = arith.andi %eq3A_247, %eq3A_249 : i1
    %convert_element_type3A_251 = arith.extui %and3A_250 : i1 to i32
    %cond3A_252 = arith.constant 0 : i32
    %cond3A_253 = arith.cmpi ne, %convert_element_type3A_251, %cond3A_252 : i32
    scf.if %cond3A_253 {
      "tpu.region"() ({
        %run_scoped3A = tpu.sem_alloc : memref<!tpu.dma_semaphore, #tpu.memory_space<semaphore_mem>>
        tpu.enqueue_dma source(%arg41 : memref<392x128xf32, #tpu.memory_space<vmem>>) target(%arg36 : memref<392x128xf32, #tpu.memory_space<hbm>>) target_semaphore(%run_scoped3A : memref<!tpu.dma_semaphore, #tpu.memory_space<semaphore_mem>>)
        tpu.wait_dma2 semaphore(%run_scoped3A : memref<!tpu.dma_semaphore, #tpu.memory_space<semaphore_mem>>) src(%arg41 : memref<392x128xf32, #tpu.memory_space<vmem>>) dst(%arg36 : memref<392x128xf32, #tpu.memory_space<hbm>>)
        tpu.yield
      }) : () -> ()
    } else {
    }
    %eq3A_254 = arith.constant 1 : i32
    %eq3A_255 = arith.cmpi eq, %arg0, %eq3A_254 : i32
    %eq3A_256 = arith.constant 13 : i32
    %eq3A_257 = arith.cmpi eq, %arg1, %eq3A_256 : i32
    %and3A_258 = arith.andi %eq3A_255, %eq3A_257 : i1
    %convert_element_type3A_259 = arith.extui %and3A_258 : i1 to i32
    %cond3A_260 = arith.constant 0 : i32
    %cond3A_261 = arith.cmpi ne, %convert_element_type3A_259, %cond3A_260 : i32
    scf.if %cond3A_261 {
      "tpu.region"() ({
        %run_scoped3A = tpu.sem_alloc : memref<!tpu.dma_semaphore, #tpu.memory_space<semaphore_mem>>
        tpu.enqueue_dma source(%arg41 : memref<392x128xf32, #tpu.memory_space<vmem>>) target(%arg37 : memref<392x128xf32, #tpu.memory_space<hbm>>) target_semaphore(%run_scoped3A : memref<!tpu.dma_semaphore, #tpu.memory_space<semaphore_mem>>)
        tpu.wait_dma2 semaphore(%run_scoped3A : memref<!tpu.dma_semaphore, #tpu.memory_space<semaphore_mem>>) src(%arg41 : memref<392x128xf32, #tpu.memory_space<vmem>>) dst(%arg37 : memref<392x128xf32, #tpu.memory_space<hbm>>)
        tpu.yield
      }) : () -> ()
    } else {
    }
    %eq3A_262 = arith.constant 1 : i32
    %eq3A_263 = arith.cmpi eq, %arg0, %eq3A_262 : i32
    %eq3A_264 = arith.constant 14 : i32
    %eq3A_265 = arith.cmpi eq, %arg1, %eq3A_264 : i32
    %and3A_266 = arith.andi %eq3A_263, %eq3A_265 : i1
    %convert_element_type3A_267 = arith.extui %and3A_266 : i1 to i32
    %cond3A_268 = arith.constant 0 : i32
    %cond3A_269 = arith.cmpi ne, %convert_element_type3A_267, %cond3A_268 : i32
    scf.if %cond3A_269 {
      "tpu.region"() ({
        %run_scoped3A = tpu.sem_alloc : memref<!tpu.dma_semaphore, #tpu.memory_space<semaphore_mem>>
        tpu.enqueue_dma source(%arg41 : memref<392x128xf32, #tpu.memory_space<vmem>>) target(%arg38 : memref<392x128xf32, #tpu.memory_space<hbm>>) target_semaphore(%run_scoped3A : memref<!tpu.dma_semaphore, #tpu.memory_space<semaphore_mem>>)
        tpu.wait_dma2 semaphore(%run_scoped3A : memref<!tpu.dma_semaphore, #tpu.memory_space<semaphore_mem>>) src(%arg41 : memref<392x128xf32, #tpu.memory_space<vmem>>) dst(%arg38 : memref<392x128xf32, #tpu.memory_space<hbm>>)
        tpu.yield
      }) : () -> ()
    } else {
    }
    %eq3A_270 = arith.constant 1 : i32
    %eq3A_271 = arith.cmpi eq, %arg0, %eq3A_270 : i32
    %eq3A_272 = arith.constant 15 : i32
    %eq3A_273 = arith.cmpi eq, %arg1, %eq3A_272 : i32
    %and3A_274 = arith.andi %eq3A_271, %eq3A_273 : i1
    %convert_element_type3A_275 = arith.extui %and3A_274 : i1 to i32
    %cond3A_276 = arith.constant 0 : i32
    %cond3A_277 = arith.cmpi ne, %convert_element_type3A_275, %cond3A_276 : i32
    scf.if %cond3A_277 {
      "tpu.region"() ({
        %run_scoped3A = tpu.sem_alloc : memref<!tpu.dma_semaphore, #tpu.memory_space<semaphore_mem>>
        tpu.enqueue_dma source(%arg41 : memref<392x128xf32, #tpu.memory_space<vmem>>) target(%arg39 : memref<392x128xf32, #tpu.memory_space<hbm>>) target_semaphore(%run_scoped3A : memref<!tpu.dma_semaphore, #tpu.memory_space<semaphore_mem>>)
        tpu.wait_dma2 semaphore(%run_scoped3A : memref<!tpu.dma_semaphore, #tpu.memory_space<semaphore_mem>>) src(%arg41 : memref<392x128xf32, #tpu.memory_space<vmem>>) dst(%arg39 : memref<392x128xf32, #tpu.memory_space<hbm>>)
        tpu.yield
      }) : () -> ()
    } else {
    }
    return
  }
}

module attributes {stable_mosaic.version = 14 : i64} {
  func.func @_tc_body(%arg0: memref<392x128xf32, #tpu.memory_space<vmem>>, %arg1: memref<392x128xf32, #tpu.memory_space<vmem>>, %arg2: memref<392x128xf32, #tpu.memory_space<vmem>>, %arg3: memref<392x128xf32, #tpu.memory_space<vmem>>, %arg4: memref<392x128xf32, #tpu.memory_space<vmem>>, %arg5: memref<392x128xf32, #tpu.memory_space<vmem>>, %arg6: memref<392x128xf32, #tpu.memory_space<vmem>>, %arg7: memref<392x128xf32, #tpu.memory_space<vmem>>, %arg8: memref<392x128xf32, #tpu.memory_space<vmem>>, %arg9: memref<392x128xf32, #tpu.memory_space<vmem>>, %arg10: memref<392x128xf32, #tpu.memory_space<vmem>>, %arg11: memref<392x128xf32, #tpu.memory_space<vmem>>, %arg12: memref<392x128xf32, #tpu.memory_space<vmem>>, %arg13: memref<392x128xf32, #tpu.memory_space<vmem>>, %arg14: memref<392x128xf32, #tpu.memory_space<vmem>>, %arg15: memref<392x128xf32, #tpu.memory_space<vmem>>, %arg16: memref<392x128xf32, #tpu.memory_space<vmem>>, %arg17: memref<392x128xf32, #tpu.memory_space<vmem>>, %arg18: memref<392x128xf32, #tpu.memory_space<vmem>>, %arg19: memref<392x128xf32, #tpu.memory_space<vmem>>, %arg20: memref<392x128xf32, #tpu.memory_space<vmem>>, %arg21: memref<392x128xf32, #tpu.memory_space<vmem>>, %arg22: memref<392x128xf32, #tpu.memory_space<vmem>>, %arg23: memref<392x128xf32, #tpu.memory_space<vmem>>, %arg24: memref<392x128xf32, #tpu.memory_space<vmem>>, %arg25: memref<392x128xf32, #tpu.memory_space<vmem>>, %arg26: memref<392x128xf32, #tpu.memory_space<vmem>>, %arg27: memref<392x128xf32, #tpu.memory_space<vmem>>, %arg28: memref<392x128xf32, #tpu.memory_space<vmem>>, %arg29: memref<392x128xf32, #tpu.memory_space<vmem>>, %arg30: memref<392x128xf32, #tpu.memory_space<vmem>>, %arg31: memref<392x128xf32, #tpu.memory_space<vmem>>, %arg32: memref<392x128xf32, #tpu.memory_space<vmem>>, %arg33: memref<392x128xf32, #tpu.memory_space<vmem>>, %arg34: memref<392x128xf32, #tpu.memory_space<vmem>>, %arg35: memref<392x128xf32, #tpu.memory_space<vmem>>, %arg36: memref<392x128xf32, #tpu.memory_space<vmem>>) attributes {dimension_semantics = [], scalar_prefetch = 0 : i64, scratch_operands = 0 : i64, tpu.core_type = #tpu.core_type<tc>} {
    %get3A = arith.constant 0 : index
    %get3A_0 = arith.constant 0 : index
    %get3A_1 = vector.load %arg0[%get3A, %get3A_0] : memref<392x128xf32, #tpu.memory_space<vmem>>, vector<392x128xf32>
    %get3A_2 = arith.constant 0 : index
    %get3A_3 = arith.constant 0 : index
    %get3A_4 = vector.load %arg1[%get3A_2, %get3A_3] : memref<392x128xf32, #tpu.memory_space<vmem>>, vector<392x128xf32>
    %mul3A = arith.constant 1.800000e+00 : f32
    %mul3A_5 = vector.broadcast %mul3A : f32 to vector<392x128xf32>
    %mul3A_6 = arith.mulf %mul3A_5, %get3A_4 : vector<392x128xf32>
    %add3A = arith.constant 1.000000e+00 : f32
    %add3A_7 = vector.broadcast %add3A : f32 to vector<392x128xf32>
    %add3A_8 = arith.addf %add3A_7, %mul3A_6 : vector<392x128xf32>
    %sub3A = arith.subf %get3A_1, %add3A_8 : vector<392x128xf32>
    %mul3A_9 = arith.constant 1.000000e+01 : f32
    %mul3A_10 = vector.broadcast %mul3A_9 : f32 to vector<392x128xf32>
    %mul3A_11 = arith.mulf %mul3A_10, %sub3A : vector<392x128xf32>
    %logistic3A = arith.negf %mul3A_11 : vector<392x128xf32>
    %logistic3A_12 = math.exp %logistic3A : vector<392x128xf32>
    %logistic3A_13 = arith.constant 1.000000e+00 : f32
    %logistic3A_14 = vector.broadcast %logistic3A_13 : f32 to vector<392x128xf32>
    %logistic3A_15 = arith.addf %logistic3A_14, %logistic3A_12 : vector<392x128xf32>
    %logistic3A_16 = arith.divf %logistic3A_14, %logistic3A_15 : vector<392x128xf32>
    %get3A_17 = arith.constant 0 : index
    %get3A_18 = arith.constant 0 : index
    %get3A_19 = vector.load %arg2[%get3A_17, %get3A_18] : memref<392x128xf32, #tpu.memory_space<vmem>>, vector<392x128xf32>
    %get3A_20 = arith.constant 0 : index
    %get3A_21 = arith.constant 0 : index
    %get3A_22 = vector.load %arg3[%get3A_20, %get3A_21] : memref<392x128xf32, #tpu.memory_space<vmem>>, vector<392x128xf32>
    %add3A_23 = arith.addf %get3A_19, %get3A_22 : vector<392x128xf32>
    %get3A_24 = arith.constant 0 : index
    %get3A_25 = arith.constant 0 : index
    %get3A_26 = vector.load %arg4[%get3A_24, %get3A_25] : memref<392x128xf32, #tpu.memory_space<vmem>>, vector<392x128xf32>
    %add3A_27 = arith.addf %add3A_23, %get3A_26 : vector<392x128xf32>
    %get3A_28 = arith.constant 0 : index
    %get3A_29 = arith.constant 0 : index
    %get3A_30 = vector.load %arg5[%get3A_28, %get3A_29] : memref<392x128xf32, #tpu.memory_space<vmem>>, vector<392x128xf32>
    %add3A_31 = arith.addf %add3A_27, %get3A_30 : vector<392x128xf32>
    %get3A_32 = arith.constant 0 : index
    %get3A_33 = arith.constant 0 : index
    %get3A_34 = vector.load %arg6[%get3A_32, %get3A_33] : memref<392x128xf32, #tpu.memory_space<vmem>>, vector<392x128xf32>
    %add3A_35 = arith.addf %add3A_31, %get3A_34 : vector<392x128xf32>
    %get3A_36 = arith.constant 0 : index
    %get3A_37 = arith.constant 0 : index
    %get3A_38 = vector.load %arg7[%get3A_36, %get3A_37] : memref<392x128xf32, #tpu.memory_space<vmem>>, vector<392x128xf32>
    %add3A_39 = arith.addf %add3A_35, %get3A_38 : vector<392x128xf32>
    %get3A_40 = arith.constant 0 : index
    %get3A_41 = arith.constant 0 : index
    %get3A_42 = vector.load %arg8[%get3A_40, %get3A_41] : memref<392x128xf32, #tpu.memory_space<vmem>>, vector<392x128xf32>
    %add3A_43 = arith.addf %add3A_39, %get3A_42 : vector<392x128xf32>
    %get3A_44 = arith.constant 0 : index
    %get3A_45 = arith.constant 0 : index
    %get3A_46 = vector.load %arg9[%get3A_44, %get3A_45] : memref<392x128xf32, #tpu.memory_space<vmem>>, vector<392x128xf32>
    %add3A_47 = arith.addf %add3A_43, %get3A_46 : vector<392x128xf32>
    %get3A_48 = arith.constant 0 : index
    %get3A_49 = arith.constant 0 : index
    %get3A_50 = vector.load %arg10[%get3A_48, %get3A_49] : memref<392x128xf32, #tpu.memory_space<vmem>>, vector<392x128xf32>
    %add3A_51 = arith.addf %add3A_47, %get3A_50 : vector<392x128xf32>
    %get3A_52 = arith.constant 0 : index
    %get3A_53 = arith.constant 0 : index
    %get3A_54 = vector.load %arg11[%get3A_52, %get3A_53] : memref<392x128xf32, #tpu.memory_space<vmem>>, vector<392x128xf32>
    %add3A_55 = arith.addf %add3A_51, %get3A_54 : vector<392x128xf32>
    %get3A_56 = arith.constant 0 : index
    %get3A_57 = arith.constant 0 : index
    %get3A_58 = vector.load %arg12[%get3A_56, %get3A_57] : memref<392x128xf32, #tpu.memory_space<vmem>>, vector<392x128xf32>
    %add3A_59 = arith.addf %add3A_55, %get3A_58 : vector<392x128xf32>
    %get3A_60 = arith.constant 0 : index
    %get3A_61 = arith.constant 0 : index
    %get3A_62 = vector.load %arg13[%get3A_60, %get3A_61] : memref<392x128xf32, #tpu.memory_space<vmem>>, vector<392x128xf32>
    %add3A_63 = arith.addf %add3A_59, %get3A_62 : vector<392x128xf32>
    %get3A_64 = arith.constant 0 : index
    %get3A_65 = arith.constant 0 : index
    %get3A_66 = vector.load %arg14[%get3A_64, %get3A_65] : memref<392x128xf32, #tpu.memory_space<vmem>>, vector<392x128xf32>
    %add3A_67 = arith.addf %add3A_63, %get3A_66 : vector<392x128xf32>
    %get3A_68 = arith.constant 0 : index
    %get3A_69 = arith.constant 0 : index
    %get3A_70 = vector.load %arg15[%get3A_68, %get3A_69] : memref<392x128xf32, #tpu.memory_space<vmem>>, vector<392x128xf32>
    %add3A_71 = arith.addf %add3A_67, %get3A_70 : vector<392x128xf32>
    %get3A_72 = arith.constant 0 : index
    %get3A_73 = arith.constant 0 : index
    %get3A_74 = vector.load %arg16[%get3A_72, %get3A_73] : memref<392x128xf32, #tpu.memory_space<vmem>>, vector<392x128xf32>
    %add3A_75 = arith.addf %add3A_71, %get3A_74 : vector<392x128xf32>
    %get3A_76 = arith.constant 0 : index
    %get3A_77 = arith.constant 0 : index
    %get3A_78 = vector.load %arg17[%get3A_76, %get3A_77] : memref<392x128xf32, #tpu.memory_space<vmem>>, vector<392x128xf32>
    %add3A_79 = arith.addf %add3A_75, %get3A_78 : vector<392x128xf32>
    %get3A_80 = arith.constant 0 : index
    %get3A_81 = arith.constant 0 : index
    %get3A_82 = vector.load %arg18[%get3A_80, %get3A_81] : memref<392x128xf32, #tpu.memory_space<vmem>>, vector<392x128xf32>
    %add3A_83 = arith.addf %add3A_79, %get3A_82 : vector<392x128xf32>
    %get3A_84 = arith.constant 0 : index
    %get3A_85 = arith.constant 0 : index
    %get3A_86 = vector.load %arg19[%get3A_84, %get3A_85] : memref<392x128xf32, #tpu.memory_space<vmem>>, vector<392x128xf32>
    %add3A_87 = arith.addf %add3A_83, %get3A_86 : vector<392x128xf32>
    %get3A_88 = arith.constant 0 : index
    %get3A_89 = arith.constant 0 : index
    %get3A_90 = vector.load %arg20[%get3A_88, %get3A_89] : memref<392x128xf32, #tpu.memory_space<vmem>>, vector<392x128xf32>
    %add3A_91 = arith.addf %add3A_87, %get3A_90 : vector<392x128xf32>
    %get3A_92 = arith.constant 0 : index
    %get3A_93 = arith.constant 0 : index
    %get3A_94 = vector.load %arg21[%get3A_92, %get3A_93] : memref<392x128xf32, #tpu.memory_space<vmem>>, vector<392x128xf32>
    %add3A_95 = arith.addf %add3A_91, %get3A_94 : vector<392x128xf32>
    %get3A_96 = arith.constant 0 : index
    %get3A_97 = arith.constant 0 : index
    %get3A_98 = vector.load %arg22[%get3A_96, %get3A_97] : memref<392x128xf32, #tpu.memory_space<vmem>>, vector<392x128xf32>
    %add3A_99 = arith.addf %add3A_95, %get3A_98 : vector<392x128xf32>
    %get3A_100 = arith.constant 0 : index
    %get3A_101 = arith.constant 0 : index
    %get3A_102 = vector.load %arg23[%get3A_100, %get3A_101] : memref<392x128xf32, #tpu.memory_space<vmem>>, vector<392x128xf32>
    %add3A_103 = arith.addf %add3A_99, %get3A_102 : vector<392x128xf32>
    %get3A_104 = arith.constant 0 : index
    %get3A_105 = arith.constant 0 : index
    %get3A_106 = vector.load %arg24[%get3A_104, %get3A_105] : memref<392x128xf32, #tpu.memory_space<vmem>>, vector<392x128xf32>
    %add3A_107 = arith.addf %add3A_103, %get3A_106 : vector<392x128xf32>
    %get3A_108 = arith.constant 0 : index
    %get3A_109 = arith.constant 0 : index
    %get3A_110 = vector.load %arg25[%get3A_108, %get3A_109] : memref<392x128xf32, #tpu.memory_space<vmem>>, vector<392x128xf32>
    %add3A_111 = arith.addf %add3A_107, %get3A_110 : vector<392x128xf32>
    %get3A_112 = arith.constant 0 : index
    %get3A_113 = arith.constant 0 : index
    %get3A_114 = vector.load %arg26[%get3A_112, %get3A_113] : memref<392x128xf32, #tpu.memory_space<vmem>>, vector<392x128xf32>
    %add3A_115 = arith.addf %add3A_111, %get3A_114 : vector<392x128xf32>
    %get3A_116 = arith.constant 0 : index
    %get3A_117 = arith.constant 0 : index
    %get3A_118 = vector.load %arg27[%get3A_116, %get3A_117] : memref<392x128xf32, #tpu.memory_space<vmem>>, vector<392x128xf32>
    %add3A_119 = arith.addf %add3A_115, %get3A_118 : vector<392x128xf32>
    %get3A_120 = arith.constant 0 : index
    %get3A_121 = arith.constant 0 : index
    %get3A_122 = vector.load %arg28[%get3A_120, %get3A_121] : memref<392x128xf32, #tpu.memory_space<vmem>>, vector<392x128xf32>
    %add3A_123 = arith.addf %add3A_119, %get3A_122 : vector<392x128xf32>
    %get3A_124 = arith.constant 0 : index
    %get3A_125 = arith.constant 0 : index
    %get3A_126 = vector.load %arg29[%get3A_124, %get3A_125] : memref<392x128xf32, #tpu.memory_space<vmem>>, vector<392x128xf32>
    %add3A_127 = arith.addf %add3A_123, %get3A_126 : vector<392x128xf32>
    %get3A_128 = arith.constant 0 : index
    %get3A_129 = arith.constant 0 : index
    %get3A_130 = vector.load %arg30[%get3A_128, %get3A_129] : memref<392x128xf32, #tpu.memory_space<vmem>>, vector<392x128xf32>
    %add3A_131 = arith.addf %add3A_127, %get3A_130 : vector<392x128xf32>
    %get3A_132 = arith.constant 0 : index
    %get3A_133 = arith.constant 0 : index
    %get3A_134 = vector.load %arg31[%get3A_132, %get3A_133] : memref<392x128xf32, #tpu.memory_space<vmem>>, vector<392x128xf32>
    %add3A_135 = arith.addf %add3A_131, %get3A_134 : vector<392x128xf32>
    %get3A_136 = arith.constant 0 : index
    %get3A_137 = arith.constant 0 : index
    %get3A_138 = vector.load %arg32[%get3A_136, %get3A_137] : memref<392x128xf32, #tpu.memory_space<vmem>>, vector<392x128xf32>
    %add3A_139 = arith.addf %add3A_135, %get3A_138 : vector<392x128xf32>
    %get3A_140 = arith.constant 0 : index
    %get3A_141 = arith.constant 0 : index
    %get3A_142 = vector.load %arg33[%get3A_140, %get3A_141] : memref<392x128xf32, #tpu.memory_space<vmem>>, vector<392x128xf32>
    %add3A_143 = arith.addf %add3A_139, %get3A_142 : vector<392x128xf32>
    %swap3A = arith.constant 0 : index
    %swap3A_144 = arith.constant 0 : index
    %swap3A_145 = vector.load %arg34[%swap3A, %swap3A_144] : memref<392x128xf32, #tpu.memory_space<vmem>>, vector<392x128xf32>
    tpu.vector_store %arg34[%swap3A, %swap3A_144], %logistic3A_16 {strides = array<i32>} : memref<392x128xf32, #tpu.memory_space<vmem>>, vector<392x128xf32>,
    %mul3A_146 = arith.constant 0.899999976 : f32
    %mul3A_147 = vector.broadcast %mul3A_146 : f32 to vector<392x128xf32>
    %mul3A_148 = arith.mulf %mul3A_147, %get3A_1 : vector<392x128xf32>
    %sub3A_149 = arith.constant 1.000000e+00 : f32
    %sub3A_150 = vector.broadcast %sub3A_149 : f32 to vector<392x128xf32>
    %sub3A_151 = arith.subf %sub3A_150, %logistic3A_16 : vector<392x128xf32>
    %mul3A_152 = arith.mulf %mul3A_148, %sub3A_151 : vector<392x128xf32>
    %add3A_153 = arith.addf %mul3A_152, %add3A_143 : vector<392x128xf32>
    %swap3A_154 = arith.constant 0 : index
    %swap3A_155 = arith.constant 0 : index
    %swap3A_156 = vector.load %arg35[%swap3A_154, %swap3A_155] : memref<392x128xf32, #tpu.memory_space<vmem>>, vector<392x128xf32>
    tpu.vector_store %arg35[%swap3A_154, %swap3A_155], %add3A_153 {strides = array<i32>} : memref<392x128xf32, #tpu.memory_space<vmem>>, vector<392x128xf32>,
    %mul3A_157 = arith.constant 9.900000e-01 : f32
    %mul3A_158 = vector.broadcast %mul3A_157 : f32 to vector<392x128xf32>
    %mul3A_159 = arith.mulf %mul3A_158, %get3A_4 : vector<392x128xf32>
    %mul3A_160 = arith.constant 0.00999999977 : f32
    %mul3A_161 = vector.broadcast %mul3A_160 : f32 to vector<392x128xf32>
    %mul3A_162 = arith.mulf %mul3A_161, %logistic3A_16 : vector<392x128xf32>
    %add3A_163 = arith.addf %mul3A_159, %mul3A_162 : vector<392x128xf32>
    %swap3A_164 = arith.constant 0 : index
    %swap3A_165 = arith.constant 0 : index
    %swap3A_166 = vector.load %arg36[%swap3A_164, %swap3A_165] : memref<392x128xf32, #tpu.memory_space<vmem>>, vector<392x128xf32>
    tpu.vector_store %arg36[%swap3A_164, %swap3A_165], %add3A_163 {strides = array<i32>} : memref<392x128xf32, #tpu.memory_space<vmem>>, vector<392x128xf32>,
    return
  }
}

</mosaic_0001>

<sc_bundles>
// kernel: kernel.4.cloned.1.call-start
scs
__scs_entry_jumppad:
0x0: {  	(pc) =	sbr.rel $0x88, $3  }
0x1: {  	(tag) =	ssettag $0x0;
	lr =	simm.s32 $0x1  }
0x2: {  	[smem:$0x3F99] =	sst lr;
	_ =	strace $0xD0000000  }
0x3: {  	_ = 	snop  }
0x4: {  	_ = 	snop  }
0x5: {  	_ = 	snop  }
0x6: {  	_ = 	snop  }
0x7: {  	_ = 	snop  }
__scs_overlays_trampoline_lowered:
0x8: {  	[smem:$0x3FA8] =	sst s0  }
0x9: {  	[smem:$0x3FA9] =	sst s1  }
0xa: {  	[smem:$0x3FAA] =	sst s2  }
0xb: {  	[smem:$0x3FAB] =	sst s3  }
0xc: {  	[smem:$0x3FAC] =	sst s4  }
0xd: {  	[smem:$0x3FAD] =	sst s5  }
0xe: {  	[smem:$0x3FAE] =	sst s6  }
0xf: {  	[smem:$0x3FAF] =	sst s7  }
0x10: {  	[smem:$0x3FB0] =	sst s8  }
0x11: {  	[smem:$0x3FB1] =	sst s9;
	s0 =	simm.s32 @!p0 $0x0  }
0x12: {  	s1 =	sld [smem:$0x3F97];
	s0 =	simm.s32 @p0 $0x1  }
0x13: {  	[smem:$0x3FB2] =	sst s0;
	s0 =	simm.s32 @!p1 $0x0  }
0x14: {  	s2 =	sld [smem:$0x3F96];
	s0 =	simm.s32 @p1 $0x1  }
0x15: {  	[smem:$0x3FB3] =	sst s0;
	s0 =	simm.s32 @!p2 $0x0  }
0x16: {  	s3 =	sld [smem:$0x3FDB];
	s0 =	simm.s32 @p2 $0x1  }
0x17: {  	s4 =	simm.s32 $0x1BF5;
	[smem:$0x3FB5] =	sst s0  }
0x18: {  	s0 =	sld [smem:$0x3F98];
	_ =	swait.ge [sflag:s4], $0x0  }
0x19: {  	s7 =	sld [smem:$0x3F99]  }
0x1a: {  	s8 =	sadd.s32 $0xFFFFE003, lr  }
0x1b: {  	s9 =	sadd.s32 $0xFFFFFEF7, lr;
	s5 =	simm.s32 $0xFFFFFFFF;
	p2 =	slt.u32 s8, $0xFFFFF086  }
0x1c: {  	p1 =	slt.u32 s9, $0xF7A;
	s5 =	simm.s32 @!p2 $0x0  }
0x1d: {  	s5 =	simm.s32 @p1 $0x1;
	p0 =	seq.s32 s7, s2  }
0x1e: {  	s7 =	smul.u32 @!p0 $0xF7A, s2;
	p2 =	seq.s32 @!p0 s5, $0x0  }
0x1f: {  	s9 =	smul.u32 $0xF7A, s1;
	s8 =	simm.s32 @!p0 $0x1BF5;
	p2 =	por !p2, p0  }
0x20: {  	[sflag:s8] =	ssyncset.s32 @!p0 $0xFFFFF086;
	s6 =	sadd.s32 @!p0 s3, s7;
	s7 =	simm.s32 @!p0 $0x108  }
0x21: {  	s3 =	sadd.s32 s3, s9;
	s6 =	sadd.s32 @!p0 $0x88, s6;
	s7 =	simm.s32 @p2 $0x1082  }
0x22: {  	[simem:s7], [sflag:s8] =	dma.local @!p0 [hbm:s6], $0xF7A  }
0x23: {  	s9 =	sor.u32 $0xD0000000, s2;
	s6 =	simm.s32 $0x108;
	_ =	swait.ge @!p0 [sflag:s8], $0x0  }
0x24: {  	s3 =	sadd.s32 $0x88, s3;
	s6 =	simm.s32 @!p1 $0x1082;
	[sflag:s4] =	ssyncset.s32 $0xFFFFF086  }
0x25: {  	[simem:s6], [sflag:s4] =	dma.local [hbm:s3], $0xF7A  }
0x26: {  	[smem:$0x3F99] =	sst s1;
	(tag) =	ssettag s2;
	_ =	strace s9  }
0x27: {  	s1 =	sld [smem:$0x3FA9]  }
0x28: {  	s2 =	sld [smem:$0x3FAA]  }
0x29: {  	s4 =	sld [smem:$0x3FAC]  }
0x2a: {  	p0 =	seq.s32 s5, $0x0;
	s5 =	sld [smem:$0x3FAD]  }
0x2b: {  	s6 =	sld [smem:$0x3FAE]  }
0x2c: {  	s7 =	sld [smem:$0x3FAF]  }
0x2d: {  	s3 =	simm.s32 $0x108;
	s8 =	sld [smem:$0x3FB0]  }
0x2e: {  	s3 =	simm.s32 @!p0 $0x1082;
	s9 =	sld [smem:$0x3FB1]  }
0x2f: {  	lr =	sadd.s32 s0, s3;
	s0 =	sld [smem:$0x3FA8]  }
0x30: {  	s3 =	sld [smem:$0x3FAB]  }
0x31: {  	[smem:$0x3FB4] =	sst s10  }
0x32: {  	s10 =	sld [smem:$0x3FB2];
	_ =	sdelay $0x3  }
0x33: {  	p0 =	seq.s32 s10, $0x1;
	s10 =	sld [smem:$0x3FB4];
	_ =	sdelay $0x3  }
0x34: {  	[smem:$0x3FB4] =	sst s10  }
0x35: {  	s10 =	sld [smem:$0x3FB3];
	_ =	sdelay $0x3  }
0x36: {  	p1 =	seq.s32 s10, $0x1;
	s10 =	sld [smem:$0x3FB4];
	_ =	sdelay $0x3  }
0x37: {  	[smem:$0x3FB4] =	sst s10  }
0x38: {  	s10 =	sld [smem:$0x3FB5]  }
0x39: {  	_ = 	snop;
	(pc) =	sbr.ind lr, $3  }
0x3a: {  	_ = 	snop  }
0x3b: {  	_ = 	snop  }
0x3c: {  	p2 =	seq.s32 s10, $0x1;
	s10 =	sld [smem:$0x3FB4]  }
0x3d: {  	_ =	shalt  }
0x3e: {  	_ =	shalt  }
0x3f: {  	_ =	shalt  }
0x40: {  	_ =	shalt  }
0x41: {  	_ =	shalt  }
0x42: {  	_ =	shalt  }
0x43: {  	_ =	shalt  }
0x44: {  	_ =	shalt  }
0x45: {  	_ =	shalt  }
0x46: {  	_ =	shalt  }
0x47: {  	_ =	shalt  }
0x48: {  	_ =	shalt  }
0x49: {  	_ =	shalt  }
0x4a: {  	_ =	shalt  }
0x4b: {  	_ =	shalt  }
0x4c: {  	_ =	shalt  }
0x4d: {  	_ =	shalt  }
0x4e: {  	_ =	shalt  }
0x4f: {  	_ =	shalt  }
0x50: {  	_ =	shalt  }
0x51: {  	_ =	shalt  }
0x52: {  	_ =	shalt  }
0x53: {  	_ =	shalt  }
0x54: {  	_ =	shalt  }
0x55: {  	_ =	shalt  }
0x56: {  	_ =	shalt  }
0x57: {  	_ =	shalt  }
0x58: {  	_ =	shalt  }
0x59: {  	_ =	shalt  }
0x5a: {  	_ =	shalt  }
0x5b: {  	_ =	shalt  }
0x5c: {  	_ =	shalt  }
0x5d: {  	_ =	shalt  }
0x5e: {  	_ =	shalt  }
0x5f: {  	_ =	shalt  }
0x60: {  	_ =	shalt  }
0x61: {  	_ =	shalt  }
0x62: {  	_ =	shalt  }
0x63: {  	_ =	shalt  }
0x64: {  	_ =	shalt  }
0x65: {  	_ =	shalt  }
0x66: {  	_ =	shalt  }
0x67: {  	_ =	shalt  }
0x68: {  	_ =	shalt  }
0x69: {  	_ =	shalt  }
0x6a: {  	_ =	shalt  }
0x6b: {  	_ =	shalt  }
0x6c: {  	_ =	shalt  }
0x6d: {  	_ =	shalt  }
0x6e: {  	_ =	shalt  }
0x6f: {  	_ =	shalt  }
0x70: {  	_ =	shalt  }
0x71: {  	_ =	shalt  }
0x72: {  	_ =	shalt  }
0x73: {  	_ =	shalt  }
0x74: {  	_ =	shalt  }
0x75: {  	_ =	shalt  }
0x76: {  	_ =	shalt  }
0x77: {  	_ =	shalt  }
0x78: {  	_ =	shalt  }
0x79: {  	_ =	shalt  }
0x7a: {  	_ =	shalt  }
0x7b: {  	_ =	shalt  }
0x7c: {  	_ =	shalt  }
0x7d: {  	_ =	shalt  }
0x7e: {  	_ =	shalt  }
0x7f: {  	_ =	shalt  }
0x80: {  	_ =	shalt  }
0x81: {  	_ =	shalt  }
0x82: {  	_ =	shalt  }
0x83: {  	_ =	shalt  }
0x84: {  	_ =	shalt  }
0x85: {  	_ =	shalt  }
0x86: {  	_ =	shalt  }
0x87: {  	_ =	shalt  }
.Lfunc_end0:
.L_simem_size_0:
called_computation_lowered:
.L_overlay_start_0:
0x88: {  	s2 =	sld [smem:$0x3FD9]  }
0x89: {  	s3 =	sld [smem:$0x3FFE];
	_ =	sdelay $0x1  }
0x8a: {  	s1 =	srdreg.scid  }
0x8b: {  	s0 =	sand.u32 $0x1, s1  }
0x8c: {  	s30 =	sshll.u32 s0, $0xA;
	s2 =	sadd.s32 s3, s2  }
0x8d: {  	s2 =	sadd.s32 s2, s30  }
0x8e: {  	[smem:$0x3FC0] =	sst s2  }
0x8f: {  	_ = 	snop  }
0x90: {  	s2 =	sld [smem:$0x3FC9]  }
0x91: {  	s31 =	sld [smem:$0x3FC6]  }
0x92: {  	s4 =	sld [smem:$0x3FC5]  }
0x93: {  	s5 =	sld [smem:$0x3FD0]  }
0x94: {  	s6 =	sld [smem:$0x3FC4]  }
0x95: {  	s7 =	sld [smem:$0x3FC3]  }
0x96: {  	s9 =	simm.s32 $0xA;
	s10 =	simm.s32 $0x10;
	s8 =	sld [smem:$0x3FC2]  }
0x97: {  	[smem:s10], [sflag:s9] =	dma.local [hbm:s5], $0x1  }
0x98: {  	_ =	swait.eq [sflag:s9], $0x1  }
0x99: {  	s16 =	sld [smem:$0x10];
	[sflag:s9] =	ssyncset.done $0x0  }
0x9a: {  	s17 =	sld [smem:$0x11];
	[sflag:s9] =	ssyncadd.s32 $0xFFFFFFFF  }
0x9b: {  	s18 =	sld [smem:$0x12];
	(tm) =	ssettm $0x1  }
0x9c: {  	s11 =	sld [smem:$0x3FFB];
	_ =	sdelay $0x3  }
0x9d: {  	_ =	strace s11  }
0x9e: {  	s11 =	sld [smem:$0x3FFC];
	_ =	sdelay $0x3  }
0x9f: {  	_ =	strace s11  }
0xa0: {  	s11 =	sld [smem:$0x3FFD];
	_ =	sdelay $0x3  }
0xa1: {  	_ =	strace s11  }
0xa2: {  	_ =	strace $0x8FFFFFFF  }
0xa3: {  	s19 =	sld [smem:$0x3FDB];
	_ =	sdelay $0x1  }
0xa4: {  	s12 =	simm.s32 $_scs_section_size  }
0xa5: {  	s13 =	simm.s32 $_size__tile_overlayer_lowered;
	s14 =	simm.s32 $_tile_overlayer_lowered  }
0xa6: {  	s22 =	simm.s32 $0x1BFF;
	s21 =	sshll.u32 s14, $0x1;
	s11 =	sadd.s32 s12, s19  }
0xa7: {  	s15 =	simm.s32 $0x0;
	s20 =	sshll.u32 s13, $0x1;
	s13 =	sadd.s32 s21, s11  }
0xa8: {  	[timem:s15], [sflag:s22] =	dma.local [hbm:s13], s20  }
0xa9: {  	_ =	swait.ge [sflag:s22], s20  }
0xaa: {  	s12 =	ssub.s32 $0x0, s20;
	[sflag:s22] =	ssyncset.done $0x0  }
0xab: {  	[sflag:s22] =	ssyncadd.s32 s12;
	_ =	sdelay $0x1  }
0xac: {  	s23 =	simm.s32 $0x1B8B  }
0xad: {  	_ =	swait.ge [sflag:s23], $0x1  }
0xae: {  	[sflag:s23] =	ssyncset.done $0x0  }
0xaf: {  	s25 =	simm.s32 $0x1B8E;
	s24 =	sld [smem:$0x3FFE];
	[sflag:s23] =	ssyncadd.s32 $0xFFFFFFFF  }
0xb0: {  	s26 =	simm.s32 $execute0_lowered;
	[smem:$0x3FD2] =	sst s25  }
0xb1: {  	s13 =	sshll.u32 s26, $0x1;
	_ =	strace $0x80000046;
	[dreg:$0x1] =	wrdreg $0xFFFFFFFF  }
0xb2: {  	s28 =	simm.s32 $_size_execute0_lowered;
	s11 =	sadd.s32 s11, s13;
	[dreg:$0x0] =	wrdreg $0x0  }
0xb3: {  	s13 =	sshll.u32 s28, $0x1;
	[dreg:$0x2] =	wrdreg s11  }
0xb4: {  	[dreg:$0x3] =	wrdreg s13  }
0xb5: {  	[dreg:$0x4] =	wrdreg $0xC0  }
0xb6: {  	_ =	task [dreg:s15], $0x5FFFF  }
0xb7: {  	[dreg:$0x1] =	wrdreg $0xFFFFFFFF  }
0xb8: {  	[dreg:$0x0] =	wrdreg $0x60  }
0xb9: {  	[dreg:$0x2] =	wrdreg s7  }
0xba: {  	[dreg:$0x3] =	wrdreg s4  }
0xbb: {  	[dreg:$0x4] =	wrdreg s8  }
0xbc: {  	[dreg:$0x5] =	wrdreg s6  }
0xbd: {  	[dreg:$0x6] =	wrdreg s31  }
0xbe: {  	[dreg:$0x7] =	wrdreg s2  }
0xbf: {  	[dreg:$0x8] =	wrdreg s18  }
0xc0: {  	[dreg:$0x9] =	wrdreg s17  }
0xc1: {  	[dreg:$0xa] =	wrdreg s16  }
0xc2: {  	[dreg:$0xb] =	wrdreg s24  }
0xc3: {  	[dreg:$0xc] =	wrdreg $0x9  }
0xc4: {  	_ =	task.clear_ibuf [dreg:s15], $0xDFFFF;
	_ =	strace $0x90000046  }
0xc5: {  	s29 =	simm.s32 $0x9;
	_ =	strace $0x8000004A  }
0xc6: {  	_ =	swait.ge [sflag:s29], $0x1  }
0xc7: {  	[sflag:s29] =	ssyncadd.s32 $0xFFFFFFFF  }
0xc8: {  	_ =	strace $0x9000004A  }
0xc9: {  	_ =	sfence  }
0xca: {  	s30 =	sld [smem:$0x0];
	_ =	sdelay $0x2  }
0xcb: {  	s31 =	sshll.u32 s1, $0xD;
	s1 =	sshrl.u32 s1, $0x2  }
0xcc: {  	s3 =	sand.u32 $0x4000, s31;
	s1 =	sadd.s32 s1, s30  }
0xcd: {  	s0 =	sor.u32 s3, s0;
	s1 =	sshll.u32 s1, $0x11  }
0xce: {  	s0 =	sor.u32 s1, s0  }
0xcf: {  	s0 =	sadd.s32 $0x8F2B, s0  }
0xd0: {  	[sflag:s0] =	ssyncadd.remote.s32 $0x1  }
0xd1: {  	_ =	sfence.sel $0xFFFF  }
0xd2: {  	[dreg:$0x0] =	wrdreg $0xFFFFFFFF;
	(pc) =	sbr.abs _section_cstart, $3  }
0xd3: {  	[dreg:$0x1] =	wrdreg $0xFFFFFFFF  }
0xd4: {  	_ =	task.clear_ibuf [dreg:s15], $0x2FFFF;
	_ =	strace $0x9FFFFFFF  }
0xd5: {  	(tm) =	ssettm $0x7FFFFFFF  }
tec
execute0_lowered:
.L_overlay_start_1:
0x0: {  	(tag) =	ssettag $0x1  }
0x1: {  	s0 =	rddreg [dreg:$0x0]  }
0x2: {  	s1 =	rddreg [dreg:$0x1]  }
0x3: {  	s2 =	rddreg [dreg:$0x2]  }
0x4: {  	s3 =	rddreg [dreg:$0x3]  }
0x5: {  	s15 =	rddreg [dreg:$0x7]  }
0x6: {  	s16 =	rddreg [dreg:$0x8]  }
0x7: {  	s4 =	rddreg [dreg:$0x9];
	s8 =	simm.s32 $0x0;
	s5 =	srdreg.scid  }
0x8: {  	s9 =	stileid.u32;
	[smem:$0x7FF] =	sst s8;
	s17 =	sadd.s32 $0x5000, s4  }
0x9: {  	s18 =	sadd.s32 $0x6A00, s4;
	s19 =	sadd.s32 $0x8400, s4;
	s20 =	sadd.s32 $0x9E00, s4  }
0xa: {  	s21 =	sadd.s32 $0xB800, s4;
	s14 =	sadd.s32 $0xD200, s4;
	s12 =	sadd.s32 $0xEC00, s4  }
0xb: {  	s13 =	sadd.s32 $0x10600, s4;
	s10 =	sand.u32 $0x1, s5;
	p0 =	seq.s32 s9, $0x1  }
0xc: {  	s6 =	sadd.s32 $0x12000, s4;
	s7 =	sadd.s32 $0x13A00, s4;
	p3 =	seq.s32 s9, $0x3  }
0xd: {  	p5 =	seq.s32 s9, $0x4;
	s26 =	sadd.s32 $0x18800, s4;
	s23 =	sadd.s32 $0x1F000, s4  }
0xe: {  	s24 =	sadd.s32 $0x20A00, s4;
	_ =	strace $0x80000047;
	[dreg:$0xc] =	wrdreg s26  }
0xf: {  	s25 =	sadd.s32 $0x22400, s4;
	s28 =	sadd.s32 $0x30E00, s4;
	[dreg:$0x10] =	wrdreg s23  }
0x10: {  	s29 =	sadd.s32 $0x32800, s4;
	s30 =	sadd.s32 $0x10, s2;
	[dreg:$0x11] =	wrdreg s24  }
0x11: {  	s5 =	ssub.s32 $0x2, s10;
	p1 =	seq.s32 s10, $0x0;
	[dreg:$0x12] =	wrdreg s25  }
0x12: {  	s26 =	sadd.s32 $0x23E00, s4;
	s31 =	sor.u32 s9, s10;
	p2 =	por !p1, !p0  }
0x13: {  	s11 =	sshrl.u32 s5, $0x1;
	p4 =	por !p2, !p2;
	p2 =	seq.s32 s9, $0x2  }
0x14: {  	p6 =	por !p1, !p5;
	[dreg:$0x13] =	wrdreg s26;
	s22 =	simm.s32 @!p2 $0x0  }
0x15: {  	s5 =	ssub.s32 s5, s11;
	s11 =	sadd.s32 $0x15400, s4;
	s22 =	simm.s32 @p2 $0x1  }
0x16: {  	s16 =	smov.u32 @p4 s15;
	[smem:$0x7DE] =	sst s22;
	s22 =	simm.s32 @!p3 $0x0  }
0x17: {  	s15 =	sadd.s32 $0x16E00, s4;
	p2 =	por !p1, !p2;
	s22 =	simm.s32 @p3 $0x1  }
0x18: {  	p3 =	por !p1, !p3;
	[smem:$0x7DF] =	sst s22;
	s22 =	simm.s32 @!p4 $0x0  }
0x19: {  	p2 =	por !p2, !p2;
	p3 =	por !p3, !p3;
	s22 =	simm.s32 @p4 $0x1  }
0x1a: {  	p4 =	por p4, p2;
	p2 =	por !p6, !p6;
	[smem:$0x7E0] =	sst s22  }
0x1b: {  	s22 =	simm.s32 @!p5 $0x0;
	p3 =	por p4, p3;
	s17 =	smov.u32 @p4 s16  }
0x1c: {  	s22 =	simm.s32 @p5 $0x1;
	s16 =	simm.s32 @!p3 $0x0;
	s18 =	smov.u32 @p3 s17  }
0x1d: {  	s17 =	sadd.s32 $0x1A200, s4;
	p5 =	seq.s32 s9, $0x7;
	[smem:$0x7E1] =	sst s22  }
0x1e: {  	s22 =	simm.s32 @!p4 $0x0;
	s16 =	simm.s32 @p3 $0x1;
	[dreg:$0xd] =	wrdreg s17  }
0x1f: {  	s17 =	sadd.s32 $0x28C00, s4;
	s22 =	simm.s32 @p4 $0x1;
	[smem:$0x7E3] =	sst s16  }
0x20: {  	p4 =	por p3, p2;
	p2 =	seq.s32 s9, $0x5;
	[dreg:$0x16] =	wrdreg s17  }
0x21: {  	p3 =	seq.s32 s9, $0x6;
	s17 =	simm.s32 $0x0;
	[smem:$0x7E2] =	sst s22  }
0x22: {  	s19 =	smov.u32 @p4 s18;
	s18 =	sadd.s32 $0x1BC00, s4;
	s16 =	simm.s32 @!p2 $0x0  }
0x23: {  	s22 =	sadd.s32 $0x1D600, s4;
	[dreg:$0xe] =	wrdreg s18;
	s16 =	simm.s32 @p2 $0x1  }
0x24: {  	p2 =	por !p1, !p2;
	[dreg:$0xf] =	wrdreg s22;
	s18 =	sadd.s32 $0x2A600, s4  }
0x25: {  	s22 =	sadd.s32 $0x2F400, s4;
	[smem:$0x7E4] =	sst s16;
	s16 =	simm.s32 @!p3 $0x0  }
0x26: {  	p2 =	por !p2, !p2;
	[dreg:$0x17] =	wrdreg s18;
	s16 =	simm.s32 @p3 $0x1  }
0x27: {  	p3 =	por !p1, !p3;
	[smem:$0x7E5] =	sst s16;
	s16 =	simm.s32 @!p4 $0x0  }
0x28: {  	[dreg:$0x1a] =	wrdreg s22;
	p3 =	por !p3, !p3;
	s16 =	simm.s32 @p4 $0x1  }
0x29: {  	p4 =	por p4, p2;
	[smem:$0x7E6] =	sst s16;
	s16 =	simm.s32 @!p5 $0x0  }
0x2a: {  	p3 =	por p4, p3;
	s20 =	smov.u32 @p4 s19;
	s19 =	sadd.s32 $0x2C000, s4  }
0x2b: {  	s16 =	simm.s32 @p5 $0x1;
	p5 =	por !p1, !p5;
	[dreg:$0x18] =	wrdreg s19  }
0x2c: {  	s21 =	smov.u32 @p3 s20;
	s20 =	smul.u32 $0x280, s9;
	[smem:$0x7E7] =	sst s16  }
0x2d: {  	p2 =	por !p5, !p5;
	s16 =	simm.s32 @!p4 $0x0;
	p5 =	seq.s32 s9, $0xA  }
0x2e: {  	s16 =	simm.s32 @p4 $0x1;
	p4 =	por p3, p2;
	p2 =	seq.s32 s9, $0x8  }
0x2f: {  	p6 =	por !p1, !p5;
	s23 =	sadd.s32 s1, s20;
	[smem:$0x7E8] =	sst s16  }
0x30: {  	s24 =	sadd.s32 s3, s20;
	s16 =	simm.s32 @!p3 $0x0;
	[dreg:$0x1b] =	wrdreg s23  }
0x31: {  	s14 =	smov.u32 @p4 s21;
	[dreg:$0x1c] =	wrdreg s24;
	s16 =	simm.s32 @p3 $0x1  }
0x32: {  	s21 =	sadd.s32 $0x2DA00, s4;
	[smem:$0x7E9] =	sst s16;
	s16 =	simm.s32 @!p2 $0x0  }
0x33: {  	p3 =	seq.s32 s9, $0x9;
	[dreg:$0x19] =	wrdreg s21;
	s16 =	simm.s32 @p2 $0x1  }
0x34: {  	p2 =	por !p1, !p2;
	[smem:$0x7EA] =	sst s16;
	s16 =	simm.s32 @!p3 $0x0  }
0x35: {  	p2 =	por !p2, !p2;
	s16 =	simm.s32 @p3 $0x1;
	p3 =	por !p1, !p3  }
0x36: {  	[smem:$0x7EB] =	sst s16;
	p3 =	por !p3, !p3;
	s16 =	simm.s32 @!p4 $0x0  }
0x37: {  	s16 =	simm.s32 @p4 $0x1;
	p4 =	por p4, p2;
	p2 =	por !p6, !p6  }
0x38: {  	p6 =	seq.s32 s9, $0x0;
	[smem:$0x7EC] =	sst s16;
	s16 =	simm.s32 @!p5 $0x0  }
0x39: {  	p3 =	por p4, p3;
	s12 =	smov.u32 @p4 s14;
	s16 =	simm.s32 @p5 $0x1  }
0x3a: {  	s14 =	simm.s32 @!p3 $0x0;
	s13 =	smov.u32 @p3 s12;
	p5 =	seq.s32 s9, $0xD  }
0x3b: {  	[smem:$0x7ED] =	sst s16;
	s16 =	simm.s32 @!p4 $0x0;
	s14 =	simm.s32 @p3 $0x1  }
0x3c: {  	s16 =	simm.s32 @p4 $0x1;
	p4 =	por p3, p2;
	[smem:$0x7EF] =	sst s14  }
0x3d: {  	p2 =	seq.s32 s9, $0xB;
	s14 =	sadd.s32 $0x25800, s4;
	[smem:$0x7EE] =	sst s16  }
0x3e: {  	p3 =	seq.s32 s9, $0xC;
	s6 =	smov.u32 @p4 s13;
	[dreg:$0x14] =	wrdreg s14  }
0x3f: {  	s12 =	simm.s32 @!p2 $0x0;
	s16 =	sadd.s32 $0x27200, s4;
	s13 =	smax.u32 s5, $0x1  }
0x40: {  	s14 =	simm.s32 $0x1;
	s12 =	simm.s32 @p2 $0x1;
	[dreg:$0x15] =	wrdreg s16  }
0x41: {  	p2 =	por !p1, !p2;
	[smem:$0x7F0] =	sst s12;
	s12 =	simm.s32 @!p3 $0x0  }
0x42: {  	s16 =	simm.s32 $0x3;
	p2 =	por !p2, !p2;
	s12 =	simm.s32 @p3 $0x1  }
0x43: {  	p3 =	por !p1, !p3;
	[smem:$0x7F1] =	sst s12;
	s12 =	simm.s32 @!p4 $0x0  }
0x44: {  	p3 =	por !p3, !p3;
	s12 =	simm.s32 @p4 $0x1;
	p4 =	por p4, p2  }
0x45: {  	[smem:$0x7F2] =	sst s12;
	s12 =	simm.s32 @!p5 $0x0;
	p3 =	por p4, p3  }
0x46: {  	s7 =	smov.u32 @p4 s6;
	s12 =	simm.s32 @p5 $0x1;
	p5 =	por !p1, !p5  }
0x47: {  	s6 =	simm.s32 @!p3 $0x0;
	s11 =	smov.u32 @p3 s7;
	s7 =	sor.u32 $0x20, s9  }
0x48: {  	[smem:$0x7F3] =	sst s12;
	p2 =	por !p5, !p5;
	s12 =	simm.s32 @!p4 $0x0  }
0x49: {  	s6 =	simm.s32 @p3 $0x1;
	p5 =	seq.s32 s10, $0x1;
	s12 =	simm.s32 @p4 $0x1  }
0x4a: {  	p4 =	por p3, p2;
	[smem:$0x7F5] =	sst s6;
	p2 =	seq.s32 s9, $0xE  }
0x4b: {  	p3 =	seq.s32 s9, $0xF;
	p0 =	por !p0, !p5;
	s18 =	simm.s32 @!p5 $0x0  }
0x4c: {  	[smem:$0x7F4] =	sst s12;
	s15 =	smov.u32 @p4 s11;
	s4 =	simm.s32 @!p2 $0x0  }
0x4d: {  	p0 =	por !p0, !p0;
	s5 =	simm.s32 @!p4 $0x0;
	s12 =	simm.s32 $0x100  }
0x4e: {  	s18 =	simm.s32 @p5 $0x1;
	[dreg:$0xb] =	wrdreg s15;
	s4 =	simm.s32 @p2 $0x1  }
0x4f: {  	p2 =	por !p1, !p2;
	p1 =	por !p1, !p3;
	[smem:$0x7FD] =	sst s18  }
0x50: {  	s5 =	simm.s32 @p4 $0x1;
	[smem:$0x7F6] =	sst s4;
	s4 =	simm.s32 @!p3 $0x0  }
0x51: {  	p1 =	por !p1, !p1;
	[smem:$0x7FB] =	sst s5;
	s4 =	simm.s32 @p3 $0x1  }
0x52: {  	p3 =	por !p6, !p5;
	s6 =	simm.s32 @!p1 $0x0;
	[smem:$0x7F7] =	sst s4  }
0x53: {  	s4 =	smul.u32 $0x500, s9;
	s6 =	simm.s32 @p1 $0x1;
	p1 =	por !p3, !p3  }
0x54: {  	p2 =	por !p2, !p2;
	[smem:$0x7F8] =	sst s6;
	s6 =	simm.s32 @!p1 $0x0  }
0x55: {  	s6 =	simm.s32 @p1 $0x1;
	s25 =	sadd.s32 s0, s4;
	s26 =	sadd.s32 s2, s4  }
.Ltmp0:
0x56: {  	[smem:$0x7F9] =	sst s6;
	s6 =	simm.s32 @!p0 $0x0;
	(pc) =	sbr.rel .LBB2_1-.Ltmp0, $4  }
0x57: {  	[dreg:$0x1d] =	wrdreg s25;
	s6 =	simm.s32 @p0 $0x1;
	p0 =	por p4, p2  }
0x58: {  	s11 =	simm.s32 $0x2;
	[dreg:$0x1e] =	wrdreg s26;
	s5 =	simm.s32 @!p0 $0x0  }
0x59: {  	s15 =	simm.s32 $0xC380;
	[smem:$0x7FA] =	sst s6;
	s5 =	simm.s32 @p0 $0x1  }
0x5a: {  	v0 =	vimm.f32 $0.0e+00;
	s6 =	sadd.s32 $0x10, s0;
	[smem:$0x7FC] =	sst s5;
	s5 =	simm.s32 $0x80  }
.LBB2_28:
0x5b: {  	[hbm4b:s18+s8] =	stream.linear.scatter [tilespmem:s15], [sflag:$0x3], $0xC400, $0x38;
	[tilespmem:$0x1FF80] =	vst v63  }
0x5c: {  	_ =	swait.ge [sflag:s16], $0xC400  }
0x5d: {  	[sflag:s16] =	ssyncset.done $0x0  }
0x5e: {  	[sflag:s16] =	ssyncadd.s32 $0xFFFF3C00  }
.LBB2_29:
0x5f: {  	s17 =	sadd.s32 $0x1, s17  }
0x60: {  	p0 =	sne.s32 s17, s13  }
.Ltmp1:
0x61: {  	_ = 	snop;
	(pc) =	sbr.rel @!p0 .LBB2_30-.Ltmp1, $1  }
0x62: {  	_ =	sdelay $0x3  }
.LBB2_1:
0x63: {  	p0 =	sne.s32 s10, $0x0  }
0x64: {  	s19 =	rddreg [dreg:$0x4];
	s18 =	simm.s32 @!p0 $0x0  }
0x65: {  	[tilespmem:s18], [sflag:$0x2] =	stream.linear.gather @!p0 [hbm4b:s19+s18], $0xC380, $0x38;
	[tilespmem:$0x1FF80] =	vst v63  }
0x66: {  	s18 =	simm.s32 @p5 $0x0;
	s19 =	rddreg [dreg:$0x5]  }
0x67: {  	[tilespmem:s18], [sflag:$0x2] =	stream.linear.gather @p5 [hbm4b:s19+s18], $0xC380, $0x38;
	[tilespmem:$0x1FF80] =	vst v63  }
0x68: {  	s18 =	simm.s32 $0x0;
	s19 =	simm.s32 $0x200;
	_ =	strace $0x80000048  }
.LBB2_2:
0x69: {  	p1 =	sne.s32 s19, $0x30E00;
	[tilespmem:s18+$0xC3F0] =	vst v0  }
0x6a: {  	[tilespmem:s18+$0xC380] =	vst v0  }
0x6b: {  	[tilespmem:s18+$0xC390] =	vst v0  }
.Ltmp2:
0x6c: {  	[tilespmem:s18+$0xC3A0] =	vst v0;
	(pc) =	sbr.rel @p1 .LBB2_2-.Ltmp2, $4  }
0x6d: {  	[tilespmem:s18+$0xC3B0] =	vst v0  }
0x6e: {  	[tilespmem:s18+$0xC3C0] =	vst v0  }
0x6f: {  	[tilespmem:s18+$0xC3D0] =	vst v0  }
0x70: {  	[tilespmem:s18+$0xC3E0] =	vst v0;
	s18 =	sshra.s32 s19, $0x2;
	s19 =	sadd.s32 $0x200, s19  }
0x71: {  	[tilespmem:s18+$0xC3F0] =	vst v0  }
0x72: {  	[tilespmem:s18+$0xC380] =	vst v0  }
0x73: {  	[tilespmem:s18+$0xC390] =	vst v0  }
0x74: {  	[tilespmem:s18+$0xC3A0] =	vst v0  }
0x75: {  	[tilespmem:s18+$0xC3B0] =	vst v0  }
.Ltmp3:
0x76: {  	[tilespmem:s18+$0xC3C0] =	vst v0;
	(pc) =	sbr.rel @p0 .LBB2_12-.Ltmp3, $4  }
0x77: {  	[tilespmem:s18+$0xC3D0] =	vst v0  }
0x78: {  	[tilespmem:s18+$0xC3E0] =	vst v0  }
0x79: {  	_ =	strace $0x90000048  }
0x7a: {  	_ =	strace $0x80000049  }
0x7b: {  	s18 =	rddreg [dreg:$0x1d];
	s19 =	simm.s32 $0x18780  }
0x7c: {  	[tilespmem:s19], [sflag:$0x1] =	stream.strided.gather [hbm4b:s18+s5], $0x1400, s12, s5, $0x200038;
	[tilespmem:$0x1FF80] =	vst v63  }
0x7d: {  	s24 =	sadd.s32 s4, s6;
	s25 =	simm.s32 $0x19B80;
	s26 =	rddreg [dreg:$0x1b]  }
0x7e: {  	[tilespmem:s25], [sflag:$0x1] =	stream.strided.gather [hbm4b:s24+s5], $0x1400, s12, s5, $0x200038;
	[tilespmem:$0x1FF80] =	vst v63  }
.Ltmp4:
0x7f: {  	s20 =	simm.s32 $0x1AF80;
	s18 =	simm.s32 $0x0;
	(pc) =	sbr.rel .LBB2_5-.Ltmp4, $4  }
0x80: {  	[tilespmem:s20], [sflag:$0x1] =	stream.linear.gather [hbm4b:s26+s18], $0x1400, $0x200038;
	[tilespmem:$0x1FF80] =	vst v63  }
0x81: {  	_ =	swait.ge [sflag:s11], $0xC380  }
0x82: {  	[sflag:s11] =	ssyncset.done $0x0  }
0x83: {  	[sflag:s11] =	ssyncadd.s32 $0xFFFF3C80  }
.LBB2_10:
0x84: {  	_ =	sdelay $0x3  }
0x85: {  	[tilespmem:v1+s15+$0x0] =	vst.idx.add.f32.msk $0xffff, v2  }
.LBB2_11:
0x86: {  	s18 =	sadd.s32 $0x1, s18  }
0x87: {  	p0 =	sne.s32 s18, $0xA  }
.Ltmp5:
0x88: {  	_ = 	snop;
	(pc) =	sbr.rel @!p0 .LBB2_12-.Ltmp5, $1  }
0x89: {  	_ =	sdelay $0x3  }
.LBB2_5:
0x8a: {  	s20 =	sshll.u32 s18, $0x5;
	_ =	swait.ge [sflag:s14], $0x1400  }
0x8b: {  	s19 =	sor.u32 s20, s9;
	[sflag:s14] =	ssyncset.done $0x0  }
0x8c: {  	s21 =	sor.u32 $0x10, s19;
	[sflag:s14] =	ssyncadd.s32 $0xFFFFEC00  }
0x8d: {  	_ =	swait.ge [sflag:s14], $0x1400;
	p0 =	sgt.u32 s21, $0x138  }
0x8e: {  	[sflag:s14] =	ssyncset.done $0x0;
	p1 =	seq.s32 @!p0 s19, $0x128;
	s21 =	smul.u32 @!p0 $0x28, s21  }
0x8f: {  	s24 =	simm.s32 @!p0 $0x80;
	[sflag:s14] =	ssyncadd.s32 $0xFFFFEC00;
	p1 =	por !p1, p0  }
0x90: {  	s25 =	simm.s32 @!p0 $0x100;
	_ =	swait.ge [sflag:s14], $0x1400;
	s21 =	simm.s32 @!p1 $0x30AC  }
0x91: {  	s26 =	simm.s32 @!p0 $0x1C380;
	[sflag:s14] =	ssyncset.done $0x0;
	s22 =	sshll.u32 @!p0 s21, $0x5  }
0x92: {  	s21 =	sshll.u32 @!p0 s21, $0x4;
	[sflag:s14] =	ssyncadd.s32 $0xFFFFEC00;
	s23 =	sadd.s32 @!p0 s0, s22  }
0x93: {  	[tilespmem:s26], [sflag:$0x2] =	stream.strided.gather @!p0 [hbm4b:s23+s24], $0x1400, s25, s24, $0x200038;
	[tilespmem:$0x1FF80] =	vst v63  }
0x94: {  	s22 =	sadd.s32 @!p0 s6, s22;
	s21 =	sadd.s32 @!p0 s1, s21;
	s23 =	simm.s32 @!p0 $0x1D780  }
0x95: {  	[tilespmem:s23], [sflag:$0x2] =	stream.strided.gather @!p0 [hbm4b:s22+s24], $0x1400, s25, s24, $0x200038;
	[tilespmem:$0x1FF80] =	vst v63  }
0x96: {  	s26 =	simm.s32 $0x0;
	s22 =	simm.s32 @!p0 $0x0;
	s23 =	simm.s32 @!p0 $0x1EB80  }
0x97: {  	[tilespmem:s23], [sflag:$0x2] =	stream.linear.gather @!p0 [hbm4b:s21+s22], $0x1400, $0x200038;
	[tilespmem:$0x1FF80] =	vst v63  }
0x98: {  	v2 =	vld [tilespmem:s26+$0x1AFA0]  }
0x99: {  	v1 =	vld [tilespmem:s26+$0x1AF80]  }
0x9a: {  	v3 =	vld [tilespmem:s26+$0x1AF90]  }
0x9b: {  	v4 =	vld [tilespmem:s26+$0x1AFD0]  }
0x9c: {  	v5 =	vld [tilespmem:s26+$0x1AFC0]  }
0x9d: {  	v6 =	vld [tilespmem:s26+$0x187D0]  }
0x9e: {  	v7 =	vld [tilespmem:s26+$0x187E0]  }
0x9f: {  	v8 =	vld [tilespmem:s26+$0x187F0]  }
0xa0: {  	v9 =	vld [tilespmem:s26+$0x19B90]  }
0xa1: {  	v10 =	vld [tilespmem:s26+$0x19B80]  }
0xa2: {  	v11 =	vld [tilespmem:s26+$0x187A0]  }
0xa3: {  	v12 =	vld [tilespmem:s26+$0x1AFE0]  }
0xa4: {  	v13 =	vld [tilespmem:s26+$0x187C0]  }
0xa5: {  	v14 =	vld [tilespmem:s26+$0x187B0]  }
0xa6: {  	v15 =	vld [tilespmem:s26+$0x18790]  }
0xa7: {  	v16 =	vld [tilespmem:s26+$0x18780]  }
0xa8: {  	v17 =	vld [tilespmem:s26+$0x1AFB0]  }
0xa9: {  	v18 =	vld [tilespmem:s26+$0x19BB0]  }
0xaa: {  	v19 =	vld [tilespmem:s26+$0x19BA0]  }
0xab: {  	v20 =	vld [tilespmem:s26+$0x19BC0]  }
0xac: {  	v21 =	vld [tilespmem:s26+$0x19BD0]  }
0xad: {  	v22 =	vld [tilespmem:s26+$0x19BE0]  }
0xae: {  	v23 =	vld [tilespmem:s26+$0x1AFF0]  }
0xaf: {  	v7 =	vld.idx.msk [tilespmem:v7+s8+$0x0], $0xffff  }
0xb0: {  	v11 =	vld.idx.msk [tilespmem:v11+s8+$0x0], $0xffff  }
0xb1: {  	v16 =	vld.idx.msk [tilespmem:v16+s8+$0x0], $0xffff  }
0xb2: {  	v15 =	vld.idx.msk [tilespmem:v15+s8+$0x0], $0xffff  }
0xb3: {  	v13 =	vld.idx.msk [tilespmem:v13+s8+$0x0], $0xffff  }
0xb4: {  	v14 =	vld.idx.msk [tilespmem:v14+s8+$0x0], $0xffff  }
0xb5: {  	v6 =	vld.idx.msk [tilespmem:v6+s8+$0x0], $0xffff  }
0xb6: {  	v8 =	vld.idx.msk [tilespmem:v8+s8+$0x0], $0xffff;
	v16 =	vmul.f32 v16, v1  }
0xb7: {  	v3 =	vmul.f32 v15, v3;
	v1 =	vld [tilespmem:s26+$0x19BF0]  }
0xb8: {  	v2 =	vmul.f32 v11, v2;
	[tilespmem:v10+s15+$0x0] =	vst.idx.add.f32.msk $0xffff, v16  }
0xb9: {  	v62 =	vmul.f32 v14, v17;
	[tilespmem:v9+s15+$0x0] =	vst.idx.add.f32.msk $0xffff, v3  }
0xba: {  	v3 =	vmul.f32 v13, v5;
	[tilespmem:v19+s15+$0x0] =	vst.idx.add.f32.msk $0xffff, v2  }
0xbb: {  	v2 =	vmul.f32 v6, v4;
	[tilespmem:v18+s15+$0x0] =	vst.idx.add.f32.msk $0xffff, v62  }
0xbc: {  	v63 =	vmul.f32 v7, v12;
	[tilespmem:v20+s15+$0x0] =	vst.idx.add.f32.msk $0xffff, v3  }
0xbd: {  	[tilespmem:v21+s15+$0x0] =	vst.idx.add.f32.msk $0xffff, v2;
	v2 =	vmul.f32 v8, v23  }
0xbe: {  	s21 =	simm.s32 $0x200;
	[tilespmem:v22+s15+$0x0] =	vst.idx.add.f32.msk $0xffff, v63  }
.LBB2_6:
0xbf: {  	s22 =	sshra.s32 s21, $0x2;
	p1 =	sne.s32 s21, $0x4E00;
	s21 =	sadd.s32 $0x200, s21;
	[tilespmem:v1+s15+$0x0] =	vst.idx.add.f32.msk $0xffff, v2  }
0xc0: {  	v1 =	vld [tilespmem:s22+$0x1AFA0]  }
0xc1: {  	v2 =	vld [tilespmem:s22+$0x1AF80]  }
0xc2: {  	v3 =	vld [tilespmem:s22+$0x1AF90]  }
0xc3: {  	v4 =	vld [tilespmem:s22+$0x1AFD0]  }
0xc4: {  	v5 =	vld [tilespmem:s22+$0x1AFC0]  }
0xc5: {  	v6 =	vld [tilespmem:s22+$0x187D0]  }
0xc6: {  	v7 =	vld [tilespmem:s22+$0x187E0]  }
0xc7: {  	v8 =	vld [tilespmem:s22+$0x187F0]  }
0xc8: {  	v9 =	vld [tilespmem:s22+$0x19B90]  }
0xc9: {  	v10 =	vld [tilespmem:s22+$0x19B80]  }
0xca: {  	v11 =	vld [tilespmem:s22+$0x187A0]  }
0xcb: {  	v12 =	vld [tilespmem:s22+$0x1AFE0]  }
0xcc: {  	v13 =	vld [tilespmem:s22+$0x187C0]  }
0xcd: {  	v14 =	vld [tilespmem:s22+$0x187B0]  }
0xce: {  	v7 =	vld.idx.msk [tilespmem:v7+s8+$0x0], $0xffff  }
0xcf: {  	v15 =	vld [tilespmem:s22+$0x18790]  }
0xd0: {  	v16 =	vld [tilespmem:s22+$0x18780]  }
0xd1: {  	v17 =	vld [tilespmem:s22+$0x1AFB0]  }
0xd2: {  	v11 =	vld.idx.msk [tilespmem:v11+s8+$0x0], $0xffff  }
0xd3: {  	v18 =	vld [tilespmem:s22+$0x19BB0]  }
0xd4: {  	v13 =	vld.idx.msk [tilespmem:v13+s8+$0x0], $0xffff  }
0xd5: {  	v7 =	vmul.f32 v7, v12;
	v6 =	vld.idx.msk [tilespmem:v6+s8+$0x0], $0xffff  }
0xd6: {  	v12 =	vld [tilespmem:s22+$0x19BA0]  }
0xd7: {  	v15 =	vld.idx.msk [tilespmem:v15+s8+$0x0], $0xffff  }
0xd8: {  	v11 =	vmul.f32 v11, v1;
	v16 =	vld.idx.msk [tilespmem:v16+s8+$0x0], $0xffff  }
0xd9: {  	v14 =	vld.idx.msk [tilespmem:v14+s8+$0x0], $0xffff  }
0xda: {  	v5 =	vmul.f32 v13, v5;
	v19 =	vld [tilespmem:s22+$0x19BC0]  }
0xdb: {  	v4 =	vmul.f32 v6, v4;
	v13 =	vld [tilespmem:s22+$0x19BD0]  }
0xdc: {  	v6 =	vld [tilespmem:s22+$0x19BE0]  }
0xdd: {  	v3 =	vmul.f32 v15, v3;
	v8 =	vld.idx.msk [tilespmem:v8+s8+$0x0], $0xffff  }
0xde: {  	v2 =	vmul.f32 v16, v2;
	v15 =	vld [tilespmem:s22+$0x1AFF0]  }
0xdf: {  	v14 =	vmul.f32 v14, v17;
	v1 =	vld [tilespmem:s22+$0x19BF0]  }
0xe0: {  	[tilespmem:v10+s15+$0x0] =	vst.idx.add.f32.msk $0xffff, v2  }
0xe1: {  	[tilespmem:v9+s15+$0x0] =	vst.idx.add.f32.msk $0xffff, v3  }
.Ltmp6:
0xe2: {  	[tilespmem:v12+s15+$0x0] =	vst.idx.add.f32.msk $0xffff, v11;
	(pc) =	sbr.rel @p1 .LBB2_6-.Ltmp6, $4  }
0xe3: {  	v2 =	vmul.f32 v8, v15;
	[tilespmem:v18+s15+$0x0] =	vst.idx.add.f32.msk $0xffff, v14  }
0xe4: {  	[tilespmem:v19+s15+$0x0] =	vst.idx.add.f32.msk $0xffff, v5  }
0xe5: {  	[tilespmem:v13+s15+$0x0] =	vst.idx.add.f32.msk $0xffff, v4  }
0xe6: {  	[tilespmem:v6+s15+$0x0] =	vst.idx.add.f32.msk $0xffff, v7  }
0xe7: {  	_ =	sdelay $0x3  }
0xe8: {  	[tilespmem:v1+s15+$0x0] =	vst.idx.add.f32.msk $0xffff, v2;
	s21 =	simm.s32 @!p0 $0x2  }
0xe9: {  	_ =	swait.ge @!p0 [sflag:s21], $0x1400  }
0xea: {  	[sflag:s21] =	ssyncset.done @!p0 $0x0  }
0xeb: {  	p1 =	seq.s32 s18, $0x9;
	[sflag:s21] =	ssyncadd.s32 @!p0 $0xFFFFEC00  }
0xec: {  	s20 =	sadd.s32 @!p1 s7, s20;
	_ =	swait.ge @!p0 [sflag:s21], $0x1400  }
0xed: {  	p2 =	sgt.u32 @!p1 s20, $0x138;
	[sflag:s21] =	ssyncset.done @!p0 $0x0  }
0xee: {  	p1 =	por p2, p1;
	[sflag:s21] =	ssyncadd.s32 @!p0 $0xFFFFEC00  }
0xef: {  	s22 =	smul.u32 @!p1 $0x500, s20;
	_ =	swait.ge @!p0 [sflag:s21], $0x1400  }
0xf0: {  	s23 =	simm.s32 @!p1 $0x80;
	s24 =	simm.s32 @!p1 $0x100;
	[sflag:s21] =	ssyncset.done @!p0 $0x0  }
0xf1: {  	s25 =	simm.s32 @!p1 $0x18780;
	[sflag:s21] =	ssyncadd.s32 @!p0 $0xFFFFEC00;
	s21 =	sadd.s32 @!p1 s0, s22  }
0xf2: {  	[tilespmem:s25], [sflag:$0x1] =	stream.strided.gather @!p1 [hbm4b:s21+s23], $0x1400, s24, s23, $0x200038;
	[tilespmem:$0x1FF80] =	vst v63  }
.Ltmp7:
0xf3: {  	_ = 	snop;
	(pc) =	sbr.rel @p0 .LBB2_11-.Ltmp7, $4  }
0xf4: {  	s20 =	smul.u32 @!p1 $0x280, s20;
	s21 =	sadd.s32 @!p1 s6, s22;
	s22 =	simm.s32 @!p1 $0x19B80  }
0xf5: {  	[tilespmem:s22], [sflag:$0x1] =	stream.strided.gather @!p1 [hbm4b:s21+s23], $0x1400, s24, s23, $0x200038;
	[tilespmem:$0x1FF80] =	vst v63  }
0xf6: {  	s20 =	sadd.s32 @!p1 s1, s20;
	s21 =	simm.s32 @!p1 $0x0;
	s22 =	simm.s32 @!p1 $0x1AF80  }
0xf7: {  	[tilespmem:s22], [sflag:$0x1] =	stream.linear.gather @!p1 [hbm4b:s20+s21], $0x1400, $0x200038;
	[tilespmem:$0x1FF80] =	vst v63  }
0xf8: {  	p0 =	seq.s32 s19, $0x128;
	s22 =	simm.s32 $0x14  }
0xf9: {  	s22 =	simm.s32 @!p0 $0x0  }
0xfa: {  	s21 =	sshll.u32 s22, $0x7  }
0xfb: {  	s19 =	sadd.s32 $0x1EBC0, s21  }
0xfc: {  	v2 =	vld [tilespmem:s19+$0x30]  }
0xfd: {  	s20 =	sadd.s32 $0x1D7C0, s21;
	v3 =	vld [tilespmem:s19+$0x20]  }
0xfe: {  	v1 =	vld [tilespmem:s20+$0x30]  }
0xff: {  	v4 =	vld [tilespmem:s19+$0x10]  }
0x100: {  	v5 =	vld [tilespmem:s20+$0x20]  }
0x101: {  	v6 =	vld [tilespmem:s19+$0x0]  }
0x102: {  	v7 =	vld [tilespmem:s20+$0x10]  }
0x103: {  	v8 =	vld [tilespmem:s19+$0xFFFFFFF0]  }
0x104: {  	v9 =	vld [tilespmem:s20+$0x0]  }
0x105: {  	v10 =	vld [tilespmem:s19+$0xFFFFFFE0]  }
0x106: {  	v11 =	vld [tilespmem:s20+$0xFFFFFFF0]  }
0x107: {  	v12 =	vld [tilespmem:s19+$0xFFFFFFD0]  }
0x108: {  	v13 =	vld [tilespmem:s20+$0xFFFFFFE0]  }
0x109: {  	v14 =	vld [tilespmem:s19+$0xFFFFFFC0]  }
0x10a: {  	v15 =	vld [tilespmem:s20+$0xFFFFFFD0]  }
0x10b: {  	s21 =	sadd.s32 $0x1C3C0, s21;
	v16 =	vld [tilespmem:s20+$0xFFFFFFC0]  }
0x10c: {  	v17 =	vld [tilespmem:s21+$0xFFFFFFC0]  }
0x10d: {  	v18 =	vld [tilespmem:s21+$0xFFFFFFD0]  }
0x10e: {  	v19 =	vld [tilespmem:s21+$0xFFFFFFE0]  }
0x10f: {  	v20 =	vld [tilespmem:s21+$0xFFFFFFF0]  }
0x110: {  	v21 =	vld [tilespmem:s21+$0x0]  }
0x111: {  	v22 =	vld [tilespmem:s21+$0x10]  }
0x112: {  	v23 =	vld [tilespmem:s21+$0x20]  }
0x113: {  	v24 =	vld [tilespmem:s21+$0x30]  }
0x114: {  	v17 =	vld.idx.msk [tilespmem:v17+s8+$0x0], $0xffff  }
0x115: {  	v18 =	vld.idx.msk [tilespmem:v18+s8+$0x0], $0xffff  }
0x116: {  	v19 =	vld.idx.msk [tilespmem:v19+s8+$0x0], $0xffff  }
0x117: {  	v20 =	vld.idx.msk [tilespmem:v20+s8+$0x0], $0xffff  }
0x118: {  	v21 =	vld.idx.msk [tilespmem:v21+s8+$0x0], $0xffff  }
0x119: {  	v22 =	vld.idx.msk [tilespmem:v22+s8+$0x0], $0xffff  }
0x11a: {  	v23 =	vld.idx.msk [tilespmem:v23+s8+$0x0], $0xffff;
	v14 =	vmul.f32 v17, v14  }
0x11b: {  	v63 =	vld.idx.msk [tilespmem:v24+s8+$0x0], $0xffff;
	v12 =	vmul.f32 v18, v12  }
0x11c: {  	s22 =	ssub.s32 $0x28, s22;
	v10 =	vmul.f32 v19, v10;
	[tilespmem:v16+s15+$0x0] =	vst.idx.add.f32.msk $0xffff, v14  }
0x11d: {  	p0 =	sne.s32 s22, $0x1;
	v8 =	vmul.f32 v20, v8;
	[tilespmem:v15+s15+$0x0] =	vst.idx.add.f32.msk $0xffff, v12  }
.Ltmp8:
0x11e: {  	v6 =	vmul.f32 v21, v6;
	[tilespmem:v13+s15+$0x0] =	vst.idx.add.f32.msk $0xffff, v10;
	(pc) =	sbr.rel @!p0 .LBB2_10-.Ltmp8, $4  }
0x11f: {  	v4 =	vmul.f32 v22, v4;
	[tilespmem:v11+s15+$0x0] =	vst.idx.add.f32.msk $0xffff, v8  }
0x120: {  	v3 =	vmul.f32 v23, v3;
	[tilespmem:v9+s15+$0x0] =	vst.idx.add.f32.msk $0xffff, v6  }
0x121: {  	v2 =	vmul.f32 v63, v2;
	[tilespmem:v7+s15+$0x0] =	vst.idx.add.f32.msk $0xffff, v4  }
0x122: {  	s22 =	sadd.s32 $0xFFFFFFFF, s22;
	[tilespmem:v5+s15+$0x0] =	vst.idx.add.f32.msk $0xffff, v3  }
.LBB2_9:
0x123: {  	[tilespmem:v1+s15+$0x0] =	vst.idx.add.f32.msk $0xffff, v2;
	s21 =	sadd.s32 $0x80, s21;
	s20 =	sadd.s32 $0x80, s20;
	s19 =	sadd.s32 $0x80, s19  }
0x124: {  	p0 =	sne.s32 s22, $0x1;
	s22 =	sadd.s32 $0xFFFFFFFF, s22;
	v2 =	vld [tilespmem:s19+$0x30]  }
0x125: {  	v3 =	vld [tilespmem:s19+$0x20]  }
0x126: {  	v1 =	vld [tilespmem:s20+$0x30]  }
0x127: {  	v4 =	vld [tilespmem:s19+$0x10]  }
0x128: {  	v5 =	vld [tilespmem:s20+$0x20]  }
0x129: {  	v6 =	vld [tilespmem:s19+$0x0]  }
0x12a: {  	v7 =	vld [tilespmem:s20+$0x10]  }
0x12b: {  	v8 =	vld [tilespmem:s19+$0xFFFFFFF0]  }
0x12c: {  	v9 =	vld [tilespmem:s20+$0x0]  }
0x12d: {  	v10 =	vld [tilespmem:s19+$0xFFFFFFE0]  }
0x12e: {  	v11 =	vld [tilespmem:s20+$0xFFFFFFF0]  }
0x12f: {  	v12 =	vld [tilespmem:s19+$0xFFFFFFD0]  }
0x130: {  	v13 =	vld [tilespmem:s20+$0xFFFFFFE0]  }
0x131: {  	v14 =	vld [tilespmem:s19+$0xFFFFFFC0]  }
0x132: {  	v15 =	vld [tilespmem:s20+$0xFFFFFFD0]  }
0x133: {  	v16 =	vld [tilespmem:s20+$0xFFFFFFC0]  }
0x134: {  	v17 =	vld [tilespmem:s21+$0xFFFFFFC0]  }
0x135: {  	v18 =	vld [tilespmem:s21+$0xFFFFFFD0]  }
0x136: {  	v19 =	vld [tilespmem:s21+$0xFFFFFFE0]  }
0x137: {  	v20 =	vld [tilespmem:s21+$0xFFFFFFF0]  }
0x138: {  	v21 =	vld [tilespmem:s21+$0x0]  }
0x139: {  	v22 =	vld [tilespmem:s21+$0x10]  }
0x13a: {  	v23 =	vld [tilespmem:s21+$0x20]  }
0x13b: {  	v24 =	vld [tilespmem:s21+$0x30]  }
0x13c: {  	v17 =	vld.idx.msk [tilespmem:v17+s8+$0x0], $0xffff  }
0x13d: {  	v18 =	vld.idx.msk [tilespmem:v18+s8+$0x0], $0xffff  }
0x13e: {  	v19 =	vld.idx.msk [tilespmem:v19+s8+$0x0], $0xffff  }
0x13f: {  	v20 =	vld.idx.msk [tilespmem:v20+s8+$0x0], $0xffff  }
0x140: {  	v21 =	vld.idx.msk [tilespmem:v21+s8+$0x0], $0xffff  }
0x141: {  	v22 =	vld.idx.msk [tilespmem:v22+s8+$0x0], $0xffff  }
0x142: {  	v14 =	vmul.f32 v17, v14;
	v23 =	vld.idx.msk [tilespmem:v23+s8+$0x0], $0xffff  }
0x143: {  	v12 =	vmul.f32 v18, v12;
	v17 =	vld.idx.msk [tilespmem:v24+s8+$0x0], $0xffff  }
0x144: {  	v10 =	vmul.f32 v19, v10;
	[tilespmem:v16+s15+$0x0] =	vst.idx.add.f32.msk $0xffff, v14  }
0x145: {  	v8 =	vmul.f32 v20, v8;
	[tilespmem:v15+s15+$0x0] =	vst.idx.add.f32.msk $0xffff, v12  }
.Ltmp9:
0x146: {  	v6 =	vmul.f32 v21, v6;
	[tilespmem:v13+s15+$0x0] =	vst.idx.add.f32.msk $0xffff, v10;
	(pc) =	sbr.rel @p0 .LBB2_9-.Ltmp9, $4  }
0x147: {  	v4 =	vmul.f32 v22, v4;
	[tilespmem:v11+s15+$0x0] =	vst.idx.add.f32.msk $0xffff, v8  }
0x148: {  	v3 =	vmul.f32 v23, v3;
	[tilespmem:v9+s15+$0x0] =	vst.idx.add.f32.msk $0xffff, v6  }
0x149: {  	v2 =	vmul.f32 v17, v2;
	[tilespmem:v7+s15+$0x0] =	vst.idx.add.f32.msk $0xffff, v4  }
0x14a: {  	[tilespmem:v5+s15+$0x0] =	vst.idx.add.f32.msk $0xffff, v3  }
.Ltmp10:
0x14b: {  	_ = 	snop;
	(pc) =	sbr.rel .LBB2_10-.Ltmp10, $1  }
0x14c: {  	_ =	sdelay $0x3  }
.LBB2_12:
.Ltmp11:
0x14d: {  	(pc) =	sbr.rel @!p5 .LBB2_21-.Ltmp11, $1  }
0x14e: {  	_ =	sdelay $0x3  }
0x14f: {  	s18 =	rddreg [dreg:$0x1e];
	s19 =	simm.s32 $0x18780  }
0x150: {  	[tilespmem:s19], [sflag:$0x1] =	stream.strided.gather [hbm4b:s18+s5], $0x1400, s12, s5, $0x200038;
	[tilespmem:$0x1FF80] =	vst v63  }
0x151: {  	s24 =	sadd.s32 s4, s30;
	s25 =	simm.s32 $0x19B80;
	s26 =	rddreg [dreg:$0x1c]  }
0x152: {  	[tilespmem:s25], [sflag:$0x1] =	stream.strided.gather [hbm4b:s24+s5], $0x1400, s12, s5, $0x200038;
	[tilespmem:$0x1FF80] =	vst v63  }
.Ltmp12:
0x153: {  	s20 =	simm.s32 $0x1AF80;
	s18 =	simm.s32 $0x0;
	(pc) =	sbr.rel .LBB2_14-.Ltmp12, $4  }
0x154: {  	[tilespmem:s20], [sflag:$0x1] =	stream.linear.gather [hbm4b:s26+s18], $0x1400, $0x200038;
	[tilespmem:$0x1FF80] =	vst v63  }
0x155: {  	_ =	swait.ge [sflag:s11], $0xC380  }
0x156: {  	[sflag:s11] =	ssyncset.done $0x0  }
0x157: {  	[sflag:s11] =	ssyncadd.s32 $0xFFFF3C80  }
.LBB2_19:
0x158: {  	_ =	sdelay $0x3  }
0x159: {  	[tilespmem:v1+s15+$0x0] =	vst.idx.add.f32.msk $0xffff, v2  }
.LBB2_20:
0x15a: {  	s18 =	sadd.s32 $0x1, s18  }
0x15b: {  	p0 =	sne.s32 s18, $0xA  }
.Ltmp13:
0x15c: {  	_ = 	snop;
	(pc) =	sbr.rel @!p0 .LBB2_21-.Ltmp13, $1  }
0x15d: {  	_ =	sdelay $0x3  }
.LBB2_14:
0x15e: {  	s20 =	sshll.u32 s18, $0x5;
	_ =	swait.ge [sflag:s14], $0x1400  }
0x15f: {  	s19 =	sor.u32 s20, s9;
	[sflag:s14] =	ssyncset.done $0x0  }
0x160: {  	s21 =	sor.u32 $0x10, s19;
	[sflag:s14] =	ssyncadd.s32 $0xFFFFEC00  }
0x161: {  	_ =	swait.ge [sflag:s14], $0x1400;
	p0 =	sgt.u32 s21, $0x138  }
0x162: {  	[sflag:s14] =	ssyncset.done $0x0;
	p1 =	seq.s32 @!p0 s19, $0x128;
	s21 =	smul.u32 @!p0 $0x28, s21  }
0x163: {  	s24 =	simm.s32 @!p0 $0x80;
	[sflag:s14] =	ssyncadd.s32 $0xFFFFEC00;
	p1 =	por !p1, p0  }
0x164: {  	s25 =	simm.s32 @!p0 $0x100;
	_ =	swait.ge [sflag:s14], $0x1400;
	s21 =	simm.s32 @!p1 $0x30AC  }
0x165: {  	s26 =	simm.s32 @!p0 $0x1C380;
	[sflag:s14] =	ssyncset.done $0x0;
	s22 =	sshll.u32 @!p0 s21, $0x5  }
0x166: {  	s21 =	sshll.u32 @!p0 s21, $0x4;
	[sflag:s14] =	ssyncadd.s32 $0xFFFFEC00;
	s23 =	sadd.s32 @!p0 s2, s22  }
0x167: {  	[tilespmem:s26], [sflag:$0x2] =	stream.strided.gather @!p0 [hbm4b:s23+s24], $0x1400, s25, s24, $0x200038;
	[tilespmem:$0x1FF80] =	vst v63  }
0x168: {  	s22 =	sadd.s32 @!p0 s30, s22;
	s21 =	sadd.s32 @!p0 s3, s21;
	s23 =	simm.s32 @!p0 $0x1D780  }
0x169: {  	[tilespmem:s23], [sflag:$0x2] =	stream.strided.gather @!p0 [hbm4b:s22+s24], $0x1400, s25, s24, $0x200038;
	[tilespmem:$0x1FF80] =	vst v63  }
0x16a: {  	s26 =	simm.s32 $0x0;
	s22 =	simm.s32 @!p0 $0x0;
	s23 =	simm.s32 @!p0 $0x1EB80  }
0x16b: {  	[tilespmem:s23], [sflag:$0x2] =	stream.linear.gather @!p0 [hbm4b:s21+s22], $0x1400, $0x200038;
	[tilespmem:$0x1FF80] =	vst v63  }
0x16c: {  	v2 =	vld [tilespmem:s26+$0x1AFA0]  }
0x16d: {  	v1 =	vld [tilespmem:s26+$0x1AF80]  }
0x16e: {  	v3 =	vld [tilespmem:s26+$0x1AF90]  }
0x16f: {  	v4 =	vld [tilespmem:s26+$0x1AFD0]  }
0x170: {  	v5 =	vld [tilespmem:s26+$0x1AFC0]  }
0x171: {  	v6 =	vld [tilespmem:s26+$0x187D0]  }
0x172: {  	v7 =	vld [tilespmem:s26+$0x187E0]  }
0x173: {  	v8 =	vld [tilespmem:s26+$0x187F0]  }
0x174: {  	v9 =	vld [tilespmem:s26+$0x19B90]  }
0x175: {  	v10 =	vld [tilespmem:s26+$0x19B80]  }
0x176: {  	v11 =	vld [tilespmem:s26+$0x187A0]  }
0x177: {  	v12 =	vld [tilespmem:s26+$0x1AFE0]  }
0x178: {  	v13 =	vld [tilespmem:s26+$0x187C0]  }
0x179: {  	v14 =	vld [tilespmem:s26+$0x187B0]  }
0x17a: {  	v15 =	vld [tilespmem:s26+$0x18790]  }
0x17b: {  	v16 =	vld [tilespmem:s26+$0x18780]  }
0x17c: {  	v17 =	vld [tilespmem:s26+$0x1AFB0]  }
0x17d: {  	v18 =	vld [tilespmem:s26+$0x19BB0]  }
0x17e: {  	v19 =	vld [tilespmem:s26+$0x19BA0]  }
0x17f: {  	v20 =	vld [tilespmem:s26+$0x19BC0]  }
0x180: {  	v21 =	vld [tilespmem:s26+$0x19BD0]  }
0x181: {  	v22 =	vld [tilespmem:s26+$0x19BE0]  }
0x182: {  	v23 =	vld [tilespmem:s26+$0x1AFF0]  }
0x183: {  	v7 =	vld.idx.msk [tilespmem:v7+s8+$0x0], $0xffff  }
0x184: {  	v11 =	vld.idx.msk [tilespmem:v11+s8+$0x0], $0xffff  }
0x185: {  	v16 =	vld.idx.msk [tilespmem:v16+s8+$0x0], $0xffff  }
0x186: {  	v15 =	vld.idx.msk [tilespmem:v15+s8+$0x0], $0xffff  }
0x187: {  	v13 =	vld.idx.msk [tilespmem:v13+s8+$0x0], $0xffff  }
0x188: {  	v14 =	vld.idx.msk [tilespmem:v14+s8+$0x0], $0xffff  }
0x189: {  	v6 =	vld.idx.msk [tilespmem:v6+s8+$0x0], $0xffff  }
0x18a: {  	v8 =	vld.idx.msk [tilespmem:v8+s8+$0x0], $0xffff;
	v16 =	vmul.f32 v16, v1  }
0x18b: {  	v3 =	vmul.f32 v15, v3;
	v1 =	vld [tilespmem:s26+$0x19BF0]  }
0x18c: {  	v2 =	vmul.f32 v11, v2;
	[tilespmem:v10+s15+$0x0] =	vst.idx.add.f32.msk $0xffff, v16  }
0x18d: {  	v62 =	vmul.f32 v14, v17;
	[tilespmem:v9+s15+$0x0] =	vst.idx.add.f32.msk $0xffff, v3  }
0x18e: {  	v3 =	vmul.f32 v13, v5;
	[tilespmem:v19+s15+$0x0] =	vst.idx.add.f32.msk $0xffff, v2  }
0x18f: {  	v2 =	vmul.f32 v6, v4;
	[tilespmem:v18+s15+$0x0] =	vst.idx.add.f32.msk $0xffff, v62  }
0x190: {  	v63 =	vmul.f32 v7, v12;
	[tilespmem:v20+s15+$0x0] =	vst.idx.add.f32.msk $0xffff, v3  }
0x191: {  	[tilespmem:v21+s15+$0x0] =	vst.idx.add.f32.msk $0xffff, v2;
	v2 =	vmul.f32 v8, v23  }
0x192: {  	s21 =	simm.s32 $0x200;
	[tilespmem:v22+s15+$0x0] =	vst.idx.add.f32.msk $0xffff, v63  }
.LBB2_15:
0x193: {  	s22 =	sshra.s32 s21, $0x2;
	p1 =	sne.s32 s21, $0x4E00;
	s21 =	sadd.s32 $0x200, s21;
	[tilespmem:v1+s15+$0x0] =	vst.idx.add.f32.msk $0xffff, v2  }
0x194: {  	v1 =	vld [tilespmem:s22+$0x1AFA0]  }
0x195: {  	v2 =	vld [tilespmem:s22+$0x1AF80]  }
0x196: {  	v3 =	vld [tilespmem:s22+$0x1AF90]  }
0x197: {  	v4 =	vld [tilespmem:s22+$0x1AFD0]  }
0x198: {  	v5 =	vld [tilespmem:s22+$0x1AFC0]  }
0x199: {  	v6 =	vld [tilespmem:s22+$0x187D0]  }
0x19a: {  	v7 =	vld [tilespmem:s22+$0x187E0]  }
0x19b: {  	v8 =	vld [tilespmem:s22+$0x187F0]  }
0x19c: {  	v9 =	vld [tilespmem:s22+$0x19B90]  }
0x19d: {  	v10 =	vld [tilespmem:s22+$0x19B80]  }
0x19e: {  	v11 =	vld [tilespmem:s22+$0x187A0]  }
0x19f: {  	v12 =	vld [tilespmem:s22+$0x1AFE0]  }
0x1a0: {  	v13 =	vld [tilespmem:s22+$0x187C0]  }
0x1a1: {  	v14 =	vld [tilespmem:s22+$0x187B0]  }
0x1a2: {  	v7 =	vld.idx.msk [tilespmem:v7+s8+$0x0], $0xffff  }
0x1a3: {  	v15 =	vld [tilespmem:s22+$0x18790]  }
0x1a4: {  	v16 =	vld [tilespmem:s22+$0x18780]  }
0x1a5: {  	v17 =	vld [tilespmem:s22+$0x1AFB0]  }
0x1a6: {  	v11 =	vld.idx.msk [tilespmem:v11+s8+$0x0], $0xffff  }
0x1a7: {  	v18 =	vld [tilespmem:s22+$0x19BB0]  }
0x1a8: {  	v13 =	vld.idx.msk [tilespmem:v13+s8+$0x0], $0xffff  }
0x1a9: {  	v7 =	vmul.f32 v7, v12;
	v6 =	vld.idx.msk [tilespmem:v6+s8+$0x0], $0xffff  }
0x1aa: {  	v12 =	vld [tilespmem:s22+$0x19BA0]  }
0x1ab: {  	v15 =	vld.idx.msk [tilespmem:v15+s8+$0x0], $0xffff  }
0x1ac: {  	v11 =	vmul.f32 v11, v1;
	v16 =	vld.idx.msk [tilespmem:v16+s8+$0x0], $0xffff  }
0x1ad: {  	v14 =	vld.idx.msk [tilespmem:v14+s8+$0x0], $0xffff  }
0x1ae: {  	v5 =	vmul.f32 v13, v5;
	v19 =	vld [tilespmem:s22+$0x19BC0]  }
0x1af: {  	v4 =	vmul.f32 v6, v4;
	v13 =	vld [tilespmem:s22+$0x19BD0]  }
0x1b0: {  	v6 =	vld [tilespmem:s22+$0x19BE0]  }
0x1b1: {  	v3 =	vmul.f32 v15, v3;
	v8 =	vld.idx.msk [tilespmem:v8+s8+$0x0], $0xffff  }
0x1b2: {  	v2 =	vmul.f32 v16, v2;
	v15 =	vld [tilespmem:s22+$0x1AFF0]  }
0x1b3: {  	v14 =	vmul.f32 v14, v17;
	v1 =	vld [tilespmem:s22+$0x19BF0]  }
0x1b4: {  	[tilespmem:v10+s15+$0x0] =	vst.idx.add.f32.msk $0xffff, v2  }
0x1b5: {  	[tilespmem:v9+s15+$0x0] =	vst.idx.add.f32.msk $0xffff, v3  }
.Ltmp14:
0x1b6: {  	[tilespmem:v12+s15+$0x0] =	vst.idx.add.f32.msk $0xffff, v11;
	(pc) =	sbr.rel @p1 .LBB2_15-.Ltmp14, $4  }
0x1b7: {  	v2 =	vmul.f32 v8, v15;
	[tilespmem:v18+s15+$0x0] =	vst.idx.add.f32.msk $0xffff, v14  }
0x1b8: {  	[tilespmem:v19+s15+$0x0] =	vst.idx.add.f32.msk $0xffff, v5  }
0x1b9: {  	[tilespmem:v13+s15+$0x0] =	vst.idx.add.f32.msk $0xffff, v4  }
0x1ba: {  	[tilespmem:v6+s15+$0x0] =	vst.idx.add.f32.msk $0xffff, v7  }
0x1bb: {  	_ =	sdelay $0x3  }
0x1bc: {  	[tilespmem:v1+s15+$0x0] =	vst.idx.add.f32.msk $0xffff, v2;
	s21 =	simm.s32 @!p0 $0x2  }
0x1bd: {  	_ =	swait.ge @!p0 [sflag:s21], $0x1400  }
0x1be: {  	[sflag:s21] =	ssyncset.done @!p0 $0x0  }
0x1bf: {  	p1 =	seq.s32 s18, $0x9;
	[sflag:s21] =	ssyncadd.s32 @!p0 $0xFFFFEC00  }
0x1c0: {  	s20 =	sadd.s32 @!p1 s7, s20;
	_ =	swait.ge @!p0 [sflag:s21], $0x1400  }
0x1c1: {  	p2 =	sgt.u32 @!p1 s20, $0x138;
	[sflag:s21] =	ssyncset.done @!p0 $0x0  }
0x1c2: {  	p1 =	por p2, p1;
	[sflag:s21] =	ssyncadd.s32 @!p0 $0xFFFFEC00  }
0x1c3: {  	s22 =	smul.u32 @!p1 $0x500, s20;
	_ =	swait.ge @!p0 [sflag:s21], $0x1400  }
0x1c4: {  	s23 =	simm.s32 @!p1 $0x80;
	s24 =	simm.s32 @!p1 $0x100;
	[sflag:s21] =	ssyncset.done @!p0 $0x0  }
0x1c5: {  	s25 =	simm.s32 @!p1 $0x18780;
	[sflag:s21] =	ssyncadd.s32 @!p0 $0xFFFFEC00;
	s21 =	sadd.s32 @!p1 s2, s22  }
0x1c6: {  	[tilespmem:s25], [sflag:$0x1] =	stream.strided.gather @!p1 [hbm4b:s21+s23], $0x1400, s24, s23, $0x200038;
	[tilespmem:$0x1FF80] =	vst v63  }
.Ltmp15:
0x1c7: {  	_ = 	snop;
	(pc) =	sbr.rel @p0 .LBB2_20-.Ltmp15, $4  }
0x1c8: {  	s20 =	smul.u32 @!p1 $0x280, s20;
	s21 =	sadd.s32 @!p1 s30, s22;
	s22 =	simm.s32 @!p1 $0x19B80  }
0x1c9: {  	[tilespmem:s22], [sflag:$0x1] =	stream.strided.gather @!p1 [hbm4b:s21+s23], $0x1400, s24, s23, $0x200038;
	[tilespmem:$0x1FF80] =	vst v63  }
0x1ca: {  	s20 =	sadd.s32 @!p1 s3, s20;
	s21 =	simm.s32 @!p1 $0x0;
	s22 =	simm.s32 @!p1 $0x1AF80  }
0x1cb: {  	[tilespmem:s22], [sflag:$0x1] =	stream.linear.gather @!p1 [hbm4b:s20+s21], $0x1400, $0x200038;
	[tilespmem:$0x1FF80] =	vst v63  }
0x1cc: {  	p0 =	seq.s32 s19, $0x128;
	s22 =	simm.s32 $0x14  }
0x1cd: {  	s22 =	simm.s32 @!p0 $0x0  }
0x1ce: {  	s21 =	sshll.u32 s22, $0x7  }
0x1cf: {  	s19 =	sadd.s32 $0x1EBC0, s21  }
0x1d0: {  	v2 =	vld [tilespmem:s19+$0x30]  }
0x1d1: {  	s20 =	sadd.s32 $0x1D7C0, s21;
	v3 =	vld [tilespmem:s19+$0x20]  }
0x1d2: {  	v1 =	vld [tilespmem:s20+$0x30]  }
0x1d3: {  	v4 =	vld [tilespmem:s19+$0x10]  }
0x1d4: {  	v5 =	vld [tilespmem:s20+$0x20]  }
0x1d5: {  	v6 =	vld [tilespmem:s19+$0x0]  }
0x1d6: {  	v7 =	vld [tilespmem:s20+$0x10]  }
0x1d7: {  	v8 =	vld [tilespmem:s19+$0xFFFFFFF0]  }
0x1d8: {  	v9 =	vld [tilespmem:s20+$0x0]  }
0x1d9: {  	v10 =	vld [tilespmem:s19+$0xFFFFFFE0]  }
0x1da: {  	v11 =	vld [tilespmem:s20+$0xFFFFFFF0]  }
0x1db: {  	v12 =	vld [tilespmem:s19+$0xFFFFFFD0]  }
0x1dc: {  	v13 =	vld [tilespmem:s20+$0xFFFFFFE0]  }
0x1dd: {  	v14 =	vld [tilespmem:s19+$0xFFFFFFC0]  }
0x1de: {  	v15 =	vld [tilespmem:s20+$0xFFFFFFD0]  }
0x1df: {  	s21 =	sadd.s32 $0x1C3C0, s21;
	v16 =	vld [tilespmem:s20+$0xFFFFFFC0]  }
0x1e0: {  	v17 =	vld [tilespmem:s21+$0xFFFFFFC0]  }
0x1e1: {  	v18 =	vld [tilespmem:s21+$0xFFFFFFD0]  }
0x1e2: {  	v19 =	vld [tilespmem:s21+$0xFFFFFFE0]  }
0x1e3: {  	v20 =	vld [tilespmem:s21+$0xFFFFFFF0]  }
0x1e4: {  	v21 =	vld [tilespmem:s21+$0x0]  }
0x1e5: {  	v22 =	vld [tilespmem:s21+$0x10]  }
0x1e6: {  	v23 =	vld [tilespmem:s21+$0x20]  }
0x1e7: {  	v24 =	vld [tilespmem:s21+$0x30]  }
0x1e8: {  	v17 =	vld.idx.msk [tilespmem:v17+s8+$0x0], $0xffff  }
0x1e9: {  	v18 =	vld.idx.msk [tilespmem:v18+s8+$0x0], $0xffff  }
0x1ea: {  	v19 =	vld.idx.msk [tilespmem:v19+s8+$0x0], $0xffff  }
0x1eb: {  	v20 =	vld.idx.msk [tilespmem:v20+s8+$0x0], $0xffff  }
0x1ec: {  	v21 =	vld.idx.msk [tilespmem:v21+s8+$0x0], $0xffff  }
0x1ed: {  	v22 =	vld.idx.msk [tilespmem:v22+s8+$0x0], $0xffff  }
0x1ee: {  	v23 =	vld.idx.msk [tilespmem:v23+s8+$0x0], $0xffff;
	v14 =	vmul.f32 v17, v14  }
0x1ef: {  	v63 =	vld.idx.msk [tilespmem:v24+s8+$0x0], $0xffff;
	v12 =	vmul.f32 v18, v12  }
0x1f0: {  	s22 =	ssub.s32 $0x28, s22;
	v10 =	vmul.f32 v19, v10;
	[tilespmem:v16+s15+$0x0] =	vst.idx.add.f32.msk $0xffff, v14  }
0x1f1: {  	p0 =	sne.s32 s22, $0x1;
	v8 =	vmul.f32 v20, v8;
	[tilespmem:v15+s15+$0x0] =	vst.idx.add.f32.msk $0xffff, v12  }
.Ltmp16:
0x1f2: {  	v6 =	vmul.f32 v21, v6;
	[tilespmem:v13+s15+$0x0] =	vst.idx.add.f32.msk $0xffff, v10;
	(pc) =	sbr.rel @!p0 .LBB2_19-.Ltmp16, $4  }
0x1f3: {  	v4 =	vmul.f32 v22, v4;
	[tilespmem:v11+s15+$0x0] =	vst.idx.add.f32.msk $0xffff, v8  }
0x1f4: {  	v3 =	vmul.f32 v23, v3;
	[tilespmem:v9+s15+$0x0] =	vst.idx.add.f32.msk $0xffff, v6  }
0x1f5: {  	v2 =	vmul.f32 v63, v2;
	[tilespmem:v7+s15+$0x0] =	vst.idx.add.f32.msk $0xffff, v4  }
0x1f6: {  	s22 =	sadd.s32 $0xFFFFFFFF, s22;
	[tilespmem:v5+s15+$0x0] =	vst.idx.add.f32.msk $0xffff, v3  }
.LBB2_18:
0x1f7: {  	[tilespmem:v1+s15+$0x0] =	vst.idx.add.f32.msk $0xffff, v2;
	s21 =	sadd.s32 $0x80, s21;
	s20 =	sadd.s32 $0x80, s20;
	s19 =	sadd.s32 $0x80, s19  }
0x1f8: {  	p0 =	sne.s32 s22, $0x1;
	s22 =	sadd.s32 $0xFFFFFFFF, s22;
	v2 =	vld [tilespmem:s19+$0x30]  }
0x1f9: {  	v3 =	vld [tilespmem:s19+$0x20]  }
0x1fa: {  	v1 =	vld [tilespmem:s20+$0x30]  }
0x1fb: {  	v4 =	vld [tilespmem:s19+$0x10]  }
0x1fc: {  	v5 =	vld [tilespmem:s20+$0x20]  }
0x1fd: {  	v6 =	vld [tilespmem:s19+$0x0]  }
0x1fe: {  	v7 =	vld [tilespmem:s20+$0x10]  }
0x1ff: {  	v8 =	vld [tilespmem:s19+$0xFFFFFFF0]  }
0x200: {  	v9 =	vld [tilespmem:s20+$0x0]  }
0x201: {  	v10 =	vld [tilespmem:s19+$0xFFFFFFE0]  }
0x202: {  	v11 =	vld [tilespmem:s20+$0xFFFFFFF0]  }
0x203: {  	v12 =	vld [tilespmem:s19+$0xFFFFFFD0]  }
0x204: {  	v13 =	vld [tilespmem:s20+$0xFFFFFFE0]  }
0x205: {  	v14 =	vld [tilespmem:s19+$0xFFFFFFC0]  }
0x206: {  	v15 =	vld [tilespmem:s20+$0xFFFFFFD0]  }
0x207: {  	v16 =	vld [tilespmem:s20+$0xFFFFFFC0]  }
0x208: {  	v17 =	vld [tilespmem:s21+$0xFFFFFFC0]  }
0x209: {  	v18 =	vld [tilespmem:s21+$0xFFFFFFD0]  }
0x20a: {  	v19 =	vld [tilespmem:s21+$0xFFFFFFE0]  }
0x20b: {  	v20 =	vld [tilespmem:s21+$0xFFFFFFF0]  }
0x20c: {  	v21 =	vld [tilespmem:s21+$0x0]  }
0x20d: {  	v22 =	vld [tilespmem:s21+$0x10]  }
0x20e: {  	v23 =	vld [tilespmem:s21+$0x20]  }
0x20f: {  	v24 =	vld [tilespmem:s21+$0x30]  }
0x210: {  	v17 =	vld.idx.msk [tilespmem:v17+s8+$0x0], $0xffff  }
0x211: {  	v18 =	vld.idx.msk [tilespmem:v18+s8+$0x0], $0xffff  }
0x212: {  	v19 =	vld.idx.msk [tilespmem:v19+s8+$0x0], $0xffff  }
0x213: {  	v20 =	vld.idx.msk [tilespmem:v20+s8+$0x0], $0xffff  }
0x214: {  	v21 =	vld.idx.msk [tilespmem:v21+s8+$0x0], $0xffff  }
0x215: {  	v22 =	vld.idx.msk [tilespmem:v22+s8+$0x0], $0xffff  }
0x216: {  	v14 =	vmul.f32 v17, v14;
	v23 =	vld.idx.msk [tilespmem:v23+s8+$0x0], $0xffff  }
0x217: {  	v12 =	vmul.f32 v18, v12;
	v17 =	vld.idx.msk [tilespmem:v24+s8+$0x0], $0xffff  }
0x218: {  	v10 =	vmul.f32 v19, v10;
	[tilespmem:v16+s15+$0x0] =	vst.idx.add.f32.msk $0xffff, v14  }
0x219: {  	v8 =	vmul.f32 v20, v8;
	[tilespmem:v15+s15+$0x0] =	vst.idx.add.f32.msk $0xffff, v12  }
.Ltmp17:
0x21a: {  	v6 =	vmul.f32 v21, v6;
	[tilespmem:v13+s15+$0x0] =	vst.idx.add.f32.msk $0xffff, v10;
	(pc) =	sbr.rel @p0 .LBB2_18-.Ltmp17, $4  }
0x21b: {  	v4 =	vmul.f32 v22, v4;
	[tilespmem:v11+s15+$0x0] =	vst.idx.add.f32.msk $0xffff, v8  }
0x21c: {  	v3 =	vmul.f32 v23, v3;
	[tilespmem:v9+s15+$0x0] =	vst.idx.add.f32.msk $0xffff, v6  }
0x21d: {  	v2 =	vmul.f32 v17, v2;
	[tilespmem:v7+s15+$0x0] =	vst.idx.add.f32.msk $0xffff, v4  }
0x21e: {  	[tilespmem:v5+s15+$0x0] =	vst.idx.add.f32.msk $0xffff, v3  }
.Ltmp18:
0x21f: {  	_ = 	snop;
	(pc) =	sbr.rel .LBB2_19-.Ltmp18, $1  }
0x220: {  	_ =	sdelay $0x3  }
.LBB2_21:
0x221: {  	p0 =	sne.s32 s31, $0x0;
	_ =	strace $0x90000049  }
0x222: {  	s18 =	simm.s32 @!p0 $0x0;
	s19 =	simm.s32 @!p0 $0xC380;
	s20 =	rddreg [dreg:$0x6]  }
0x223: {  	[hbm4b:s20+s18] =	stream.linear.scatter @!p0 [tilespmem:s19], [sflag:$0x3], $0xC400, $0x38;
	[tilespmem:$0x1FF80] =	vst v63  }
0x224: {  	s18 =	simm.s32 @!p0 $0x3  }
0x225: {  	_ =	swait.ge @!p0 [sflag:s18], $0xC400  }
0x226: {  	s26 =	sld [smem:$0x7FC];
	_ =	sdelay $0x1  }
0x227: {  	[sflag:s18] =	ssyncset.done @!p0 $0x0  }
0x228: {  	[sflag:s18] =	ssyncadd.s32 @!p0 $0xFFFF3C00;
	p0 =	seq.s32 s26, $0x1  }
.Ltmp19:
0x229: {  	_ = 	snop;
	(pc) =	sbr.rel @!p0 .LBB2_22-.Ltmp19, $1  }
0x22a: {  	_ =	sdelay $0x3  }
0x22b: {  	s18 =	sld [smem:$0x7E0]  }
0x22c: {  	s21 =	sld [smem:$0x7E2]  }
0x22d: {  	s22 =	sld [smem:$0x7E3]  }
0x22e: {  	p2 =	por $0x0, $0x0;
	p4 =	por $0x0, $0x0;
	p1 =	seq.s32 s18, $0x1  }
0x22f: {  	s23 =	sld [smem:$0x7E6];
	p5 =	seq.s32 s21, $0x1;
	p0 =	por @!p1 $0x0, $0x0  }
0x230: {  	p6 =	seq.s32 s22, $0x1;
	p3 =	por @!p1 $0x1, $0x1;
	p2 =	por @!p1 p0, p0  }
0x231: {  	p4 =	por @!p1 p3, p3;
	p1 =	por @!p5 $0x0, $0x0;
	p3 =	por @!p5 $0x1, $0x1  }
0x232: {  	p0 =	por p2, p2;
	p4 =	por @!p5 p1, p1;
	p2 =	por @!p5 p3, p3  }
0x233: {  	p3 =	por @!p6 $0x0, $0x0;
	p0 =	por @!p5 p1, p1;
	p5 =	por @!p6 $0x1, $0x1  }
0x234: {  	p4 =	por @!p6 p3, p3;
	p2 =	por @!p6 p3, p3;
	p1 =	por p0, p0  }
0x235: {  	p0 =	por @!p6 p3, p3;
	p1 =	por @!p6 p5, p5;
	p6 =	seq.s32 s23, $0x1  }
0x236: {  	p5 =	por p1, p1;
	p3 =	por @!p6 $0x0, $0x0  }
0x237: {  	s24 =	sld [smem:$0x7E8];
	p1 =	por p0, p0;
	p5 =	por @!p6 p3, p3  }
0x238: {  	p1 =	por @!p6 p3, p3;
	s18 =	simm.s32 @!p5 $0x0  }
0x239: {  	p4 =	por @!p6 p3, p3;
	s18 =	simm.s32 @p5 $0x1;
	p5 =	por @!p6 $0x1, $0x1  }
0x23a: {  	p2 =	por @!p6 p3, p3;
	p3 =	seq.s32 s24, $0x1;
	p0 =	por @!p6 p5, p5  }
0x23b: {  	[smem:$0x7D9] =	sst s18;
	p5 =	por @!p3 $0x1, $0x1;
	s18 =	simm.s32 @!p0 $0x0  }
0x23c: {  	s18 =	simm.s32 @p0 $0x1;
	p0 =	por p1, p1;
	p1 =	por @!p3 p5, p5  }
0x23d: {  	p6 =	por @!p3 $0x0, $0x0;
	[smem:$0x7D2] =	sst s18;
	s18 =	simm.s32 @!p1 $0x0  }
0x23e: {  	s25 =	sld [smem:$0x7D9];
	p0 =	por @!p3 p6, p6;
	s18 =	simm.s32 @p1 $0x1  }
0x23f: {  	[smem:$0x7D8] =	sst s18;
	s18 =	simm.s32 @!p0 $0x0  }
0x240: {  	s26 =	sld [smem:$0x7D2];
	s18 =	simm.s32 @p0 $0x1  }
0x241: {  	[smem:$0x7DA] =	sst s18  }
0x242: {  	s20 =	sld [smem:$0x7DA]  }
0x243: {  	p4 =	por @!p3 p6, p6  }
0x244: {  	p2 =	por @!p3 p6, p6;
	p0 =	seq.s32 s25, $0x1;
	p5 =	seq.s32 s26, $0x1  }
0x245: {  	p0 =	por @!p3 p6, p6;
	p5 =	por @!p3 p6, p6;
	p6 =	seq.s32 s20, $0x1  }
0x246: {  	s18 =	simm.s32 @!p6 $0x0  }
0x247: {  	s19 =	sld [smem:$0x7E9];
	s18 =	simm.s32 @p6 $0x1  }
0x248: {  	[smem:$0x7D7] =	sst s18  }
0x249: {  	s18 =	sld [smem:$0x7D7];
	_ =	sdelay $0x1  }
0x24a: {  	p3 =	seq.s32 s19, $0x1  }
0x24b: {  	p1 =	por @!p3 $0x0, $0x0;
	p6 =	seq.s32 s18, $0x1  }
0x24c: {  	p6 =	por @!p3 p1, p1  }
0x24d: {  	s18 =	simm.s32 @!p6 $0x0  }
0x24e: {  	s18 =	simm.s32 @p6 $0x1;
	p6 =	por @!p3 $0x0, $0x0  }
0x24f: {  	s22 =	sld [smem:$0x7DA];
	p0 =	por @!p3 p6, p6  }
0x250: {  	[smem:$0x7D7] =	sst s18;
	s18 =	simm.s32 @!p0 $0x0  }
0x251: {  	p5 =	por @!p3 p6, p6;
	s24 =	sld [smem:$0x7D7];
	s18 =	simm.s32 @p0 $0x1  }
0x252: {  	[smem:$0x7D9] =	sst s18;
	s18 =	simm.s32 @!p5 $0x0  }
0x253: {  	p0 =	seq.s32 s22, $0x1;
	s18 =	simm.s32 @p5 $0x1;
	p5 =	por @!p3 $0x1, $0x1  }
0x254: {  	s21 =	sld [smem:$0x7D8];
	p0 =	por @!p3 p5, p5  }
0x255: {  	[smem:$0x7D2] =	sst s18;
	s18 =	simm.s32 @!p0 $0x0  }
0x256: {  	s23 =	sld [smem:$0x7EC];
	s18 =	simm.s32 @p0 $0x1;
	p0 =	seq.s32 s24, $0x1  }
0x257: {  	p1 =	seq.s32 s21, $0x1;
	[smem:$0x7DA] =	sst s18;
	s18 =	simm.s32 @!p0 $0x0  }
0x258: {  	p1 =	por @!p3 p6, p6;
	p4 =	por @!p3 p6, p6;
	s18 =	simm.s32 @p0 $0x1  }
0x259: {  	p2 =	por @!p3 p6, p6;
	p6 =	seq.s32 s23, $0x1;
	[smem:$0x7DB] =	sst s18  }
0x25a: {  	p5 =	por @!p6 $0x1, $0x1;
	s25 =	sld [smem:$0x7DB]  }
0x25b: {  	s21 =	sld [smem:$0x7EE];
	p0 =	por @!p6 p5, p5  }
0x25c: {  	s26 =	sld [smem:$0x7D9];
	s18 =	simm.s32 @!p0 $0x0  }
0x25d: {  	p3 =	por @!p6 $0x0, $0x0;
	s18 =	simm.s32 @p0 $0x1;
	p0 =	seq.s32 s25, $0x1  }
0x25e: {  	s20 =	sld [smem:$0x7DA];
	p0 =	por @!p6 p3, p3  }
0x25f: {  	p1 =	por @!p6 p3, p3;
	[smem:$0x7D7] =	sst s18;
	s18 =	simm.s32 @!p0 $0x0  }
0x260: {  	s19 =	sld [smem:$0x7D2];
	s18 =	simm.s32 @p0 $0x1;
	p0 =	seq.s32 s26, $0x1  }
0x261: {  	p4 =	por @!p6 p3, p3;
	s23 =	sld [smem:$0x7D7];
	p0 =	por @!p6 p3, p3  }
0x262: {  	p5 =	seq.s32 s20, $0x1;
	[smem:$0x7DB] =	sst s18;
	s18 =	simm.s32 @!p0 $0x0  }
0x263: {  	p5 =	por @!p6 p3, p3;
	s22 =	sld [smem:$0x7DB];
	s18 =	simm.s32 @p0 $0x1  }
0x264: {  	p2 =	por @!p6 p3, p3;
	[smem:$0x7D9] =	sst s18;
	s18 =	simm.s32 @!p5 $0x0  }
0x265: {  	p0 =	seq.s32 s19, $0x1;
	s18 =	simm.s32 @p5 $0x1;
	p5 =	seq.s32 s21, $0x1  }
0x266: {  	p0 =	por @!p6 p3, p3;
	p3 =	seq.s32 s22, $0x1;
	p6 =	por @!p5 $0x0, $0x0  }
0x267: {  	s26 =	sld [smem:$0x7DB];
	p3 =	por @!p5 p6, p6  }
0x268: {  	[smem:$0x7DA] =	sst s18;
	s18 =	simm.s32 @!p3 $0x0  }
0x269: {  	p6 =	por @!p5 $0x0, $0x0;
	s18 =	simm.s32 @p3 $0x1;
	p3 =	seq.s32 s23, $0x1  }
0x26a: {  	s24 =	sld [smem:$0x7D9];
	p3 =	por @!p5 p6, p6  }
0x26b: {  	[smem:$0x7D6] =	sst s18;
	s18 =	simm.s32 @!p3 $0x0  }
0x26c: {  	s19 =	sld [smem:$0x7EF];
	s18 =	simm.s32 @p3 $0x1;
	p3 =	por @!p5 $0x0, $0x0  }
0x26d: {  	p6 =	por @!p5 $0x0, $0x0;
	p1 =	por @!p5 p3, p3;
	p3 =	seq.s32 s24, $0x1  }
0x26e: {  	s25 =	sld [smem:$0x7DA];
	p3 =	por @!p5 p6, p6  }
0x26f: {  	[smem:$0x7D7] =	sst s18;
	s18 =	simm.s32 @!p3 $0x0  }
0x270: {  	p6 =	por @!p5 $0x0, $0x0;
	s18 =	simm.s32 @p3 $0x1;
	p3 =	por @!p5 $0x0, $0x0  }
0x271: {  	[smem:$0x7D9] =	sst s18;
	p4 =	por @!p5 p3, p3;
	p0 =	por @!p5 p3, p3  }
0x272: {  	p2 =	por @!p5 p3, p3;
	p3 =	seq.s32 s25, $0x1;
	s18 =	simm.s32 @!p0 $0x0  }
0x273: {  	s20 =	sld [smem:$0x7D6];
	p3 =	por @!p5 p6, p6;
	s18 =	simm.s32 @p0 $0x1  }
0x274: {  	[smem:$0x7D2] =	sst s18;
	s18 =	simm.s32 @!p3 $0x0  }
0x275: {  	p0 =	seq.s32 s26, $0x1;
	s18 =	simm.s32 @p3 $0x1;
	p3 =	por @!p5 $0x1, $0x1  }
0x276: {  	p0 =	por @!p5 p3, p3  }
0x277: {  	p6 =	seq.s32 s19, $0x1;
	[smem:$0x7DA] =	sst s18;
	s18 =	simm.s32 @!p0 $0x0  }
0x278: {  	p5 =	por @!p6 $0x1, $0x1;
	s18 =	simm.s32 @p0 $0x1;
	p0 =	seq.s32 s20, $0x1  }
0x279: {  	s21 =	sld [smem:$0x7D7];
	p3 =	por p0, p0;
	p0 =	por @!p6 p5, p5  }
0x27a: {  	[smem:$0x7DB] =	sst s18;
	p5 =	por @!p6 $0x0, $0x0;
	s18 =	simm.s32 @!p0 $0x0  }
0x27b: {  	s22 =	sld [smem:$0x7D9];
	p3 =	por @!p6 p5, p5;
	s18 =	simm.s32 @p0 $0x1  }
0x27c: {  	[smem:$0x7D6] =	sst s18;
	s18 =	simm.s32 @!p3 $0x0  }
0x27d: {  	s26 =	sld [smem:$0x7F2];
	s18 =	simm.s32 @p3 $0x1;
	p3 =	seq.s32 s21, $0x1  }
0x27e: {  	s23 =	sld [smem:$0x7D2];
	p3 =	por @!p6 p5, p5  }
0x27f: {  	[smem:$0x7DC] =	sst s18;
	s18 =	simm.s32 @!p3 $0x0  }
0x280: {  	s24 =	sld [smem:$0x7DA];
	s18 =	simm.s32 @p3 $0x1;
	p3 =	seq.s32 s22, $0x1  }
0x281: {  	p1 =	por @!p6 p5, p5;
	p4 =	por @!p6 p5, p5;
	p3 =	por @!p6 p5, p5  }
0x282: {  	p2 =	por @!p6 p5, p5;
	[smem:$0x7D7] =	sst s18;
	s18 =	simm.s32 @!p3 $0x0  }
0x283: {  	s25 =	sld [smem:$0x7DB];
	s18 =	simm.s32 @p3 $0x1;
	p3 =	seq.s32 s24, $0x1  }
0x284: {  	p0 =	seq.s32 s23, $0x1;
	s19 =	sld [smem:$0x7DC];
	p3 =	por @!p6 p5, p5  }
0x285: {  	p0 =	por @!p6 p5, p5;
	[smem:$0x7D9] =	sst s18;
	s18 =	simm.s32 @!p3 $0x0  }
0x286: {  	p5 =	por @!p6 $0x0, $0x0;
	s18 =	simm.s32 @p3 $0x1;
	p3 =	seq.s32 s25, $0x1  }
0x287: {  	s20 =	sld [smem:$0x7D6];
	p3 =	por @!p6 p5, p5  }
0x288: {  	[smem:$0x7DA] =	sst s18;
	p5 =	seq.s32 s26, $0x1;
	s18 =	simm.s32 @!p3 $0x0  }
0x289: {  	p6 =	seq.s32 s19, $0x1;
	s18 =	simm.s32 @p3 $0x1;
	p3 =	por @!p5 $0x0, $0x0  }
0x28a: {  	p6 =	por @!p5 p3, p3  }
0x28b: {  	[smem:$0x7DB] =	sst s18;
	s18 =	simm.s32 @!p6 $0x0  }
0x28c: {  	s21 =	sld [smem:$0x7D7];
	s18 =	simm.s32 @p6 $0x1;
	p6 =	seq.s32 s20, $0x1  }
0x28d: {  	p6 =	por @!p5 p3, p3  }
0x28e: {  	[smem:$0x7D5] =	sst s18;
	s18 =	simm.s32 @!p6 $0x0  }
0x28f: {  	s18 =	simm.s32 @p6 $0x1;
	p6 =	seq.s32 s21, $0x1  }
0x290: {  	s22 =	sld [smem:$0x7D9];
	p6 =	por @!p5 p3, p3  }
0x291: {  	[smem:$0x7D6] =	sst s18;
	s18 =	simm.s32 @!p6 $0x0  }
0x292: {  	s25 =	sld [smem:$0x7DC];
	p1 =	por @!p5 p3, p3;
	s18 =	simm.s32 @p6 $0x1  }
0x293: {  	p6 =	seq.s32 s22, $0x1;
	[smem:$0x7D7] =	sst s18;
	s18 =	simm.s32 @!p1 $0x0  }
0x294: {  	s23 =	sld [smem:$0x7DA];
	p6 =	por @!p5 p3, p3;
	s18 =	simm.s32 @p1 $0x1  }
0x295: {  	[smem:$0x7D8] =	sst s18;
	s18 =	simm.s32 @!p6 $0x0  }
0x296: {  	p0 =	por @!p5 p3, p3;
	s24 =	sld [smem:$0x7DB];
	s18 =	simm.s32 @p6 $0x1  }
0x297: {  	p6 =	seq.s32 s23, $0x1;
	[smem:$0x7D9] =	sst s18;
	s18 =	simm.s32 @!p0 $0x0  }
0x298: {  	s26 =	sld [smem:$0x7F4];
	p6 =	por @!p5 p3, p3;
	s18 =	simm.s32 @p0 $0x1  }
0x299: {  	p4 =	por @!p5 p3, p3;
	[smem:$0x7D2] =	sst s18;
	s18 =	simm.s32 @!p6 $0x0  }
0x29a: {  	p2 =	por @!p5 p3, p3;
	s18 =	simm.s32 @p6 $0x1;
	p6 =	seq.s32 s24, $0x1  }
0x29b: {  	s19 =	sld [smem:$0x7D5];
	p0 =	seq.s32 s25, $0x1;
	p6 =	por @!p5 p3, p3  }
0x29c: {  	[smem:$0x7DA] =	sst s18;
	p3 =	por @!p5 $0x1, $0x1;
	s18 =	simm.s32 @!p6 $0x0  }
0x29d: {  	p0 =	por @!p5 p3, p3;
	s18 =	simm.s32 @p6 $0x1  }
0x29e: {  	p6 =	seq.s32 s26, $0x1;
	[smem:$0x7DB] =	sst s18;
	s18 =	simm.s32 @!p0 $0x0  }
0x29f: {  	p1 =	por @!p6 $0x1, $0x1;
	s18 =	simm.s32 @p0 $0x1;
	p0 =	seq.s32 s19, $0x1  }
0x2a0: {  	s20 =	sld [smem:$0x7D6];
	p3 =	por p0, p0;
	p0 =	por @!p6 p1, p1  }
0x2a1: {  	p5 =	por @!p6 $0x0, $0x0;
	[smem:$0x7DC] =	sst s18;
	s18 =	simm.s32 @!p0 $0x0  }
0x2a2: {  	s21 =	sld [smem:$0x7D7];
	p3 =	por @!p6 p5, p5;
	s18 =	simm.s32 @p0 $0x1  }
0x2a3: {  	[smem:$0x7D5] =	sst s18;
	s18 =	simm.s32 @!p3 $0x0  }
0x2a4: {  	p0 =	por p3, p3;
	s18 =	simm.s32 @p3 $0x1;
	p3 =	seq.s32 s20, $0x1  }
0x2a5: {  	p3 =	por @!p6 p5, p5  }
0x2a6: {  	[smem:$0x7D3] =	sst s18;
	s18 =	simm.s32 @!p3 $0x0  }
0x2a7: {  	s23 =	sld [smem:$0x7D9];
	s18 =	simm.s32 @p3 $0x1;
	p3 =	seq.s32 s21, $0x1  }
0x2a8: {  	p3 =	por @!p6 p5, p5  }
0x2a9: {  	[smem:$0x7D6] =	sst s18;
	s18 =	simm.s32 @!p3 $0x0  }
0x2aa: {  	s24 =	sld [smem:$0x7D2];
	s18 =	simm.s32 @p3 $0x1;
	p3 =	seq.s32 s23, $0x1  }
0x2ab: {  	p3 =	por @!p6 p5, p5  }
0x2ac: {  	[smem:$0x7D7] =	sst s18;
	s18 =	simm.s32 @!p3 $0x0  }
0x2ad: {  	s25 =	sld [smem:$0x7DA];
	s18 =	simm.s32 @p3 $0x1;
	p3 =	seq.s32 s24, $0x1  }
0x2ae: {  	p3 =	por @!p6 p5, p5  }
0x2af: {  	[smem:$0x7D9] =	sst s18;
	s18 =	simm.s32 @!p3 $0x0  }
0x2b0: {  	s26 =	sld [smem:$0x7DB];
	s18 =	simm.s32 @p3 $0x1;
	p3 =	seq.s32 s25, $0x1  }
0x2b1: {  	s22 =	sld [smem:$0x7D8];
	p3 =	por @!p6 p5, p5  }
0x2b2: {  	[smem:$0x7D2] =	sst s18;
	s18 =	simm.s32 @!p3 $0x0  }
0x2b3: {  	s19 =	sld [smem:$0x7DC];
	s18 =	simm.s32 @p3 $0x1;
	p3 =	seq.s32 s26, $0x1  }
0x2b4: {  	s20 =	sld [smem:$0x7F5];
	p3 =	por @!p6 p5, p5  }
0x2b5: {  	p4 =	por @!p6 p5, p5;
	[smem:$0x7DA] =	sst s18;
	s18 =	simm.s32 @!p3 $0x0  }
0x2b6: {  	p1 =	seq.s32 s22, $0x1;
	s18 =	simm.s32 @p3 $0x1;
	p3 =	seq.s32 s19, $0x1  }
0x2b7: {  	p2 =	por @!p6 p5, p5;
	p1 =	por @!p6 p5, p5;
	p3 =	por @!p6 p5, p5  }
0x2b8: {  	[smem:$0x7DB] =	sst s18;
	p5 =	seq.s32 s20, $0x1;
	s18 =	simm.s32 @!p3 $0x0  }
0x2b9: {  	s21 =	sld [smem:$0x7D5];
	s18 =	simm.s32 @p3 $0x1;
	p3 =	por @!p5 $0x0, $0x0  }
0x2ba: {  	p0 =	por @!p5 p3, p3  }
0x2bb: {  	[smem:$0x7DC] =	sst s18;
	s18 =	simm.s32 @!p0 $0x0  }
0x2bc: {  	s22 =	sld [smem:$0x7D6];
	s18 =	simm.s32 @p0 $0x1;
	p0 =	seq.s32 s21, $0x1  }
0x2bd: {  	s23 =	sld [smem:$0x7D7];
	p0 =	por @!p5 p3, p3  }
0x2be: {  	[smem:$0x7D4] =	sst s18;
	s18 =	simm.s32 @!p0 $0x0  }
0x2bf: {  	s18 =	simm.s32 @p0 $0x1;
	p0 =	seq.s32 s22, $0x1  }
0x2c0: {  	s24 =	sld [smem:$0x7D9];
	p0 =	por @!p5 p3, p3  }
0x2c1: {  	p6 =	seq.s32 s23, $0x1;
	[smem:$0x7D5] =	sst s18;
	s18 =	simm.s32 @!p0 $0x0  }
0x2c2: {  	p6 =	por @!p5 p3, p3;
	s18 =	simm.s32 @p0 $0x1  }
0x2c3: {  	[smem:$0x7D6] =	sst s18;
	s18 =	simm.s32 @!p6 $0x0  }
0x2c4: {  	s25 =	sld [smem:$0x7D2];
	s18 =	simm.s32 @p6 $0x1;
	p6 =	seq.s32 s24, $0x1  }
0x2c5: {  	p6 =	por @!p5 p3, p3  }
0x2c6: {  	[smem:$0x7D7] =	sst s18;
	s18 =	simm.s32 @!p6 $0x0  }
0x2c7: {  	s26 =	sld [smem:$0x7DA];
	s18 =	simm.s32 @p6 $0x1;
	p6 =	seq.s32 s25, $0x1  }
0x2c8: {  	p6 =	por @!p5 p3, p3  }
0x2c9: {  	[smem:$0x7D9] =	sst s18;
	s18 =	simm.s32 @!p6 $0x0  }
0x2ca: {  	s19 =	sld [smem:$0x7DB];
	s18 =	simm.s32 @p6 $0x1;
	p6 =	seq.s32 s26, $0x1  }
0x2cb: {  	p6 =	por @!p5 p3, p3  }
0x2cc: {  	[smem:$0x7D2] =	sst s18;
	s18 =	simm.s32 @!p6 $0x0  }
0x2cd: {  	s20 =	sld [smem:$0x7DC];
	s18 =	simm.s32 @p6 $0x1;
	p6 =	seq.s32 s19, $0x1  }
0x2ce: {  	s21 =	sld [smem:$0x7D3];
	p6 =	por @!p5 p3, p3  }
0x2cf: {  	p1 =	por @!p5 p3, p3;
	[smem:$0x7DA] =	sst s18;
	s18 =	simm.s32 @!p6 $0x0  }
0x2d0: {  	s22 =	sld [smem:$0x7FB];
	s18 =	simm.s32 @p6 $0x1;
	p6 =	seq.s32 s20, $0x1  }
0x2d1: {  	p4 =	por @!p5 p3, p3;
	s20 =	rddreg [dreg:$0xb];
	p6 =	por @!p5 p3, p3  }
0x2d2: {  	[hbm4b:s20+s8] =	stream.linear.scatter [tilespmem:s15], [sflag:$0x3], $0xC400, $0x38;
	[tilespmem:$0x1FF80] =	vst v63  }
0x2d3: {  	p2 =	por @!p5 p3, p3;
	[smem:$0x7DB] =	sst s18;
	s18 =	simm.s32 @!p6 $0x0  }
0x2d4: {  	p3 =	por @!p5 $0x1, $0x1;
	s18 =	simm.s32 @p6 $0x1;
	p6 =	seq.s32 s21, $0x1  }
0x2d5: {  	s23 =	sld [smem:$0x7D4];
	p6 =	por @!p5 p3, p3  }
0x2d6: {  	[smem:$0x7DC] =	sst s18;
	s18 =	simm.s32 @!p6 $0x0  }
0x2d7: {  	s24 =	sld [smem:$0x7D5];
	s18 =	simm.s32 @p6 $0x1;
	p6 =	seq.s32 s22, $0x1  }
0x2d8: {  	p0 =	seq.s32 s23, $0x1;
	s25 =	sld [smem:$0x7D6];
	p3 =	por @!p6 $0x1, $0x1  }
0x2d9: {  	[smem:$0x7D3] =	sst s18;
	p0 =	por @!p6 p3, p3  }
0x2da: {  	p5 =	por @!p6 $0x0, $0x0;
	p3 =	seq.s32 s24, $0x1;
	s18 =	simm.s32 @!p0 $0x0  }
0x2db: {  	p3 =	por @!p6 p5, p5;
	s18 =	simm.s32 @p0 $0x1  }
0x2dc: {  	[smem:$0x7D4] =	sst s18;
	s18 =	simm.s32 @!p3 $0x0  }
0x2dd: {  	s26 =	sld [smem:$0x7D7];
	s18 =	simm.s32 @p3 $0x1;
	p3 =	seq.s32 s25, $0x1  }
0x2de: {  	p3 =	por @!p6 p5, p5  }
0x2df: {  	[smem:$0x7D5] =	sst s18;
	s18 =	simm.s32 @!p3 $0x0  }
0x2e0: {  	s18 =	simm.s32 @p3 $0x1;
	p3 =	seq.s32 s26, $0x1  }
0x2e1: {  	s19 =	sld [smem:$0x7D9];
	p3 =	por @!p6 p5, p5  }
0x2e2: {  	p0 =	por p1, p1;
	[smem:$0x7D6] =	sst s18;
	s18 =	simm.s32 @!p3 $0x0  }
0x2e3: {  	s22 =	sld [smem:$0x7DA];
	p0 =	por @!p6 p5, p5;
	s18 =	simm.s32 @p3 $0x1  }
0x2e4: {  	p3 =	seq.s32 s19, $0x1;
	[smem:$0x7D7] =	sst s18;
	s18 =	simm.s32 @!p0 $0x0  }
0x2e5: {  	p3 =	por @!p6 p5, p5;
	s18 =	simm.s32 @p0 $0x1  }
0x2e6: {  	[smem:$0x7D8] =	sst s18;
	s18 =	simm.s32 @!p3 $0x0  }
0x2e7: {  	s18 =	simm.s32 @p3 $0x1;
	p3 =	seq.s32 s22, $0x1  }
0x2e8: {  	p3 =	por @!p6 p5, p5  }
0x2e9: {  	[smem:$0x7D9] =	sst s18;
	s18 =	simm.s32 @!p3 $0x0  }
0x2ea: {  	s18 =	simm.s32 @p3 $0x1  }
0x2eb: {  	[smem:$0x7DA] =	sst s18  }
0x2ec: {  	s21 =	sld [smem:$0x7D2];
	_ =	swait.ge [sflag:s16], $0xC400  }
0x2ed: {  	s23 =	sld [smem:$0x7DB];
	_ =	sdelay $0x2  }
0x2ee: {  	s24 =	sld [smem:$0x7DC];
	p0 =	seq.s32 s23, $0x1  }
0x2ef: {  	p1 =	por p2, p2;
	p2 =	por p4, p4;
	p0 =	por @!p6 p5, p5  }
0x2f0: {  	p4 =	seq.s32 s21, $0x1;
	p2 =	por @!p6 p5, p5;
	s18 =	simm.s32 @!p0 $0x0  }
0x2f1: {  	p1 =	por @!p6 p5, p5;
	s18 =	simm.s32 @p0 $0x1;
	p0 =	seq.s32 s24, $0x1  }
0x2f2: {  	p4 =	por @!p6 p5, p5;
	s25 =	sld [smem:$0x7D3];
	p0 =	por @!p6 p5, p5  }
0x2f3: {  	p3 =	por $0x0, $0x0;
	[smem:$0x7DB] =	sst s18;
	s18 =	simm.s32 @!p0 $0x0  }
0x2f4: {  	[sflag:s16] =	ssyncset.done $0x0;
	s26 =	sld [smem:$0x7FD];
	s18 =	simm.s32 @p0 $0x1  }
0x2f5: {  	p0 =	seq.s32 s25, $0x1;
	[smem:$0x7DC] =	sst s18;
	s18 =	simm.s32 @!p3 $0x0  }
0x2f6: {  	[sflag:s16] =	ssyncadd.s32 $0xFFFF3C00;
	p0 =	por @!p6 p5, p5;
	s18 =	simm.s32 @p3 $0x1  }
0x2f7: {  	p5 =	seq.s32 s26, $0x1;
	p6 =	por p0, p0;
	[smem:$0x7DD] =	sst s18  }
.LBB2_25:
0x2f8: {  	s18 =	sld [smem:$0x7FA];
	_ =	sdelay $0x2  }
0x2f9: {  	p3 =	seq.s32 s18, $0x1  }
0x2fa: {  	s20 =	rddreg [dreg:$0xe];
	s18 =	simm.s32 @p3 $0x0;
	s19 =	simm.s32 @p3 $0xC380  }
0x2fb: {  	[hbm4b:s20+s18] =	stream.linear.scatter @p3 [tilespmem:s19], [sflag:$0x3], $0xC400, $0x38;
	[tilespmem:$0x1FF80] =	vst v63  }
0x2fc: {  	p2 =	por !p2, !p5;
	s18 =	simm.s32 @p3 $0x3  }
0x2fd: {  	p2 =	por !p2, !p2;
	_ =	swait.ge @p3 [sflag:s18], $0xC400  }
0x2fe: {  	s19 =	simm.s32 @p2 $0xC380;
	[sflag:s18] =	ssyncset.done @p3 $0x0  }
0x2ff: {  	s20 =	rddreg [dreg:$0xf];
	[sflag:s18] =	ssyncadd.s32 @p3 $0xFFFF3C00;
	s18 =	simm.s32 @p2 $0x0  }
0x300: {  	[hbm4b:s20+s18] =	stream.linear.scatter @p2 [tilespmem:s19], [sflag:$0x3], $0xC400, $0x38;
	[tilespmem:$0x1FF80] =	vst v63  }
0x301: {  	p1 =	por !p1, !p5;
	s18 =	simm.s32 @p2 $0x3  }
0x302: {  	p1 =	por !p1, !p1;
	_ =	swait.ge @p2 [sflag:s18], $0xC400  }
0x303: {  	s19 =	simm.s32 @p1 $0xC380;
	[sflag:s18] =	ssyncset.done @p2 $0x0  }
0x304: {  	s20 =	rddreg [dreg:$0x10];
	[sflag:s18] =	ssyncadd.s32 @p2 $0xFFFF3C00;
	s18 =	simm.s32 @p1 $0x0  }
0x305: {  	[hbm4b:s20+s18] =	stream.linear.scatter @p1 [tilespmem:s19], [sflag:$0x3], $0xC400, $0x38;
	[tilespmem:$0x1FF80] =	vst v63  }
0x306: {  	s18 =	simm.s32 @p1 $0x3  }
0x307: {  	_ =	swait.ge @p1 [sflag:s18], $0xC400  }
0x308: {  	s24 =	sld [smem:$0x7D9];
	_ =	sdelay $0x2  }
0x309: {  	p0 =	seq.s32 s24, $0x1  }
0x30a: {  	p0 =	por !p0, !p5  }
0x30b: {  	[sflag:s18] =	ssyncset.done @p1 $0x0;
	s20 =	rddreg [dreg:$0x11];
	p2 =	por !p0, !p0  }
0x30c: {  	[sflag:s18] =	ssyncadd.s32 @p1 $0xFFFF3C00;
	s18 =	simm.s32 @p2 $0x0;
	s19 =	simm.s32 @p2 $0xC380  }
0x30d: {  	[hbm4b:s20+s18] =	stream.linear.scatter @p2 [tilespmem:s19], [sflag:$0x3], $0xC400, $0x38;
	[tilespmem:$0x1FF80] =	vst v63  }
0x30e: {  	p1 =	por !p4, !p5;
	s18 =	simm.s32 @p2 $0x3  }
0x30f: {  	p0 =	por !p1, !p1;
	_ =	swait.ge @p2 [sflag:s18], $0xC400  }
0x310: {  	s19 =	simm.s32 @p0 $0xC380;
	[sflag:s18] =	ssyncset.done @p2 $0x0  }
0x311: {  	s20 =	rddreg [dreg:$0x12];
	[sflag:s18] =	ssyncadd.s32 @p2 $0xFFFF3C00;
	s18 =	simm.s32 @p0 $0x0  }
0x312: {  	[hbm4b:s20+s18] =	stream.linear.scatter @p0 [tilespmem:s19], [sflag:$0x3], $0xC400, $0x38;
	[tilespmem:$0x1FF80] =	vst v63  }
0x313: {  	s18 =	simm.s32 @p0 $0x3  }
0x314: {  	_ =	swait.ge @p0 [sflag:s18], $0xC400  }
0x315: {  	s25 =	sld [smem:$0x7D8];
	_ =	sdelay $0x2  }
0x316: {  	p3 =	seq.s32 s25, $0x1  }
0x317: {  	p1 =	por !p3, !p5  }
0x318: {  	[sflag:s18] =	ssyncset.done @p0 $0x0;
	s20 =	rddreg [dreg:$0x13];
	p1 =	por !p1, !p1  }
0x319: {  	[sflag:s18] =	ssyncadd.s32 @p0 $0xFFFF3C00;
	s18 =	simm.s32 @p1 $0x0;
	s19 =	simm.s32 @p1 $0xC380  }
0x31a: {  	[hbm4b:s20+s18] =	stream.linear.scatter @p1 [tilespmem:s19], [sflag:$0x3], $0xC400, $0x38;
	[tilespmem:$0x1FF80] =	vst v63  }
0x31b: {  	s18 =	simm.s32 @p1 $0x3  }
0x31c: {  	_ =	swait.ge @p1 [sflag:s18], $0xC400  }
0x31d: {  	s26 =	sld [smem:$0x7DA];
	_ =	sdelay $0x2  }
0x31e: {  	p4 =	seq.s32 s26, $0x1  }
0x31f: {  	p0 =	por !p4, !p5  }
0x320: {  	[sflag:s18] =	ssyncset.done @p1 $0x0;
	s20 =	rddreg [dreg:$0x14];
	p0 =	por !p0, !p0  }
0x321: {  	[sflag:s18] =	ssyncadd.s32 @p1 $0xFFFF3C00;
	s18 =	simm.s32 @p0 $0x0;
	s19 =	simm.s32 @p0 $0xC380  }
0x322: {  	[hbm4b:s20+s18] =	stream.linear.scatter @p0 [tilespmem:s19], [sflag:$0x3], $0xC400, $0x38;
	[tilespmem:$0x1FF80] =	vst v63  }
0x323: {  	s18 =	simm.s32 @p0 $0x3  }
0x324: {  	_ =	swait.ge @p0 [sflag:s18], $0xC400  }
0x325: {  	s20 =	sld [smem:$0x7D7];
	_ =	sdelay $0x2  }
0x326: {  	p2 =	seq.s32 s20, $0x1  }
0x327: {  	[sflag:s18] =	ssyncset.done @p0 $0x0;
	p1 =	por !p2, !p5  }
0x328: {  	[sflag:s18] =	ssyncadd.s32 @p0 $0xFFFF3C00;
	p1 =	por !p1, !p1  }
0x329: {  	s20 =	rddreg [dreg:$0x15];
	s18 =	simm.s32 @p1 $0x0;
	s19 =	simm.s32 @p1 $0xC380  }
0x32a: {  	[hbm4b:s20+s18] =	stream.linear.scatter @p1 [tilespmem:s19], [sflag:$0x3], $0xC400, $0x38;
	[tilespmem:$0x1FF80] =	vst v63  }
0x32b: {  	s18 =	simm.s32 @p1 $0x3  }
0x32c: {  	_ =	swait.ge @p1 [sflag:s18], $0xC400  }
0x32d: {  	s21 =	sld [smem:$0x7DB];
	_ =	sdelay $0x2  }
0x32e: {  	p3 =	seq.s32 s21, $0x1  }
0x32f: {  	p0 =	por !p3, !p5  }
0x330: {  	[sflag:s18] =	ssyncset.done @p1 $0x0;
	s20 =	rddreg [dreg:$0x16];
	p0 =	por !p0, !p0  }
0x331: {  	[sflag:s18] =	ssyncadd.s32 @p1 $0xFFFF3C00;
	s18 =	simm.s32 @p0 $0x0;
	s19 =	simm.s32 @p0 $0xC380  }
0x332: {  	[hbm4b:s20+s18] =	stream.linear.scatter @p0 [tilespmem:s19], [sflag:$0x3], $0xC400, $0x38;
	[tilespmem:$0x1FF80] =	vst v63  }
0x333: {  	s18 =	simm.s32 @p0 $0x3  }
0x334: {  	_ =	swait.ge @p0 [sflag:s18], $0xC400  }
0x335: {  	s22 =	sld [smem:$0x7D6];
	_ =	sdelay $0x2  }
0x336: {  	p4 =	seq.s32 s22, $0x1  }
0x337: {  	p1 =	por !p4, !p5  }
0x338: {  	[sflag:s18] =	ssyncset.done @p0 $0x0;
	s20 =	rddreg [dreg:$0x17];
	p1 =	por !p1, !p1  }
0x339: {  	[sflag:s18] =	ssyncadd.s32 @p0 $0xFFFF3C00;
	s18 =	simm.s32 @p1 $0x0;
	s19 =	simm.s32 @p1 $0xC380  }
0x33a: {  	[hbm4b:s20+s18] =	stream.linear.scatter @p1 [tilespmem:s19], [sflag:$0x3], $0xC400, $0x38;
	[tilespmem:$0x1FF80] =	vst v63  }
0x33b: {  	s18 =	simm.s32 @p1 $0x3  }
0x33c: {  	_ =	swait.ge @p1 [sflag:s18], $0xC400  }
0x33d: {  	s23 =	sld [smem:$0x7DC];
	_ =	sdelay $0x2  }
0x33e: {  	p2 =	seq.s32 s23, $0x1  }
0x33f: {  	p0 =	por !p2, !p5  }
0x340: {  	[sflag:s18] =	ssyncset.done @p1 $0x0;
	s20 =	rddreg [dreg:$0x18];
	p0 =	por !p0, !p0  }
0x341: {  	[sflag:s18] =	ssyncadd.s32 @p1 $0xFFFF3C00;
	s18 =	simm.s32 @p0 $0x0;
	s19 =	simm.s32 @p0 $0xC380  }
0x342: {  	[hbm4b:s20+s18] =	stream.linear.scatter @p0 [tilespmem:s19], [sflag:$0x3], $0xC400, $0x38;
	[tilespmem:$0x1FF80] =	vst v63  }
0x343: {  	s18 =	simm.s32 @p0 $0x3  }
0x344: {  	_ =	swait.ge @p0 [sflag:s18], $0xC400  }
0x345: {  	s24 =	sld [smem:$0x7D5];
	_ =	sdelay $0x2  }
0x346: {  	p3 =	seq.s32 s24, $0x1  }
0x347: {  	p1 =	por !p3, !p5  }
0x348: {  	[sflag:s18] =	ssyncset.done @p0 $0x0;
	s20 =	rddreg [dreg:$0x19];
	p1 =	por !p1, !p1  }
0x349: {  	[sflag:s18] =	ssyncadd.s32 @p0 $0xFFFF3C00;
	s18 =	simm.s32 @p1 $0x0;
	s19 =	simm.s32 @p1 $0xC380  }
0x34a: {  	[hbm4b:s20+s18] =	stream.linear.scatter @p1 [tilespmem:s19], [sflag:$0x3], $0xC400, $0x38;
	[tilespmem:$0x1FF80] =	vst v63  }
0x34b: {  	p4 =	por !p6, !p5;
	s18 =	simm.s32 @p1 $0x3  }
0x34c: {  	p0 =	por !p4, !p4;
	_ =	swait.ge @p1 [sflag:s18], $0xC400  }
0x34d: {  	s19 =	simm.s32 @p0 $0xC380;
	[sflag:s18] =	ssyncset.done @p1 $0x0  }
0x34e: {  	s20 =	rddreg [dreg:$0x1a];
	[sflag:s18] =	ssyncadd.s32 @p1 $0xFFFF3C00;
	s18 =	simm.s32 @p0 $0x0  }
0x34f: {  	[hbm4b:s20+s18] =	stream.linear.scatter @p0 [tilespmem:s19], [sflag:$0x3], $0xC400, $0x38;
	[tilespmem:$0x1FF80] =	vst v63  }
0x350: {  	s18 =	simm.s32 @p0 $0x3  }
0x351: {  	_ =	swait.ge @p0 [sflag:s18], $0xC400  }
0x352: {  	s25 =	sld [smem:$0x7D4];
	_ =	sdelay $0x2  }
0x353: {  	p6 =	seq.s32 s25, $0x1  }
0x354: {  	p1 =	por !p6, !p5  }
0x355: {  	p1 =	por !p1, !p1  }
.Ltmp20:
0x356: {  	_ = 	snop;
	(pc) =	sbr.rel @!p1 .LBB2_27-.Ltmp20, $4  }
.Ltmp21:
0x357: {  	s26 =	sld [smem:$0x7DD];
	(pc) =	sbr.rel @p1 .LBB2_26-.Ltmp21, $4  }
0x358: {  	_ = 	snop  }
0x359: {  	[sflag:s18] =	ssyncset.done @p0 $0x0  }
0x35a: {  	[sflag:s18] =	ssyncadd.s32 @p0 $0xFFFF3C00;
	s18 =	smov.u32 s28;
	p2 =	seq.s32 s26, $0x1  }
0x35b: {  	_ = 	snop  }
.LBB2_22:
0x35c: {  	s19 =	sld [smem:$0x7F8];
	_ =	sdelay $0x2  }
0x35d: {  	p0 =	seq.s32 s19, $0x1  }
.Ltmp22:
0x35e: {  	_ = 	snop;
	(pc) =	sbr.rel @!p0 .LBB2_23-.Ltmp22, $2  }
0x35f: {  	_ =	sdelay $0x2  }
0x360: {  	p2 =	por $0x1, $0x1;
	s18 =	rddreg [dreg:$0xc]  }
.LBB2_26:
0x361: {  	[hbm4b:s18+s8] =	stream.linear.scatter [tilespmem:s15], [sflag:$0x3], $0xC400, $0x38;
	[tilespmem:$0x1FF80] =	vst v63  }
0x362: {  	_ =	swait.ge [sflag:s16], $0xC400  }
0x363: {  	[sflag:s16] =	ssyncset.done $0x0  }
0x364: {  	[sflag:s16] =	ssyncadd.s32 $0xFFFF3C00  }
.LBB2_27:
0x365: {  	p0 =	por !p2, !p5  }
0x366: {  	p0 =	por !p0, !p0  }
.Ltmp23:
0x367: {  	_ = 	snop;
	(pc) =	sbr.rel @!p0 .LBB2_29-.Ltmp23, $4  }
.Ltmp24:
0x368: {  	_ = 	snop;
	(pc) =	sbr.rel @p0 .LBB2_28-.Ltmp24, $4  }
0x369: {  	_ = 	snop  }
0x36a: {  	_ = 	snop  }
0x36b: {  	s18 =	smov.u32 s29  }
0x36c: {  	_ = 	snop  }
.LBB2_23:
0x36d: {  	s18 =	sld [smem:$0x7F6]  }
0x36e: {  	s22 =	sld [smem:$0x7F1]  }
0x36f: {  	s23 =	sld [smem:$0x7ED]  }
0x370: {  	s24 =	sld [smem:$0x7EA]  }
0x371: {  	s25 =	sld [smem:$0x7E5];
	p0 =	seq.s32 s18, $0x1  }
0x372: {  	s26 =	sld [smem:$0x7E1];
	s18 =	simm.s32 @!p0 $0x0  }
0x373: {  	s19 =	sld [smem:$0x7DE];
	s18 =	simm.s32 @p0 $0x1;
	p0 =	seq.s32 s22, $0x1  }
0x374: {  	[smem:$0x7D4] =	sst s18;
	s18 =	simm.s32 @!p0 $0x0  }
0x375: {  	s20 =	sld [smem:$0x7DF];
	s18 =	simm.s32 @p0 $0x1;
	p0 =	seq.s32 s23, $0x1  }
0x376: {  	p3 =	seq.s32 s19, $0x1;
	[smem:$0x7D5] =	sst s18;
	s18 =	simm.s32 @!p0 $0x0  }
0x377: {  	s19 =	sld [smem:$0x7F9];
	s18 =	simm.s32 @p0 $0x1;
	p0 =	seq.s32 s24, $0x1  }
0x378: {  	[smem:$0x7D6] =	sst s18;
	s18 =	simm.s32 @!p0 $0x0  }
0x379: {  	s22 =	sld [smem:$0x7E7];
	s18 =	simm.s32 @p0 $0x1;
	p0 =	seq.s32 s25, $0x1  }
0x37a: {  	[smem:$0x7D7] =	sst s18;
	s18 =	simm.s32 @!p0 $0x0  }
0x37b: {  	s23 =	sld [smem:$0x7EB];
	s18 =	simm.s32 @p0 $0x1;
	p0 =	seq.s32 s26, $0x1  }
0x37c: {  	[smem:$0x7D8] =	sst s18;
	s18 =	simm.s32 @!p0 $0x0  }
0x37d: {  	p1 =	seq.s32 s22, $0x1;
	s24 =	sld [smem:$0x7F0];
	s18 =	simm.s32 @p0 $0x1  }
0x37e: {  	[smem:$0x7D9] =	sst s18;
	s18 =	simm.s32 @!p1 $0x0  }
0x37f: {  	s26 =	sld [smem:$0x7F7];
	s18 =	simm.s32 @p1 $0x1;
	p1 =	seq.s32 s23, $0x1  }
0x380: {  	p2 =	seq.s32 s20, $0x1;
	[smem:$0x7DA] =	sst s18;
	s18 =	simm.s32 @!p1 $0x0  }
0x381: {  	s18 =	simm.s32 @p1 $0x1;
	p1 =	por p2, p2;
	p2 =	seq.s32 s24, $0x1  }
0x382: {  	[smem:$0x7DB] =	sst s18;
	s18 =	simm.s32 @!p2 $0x0  }
0x383: {  	s18 =	simm.s32 @p2 $0x1;
	p2 =	por p3, p3;
	p3 =	seq.s32 s26, $0x1  }
0x384: {  	[smem:$0x7DC] =	sst s18;
	s18 =	simm.s32 @!p3 $0x0  }
0x385: {  	s18 =	simm.s32 @p3 $0x1;
	p3 =	seq.s32 s19, $0x1  }
.Ltmp25:
0x386: {  	s21 =	sld [smem:$0x7E4];
	(pc) =	sbr.rel @p3 .LBB2_28-.Ltmp25, $4  }
.Ltmp26:
0x387: {  	s25 =	sld [smem:$0x7F3];
	(pc) =	sbr.rel @!p3 .LBB2_25-.Ltmp26, $4  }
0x388: {  	_ = 	snop  }
0x389: {  	[smem:$0x7DD] =	sst s18  }
0x38a: {  	p4 =	seq.s32 s21, $0x1;
	p6 =	seq.s32 s25, $0x1;
	s18 =	rddreg [dreg:$0xd]  }
0x38b: {  	_ = 	snop  }
.LBB2_30:
0x38c: {  	_ =	sfence.sel $0x180000  }
0x38d: {  	[bflag:$0x0] =	sbarrier.arrive $0xFFFF  }
0x38e: {  	_ =	strace $0x90000047  }
0x38f: {  	[bflag:$0x2] =	sbarrier.arrive $0xFFFF  }
0x390: {  	p0 =	sne.s32 s9, $0x0;
	s0 =	rddreg [dreg:$0xa]  }
0x391: {  	s0 =	sadd.s32 @!p0 $0x100000, s0  }
0x392: {  	[sflag:s0] =	ssyncadd.tile.s32 @!p0 $0x1;
	_ =	shalt  }
.Lfunc_end2:
_tile_overlayer_lowered:
.L_overlay_start_2:
0x393: {  	(tag) =	ssettag $0x2  }
0x394: {  	s0 =	rddreg [dreg:$0x0];
	s2 =	stileid.u32  }
0x395: {  	s1 =	rddreg [dreg:$0x1];
	p0 =	sne.s32 s2, $0x0  }
0x396: {  	s3 =	rddreg [dreg:$0x2];
	[bflag:$0x3] =	sbarrier.arrive $0xFFFF;
	s2 =	simm.s32 @!p0 $0x1C03  }
0x397: {  	[timem:s3], [sflag:s2] =	dma.local @!p0 [hbm:s0], s1  }
0x398: {  	s0 =	simm.s32 @!p0 $0x3  }
0x399: {  	_ =	swait.ge @!p0 [sflag:s0], s1  }
0x39a: {  	s1 =	ssub.s32 @!p0 $0x0, s1;
	[sflag:s0] =	ssyncset.done @!p0 $0x0  }
0x39b: {  	[sflag:s0] =	ssyncadd.s32 @!p0 s1  }
0x39c: {  	[bflag:$0x3] =	sbarrier.arrive $0xFFFF  }
0x39d: {  	_ =	shalt  }

</sc_bundles>
